<compile_context>
chip_gen: v7x
topology: tpu7x:2x2x1
jax: 0.10.2.dev20260603
libtpu: 0.0.44.dev20260713+nightly
codegen_flags: <defaults>
</compile_context>

<pallas_src>
import jax
import jax.numpy as jnp
from jax import lax
from jax.experimental import pallas as pl
from jax.experimental.pallas import tpu as pltpu
from jax.experimental.pallas import tpu_sc as plsc

N_NODES = 10000
D = 128
N_EDGES = 320000

NC = 2
NS = 16
NW = NC * NS

CH = 128
NITER = 80
NCH_TOT = NW * NITER
E_PAD = NCH_TOT * CH
NB = 2
NPH = 2
PH = NITER // NPH

RPT = 632
NPAD = NS * RPT
DEG_E = PH * CH
DSTAGE = 1280

_f32 = jnp.float32
_mesh = plsc.VectorSubcoreMesh(core_axis_name="c", subcore_axis_name="s")


def _make_sc_agg(compute_deg: bool):
    out_type = [jax.ShapeDtypeStruct((NC, NPAD, D), _f32)]
    if compute_deg:
        out_type.append(jax.ShapeDtypeStruct((NC * NPAD,), _f32))

    scratch = [
        pltpu.VMEM((PH, CH), jnp.int32),
        pltpu.VMEM((PH, CH), jnp.int32),
        pltpu.VMEM((NB, CH, D), _f32),
        pltpu.VMEM_SHARED((NPAD, D), _f32),
    ] + [pltpu.SemaphoreType.DMA] * (2 * NB)
    if compute_deg:
        scratch += [
            pltpu.VMEM((PH, CH), _f32),
            pltpu.VMEM((DSTAGE,), _f32),
            pltpu.VMEM_SHARED((NPAD,), _f32),
            pltpu.SemaphoreType.DMA,
        ]

    def body(x_hbm, src_hbm, dst_hbm, z2d_hbm, z1d_hbm, *rest):
        if compute_deg:
            o2d_hbm = rest[0]
            (agg_out, deg_out, src_v, dst_v, rows_v, agg_sh,
             *sems) = rest[1:7 + 2 * NB]
            ones_v, deg_v, deg_sh, dsem = rest[7 + 2 * NB:]
        else:
            (agg_out, src_v, dst_v, rows_v, agg_sh, *sems) = rest
        gsem = sems[:NB]
        ssem = sems[NB:2 * NB]

        cid = lax.axis_index("c")
        sid = lax.axis_index("s")
        wid = cid * NS + sid

        pltpu.sync_copy(z2d_hbm.at[pl.ds(sid * RPT, RPT)],
                        agg_sh.at[pl.ds(sid * RPT, RPT)])

        if compute_deg:
            pltpu.sync_copy(o2d_hbm, ones_v)

            @pl.when(sid == 0)
            def _():
                pltpu.sync_copy(z1d_hbm, deg_v)
                for t in range(NPAD // DSTAGE):
                    pltpu.sync_copy(deg_v,
                                    deg_sh.at[pl.ds(t * DSTAGE, DSTAGE)])
                rem = NPAD % DSTAGE
                pltpu.sync_copy(
                    deg_v.at[pl.ds(0, rem)],
                    deg_sh.at[pl.ds(NPAD - rem, rem)])

        plsc.subcore_barrier()

        def wait_bytes(sem, like):
            pltpu.make_async_copy(x_hbm.at[pl.ds(0, CH)], like, sem).wait()

        def wait_deg(sem):
            for _ in range(DEG_E // DSTAGE):
                pltpu.make_async_copy(z1d_hbm, deg_v, sem).wait()

        def step(i, b, refill):
            wait_bytes(gsem[b], rows_v.at[b])
            pltpu.async_copy(rows_v.at[b], agg_sh.at[dst_v.at[i]],
                             ssem[b], add=True)
            if compute_deg:
                pltpu.async_copy(ones_v.at[0], deg_sh.at[dst_v.at[i]],
                                 dsem, add=True)
            if refill:
                wait_bytes(ssem[b], rows_v.at[b])
                pltpu.async_copy(x_hbm.at[src_v.at[i + NB]],
                                 rows_v.at[b], gsem[b])

        for ph in range(NPH):
            if ph > 0:
                for b in range(NB):
                    wait_bytes(ssem[b], rows_v.at[b])
                if compute_deg:
                    wait_deg(dsem)

            base = wid * NITER + ph * PH
            pltpu.sync_copy(src_hbm.at[pl.ds(base, PH)], src_v)
            pltpu.sync_copy(dst_hbm.at[pl.ds(base, PH)], dst_v)

            for b in range(NB):
                pltpu.async_copy(x_hbm.at[src_v.at[b]], rows_v.at[b],
                                 gsem[b])

            def group_body(p, carry):
                i0 = p * NB
                for b in range(NB):
                    step(i0 + b, b, refill=True)
                return carry

            lax.fori_loop(0, PH // NB - 1, group_body, 0)
            for b in range(NB):
                step(PH - NB + b, b, refill=False)

        for b in range(NB):
            wait_bytes(ssem[b], rows_v.at[b])
        if compute_deg:
            wait_deg(dsem)

        plsc.subcore_barrier()

        pltpu.sync_copy(agg_sh.at[pl.ds(sid * RPT, RPT)],
                        agg_out.at[cid, pl.ds(sid * RPT, RPT)])
        if compute_deg:
            @pl.when(sid == 0)
            def _():
                for t in range(NPAD // DSTAGE):
                    pltpu.sync_copy(deg_sh.at[pl.ds(t * DSTAGE, DSTAGE)],
                                    deg_v)
                    pltpu.sync_copy(
                        deg_v,
                        deg_out.at[pl.ds(cid * NPAD + t * DSTAGE, DSTAGE)])
                rem = NPAD % DSTAGE
                pltpu.sync_copy(deg_sh.at[pl.ds(NPAD - rem, rem)],
                                deg_v.at[pl.ds(0, rem)])
                pltpu.sync_copy(
                    deg_v.at[pl.ds(0, rem)],
                    deg_out.at[pl.ds(cid * NPAD + NPAD - rem, rem)])

    return pl.kernel(
        body, mesh=_mesh, out_type=tuple(out_type), scratch_types=scratch)


_sc_agg_deg = _make_sc_agg(True)
_sc_agg = _make_sc_agg(False)


BLK = 1000


def _dot_t(a, w):
    return lax.dot_general(a, w, (((1,), (1,)), ((), ())),
                           preferred_element_type=_f32)


def _tc_self(x_ref, w_ref, b_ref, out_ref):
    out_ref[...] = _dot_t(x_ref[...], w_ref[...]) + b_ref[...]


def _tc_agg1(aggp_ref, d0_ref, d1_ref, wl_ref, self_ref, h_ref, inv_ref):
    inv = 1.0 / jnp.maximum(d0_ref[...] + d1_ref[...], 1.0)
    agg = (aggp_ref[0] + aggp_ref[1]) * inv
    h_ref[...] = jnp.maximum(_dot_t(agg, wl_ref[...]) + self_ref[...], 0.0)
    inv_ref[...] = inv


def _tc_agg2(aggp_ref, inv_ref, wl_ref, self_ref, out_ref):
    agg = (aggp_ref[0] + aggp_ref[1]) * inv_ref[...]
    out_ref[...] = _dot_t(agg, wl_ref[...]) + self_ref[...]


_w_spec = pl.BlockSpec((D, D), lambda i: (0, 0))
_b_spec = pl.BlockSpec((1, D), lambda i: (0, 0))
_aggp_spec = pl.BlockSpec((NC, BLK, D), lambda i: (0, i, 0))
_row_spec = pl.BlockSpec((BLK, D), lambda i: (i, 0))
_col_spec = pl.BlockSpec((BLK, 1), lambda i: (i, 0))
_grid = (N_NODES // BLK,)
_row_shape = jax.ShapeDtypeStruct((N_NODES, D), _f32)
_col_shape = jax.ShapeDtypeStruct((N_NODES, 1), _f32)


def _tc_self_call(x, w, b):
    return pl.pallas_call(
        _tc_self, grid=_grid,
        in_specs=[_row_spec, _w_spec, _b_spec],
        out_specs=_row_spec, out_shape=_row_shape,
    )(x, w, b)


def _tc_agg1_call(aggp, d0, d1, wl, selfterm):
    return pl.pallas_call(
        _tc_agg1, grid=_grid,
        in_specs=[_aggp_spec, _col_spec, _col_spec, _w_spec, _row_spec],
        out_specs=[_row_spec, _col_spec],
        out_shape=[_row_shape, _col_shape],
    )(aggp, d0, d1, wl, selfterm)


def _tc_agg2_call(aggp, inv, wl, selfterm):
    return pl.pallas_call(
        _tc_agg2, grid=_grid,
        in_specs=[_aggp_spec, _col_spec, _w_spec, _row_spec],
        out_specs=_row_spec, out_shape=_row_shape,
    )(aggp, inv, wl, selfterm)


@jax.jit
def kernel(x, edge_index, W1_l, b1_l, W1_r, W2_l, b2_l, W2_r):
    x = x.astype(_f32)
    src = edge_index[0].astype(jnp.int32)
    dst = edge_index[1].astype(jnp.int32)

    n_pad = E_PAD - N_EDGES
    pad_ar = jnp.arange(n_pad, dtype=jnp.int32)
    src_pad = (pad_ar * 131) % N_NODES
    dst_pad = N_NODES + pad_ar % (NPAD - N_NODES)
    src2d = jnp.concatenate([src, src_pad]).reshape(NCH_TOT, CH)
    dst2d = jnp.concatenate([dst, dst_pad]).reshape(NCH_TOT, CH)

    z2d = jnp.zeros((NPAD, D), _f32)
    z1d = jnp.zeros((DSTAGE,), _f32)
    o2d = jnp.ones((PH, CH), _f32)

    aggp1, deg_flat = _sc_agg_deg(x, src2d, dst2d, z2d, z1d, o2d)
    d0 = deg_flat[:N_NODES].reshape(N_NODES, 1)
    d1 = deg_flat[NPAD:NPAD + N_NODES].reshape(N_NODES, 1)

    self1 = _tc_self_call(x, W1_r, b1_l.reshape(1, D))
    h, inv = _tc_agg1_call(aggp1, d0, d1, W1_l, self1)

    (aggp2,) = _sc_agg(h, src2d, dst2d, z2d, z1d)
    self2 = _tc_self_call(h, W2_r, b2_l.reshape(1, D))
    out = _tc_agg2_call(aggp2, inv, W2_l, self2)
    return out

# --- scband reference (transcript-rebuilt; emitter-appended) ---
"""Pipeline reference for scband-gnn-12876311953572 (READ-ONLY COPY).

The authoritative reference and input builder live on the scoring server;
editing this copy changes nothing except your own understanding.
"""

import jax, jax.numpy as jnp
import numpy as np

N_NODES = 10000
N_EDGES = 320000
D = 128


def setup_inputs(seed: int = 0) -> dict:
    key = jax.random.key(seed)
    ks = jax.random.split(key, 8)
    x = jax.random.normal(ks[0], (N_NODES, D), dtype=jnp.float32)
    edge_index = jax.random.randint(ks[1], (2, N_EDGES), 0, N_NODES, dtype=jnp.int64)
    s = 1.0 / np.sqrt(D)
    W1_l = jax.random.uniform(ks[2], (D, D), dtype=jnp.float32, minval=-s, maxval=s)
    b1_l = jnp.zeros((D,), dtype=jnp.float32)
    W1_r = jax.random.uniform(ks[3], (D, D), dtype=jnp.float32, minval=-s, maxval=s)
    W2_l = jax.random.uniform(ks[4], (D, D), dtype=jnp.float32, minval=-s, maxval=s)
    b2_l = jnp.zeros((D,), dtype=jnp.float32)
    W2_r = jax.random.uniform(ks[5], (D, D), dtype=jnp.float32, minval=-s, maxval=s)
    return {"x": x, "edge_index": edge_index, "W1_l": W1_l, "b1_l": b1_l, "W1_r": W1_r,
            "W2_l": W2_l, "b2_l": b2_l, "W2_r": W2_r}


def _sage_conv(x, edge_index, W_l, b_l, W_r):
    # PyG SAGEConv (mean aggr): out = lin_l(mean_{j->i} x_j) + lin_r(x_i)
    src = edge_index[0]
    dst = edge_index[1]
    n = x.shape[0]
    msgs = jnp.take(x, src, axis=0)                       # gather (SparseCore)
    agg = jax.ops.segment_sum(msgs, dst, num_segments=n)  # scatter-add
    deg = jax.ops.segment_sum(jnp.ones((src.shape[0],), dtype=x.dtype), dst, num_segments=n)
    agg = agg / jnp.clip(deg, 1.0, None)[:, None]          # mean aggregation
    return agg @ W_l.T + b_l + x @ W_r.T


def reference(x, edge_index, W1_l, b1_l, W1_r, W2_l, b2_l, W2_r):
    h = jax.nn.relu(_sage_conv(x, edge_index, W1_l, b1_l, W1_r))
    out = _sage_conv(h, edge_index, W2_l, b2_l, W2_r)
    return out

if __name__ == "__main__":
    import jax
    _d = setup_inputs()
    print(jax.jit(kernel)(*tuple(_d.values())))

</pallas_src>

<mosaic_0001>
#map = affine_map<(d0, d1) -> (0, 0)>
#map1 = affine_map<(d0, d1) -> (0)>
#map2 = affine_map<(d0, d1) -> (0, 0, 0)>
module attributes {stable_mosaic.version = 14 : i64} {
  func.func @body(%arg0: i32, %arg1: i32, %arg2: memref<10000x128xf32, #tpu.memory_space<hbm>>, %arg3: memref<2560x128xi32, #tpu.memory_space<hbm>>, %arg4: memref<2560x128xi32, #tpu.memory_space<hbm>>, %arg5: memref<10112x128xf32, #tpu.memory_space<hbm>>, %arg6: memref<1280xf32, #tpu.memory_space<hbm>>, %arg7: memref<40x128xf32, #tpu.memory_space<hbm>>, %arg8: memref<2x10112x128xf32, #tpu.memory_space<hbm>>, %arg9: memref<20224xf32, #tpu.memory_space<hbm>>, %arg10: memref<40x128xi32, #tpu.memory_space<vmem>>, %arg11: memref<40x128xi32, #tpu.memory_space<vmem>>, %arg12: memref<2x128x128xf32, #tpu.memory_space<vmem>>, %arg13: memref<10112x128xf32, #tpu.memory_space<vmem_shared>>, %arg14: memref<!tpu.dma_semaphore, #tpu.memory_space<semaphore_mem>>, %arg15: memref<!tpu.dma_semaphore, #tpu.memory_space<semaphore_mem>>, %arg16: memref<!tpu.dma_semaphore, #tpu.memory_space<semaphore_mem>>, %arg17: memref<!tpu.dma_semaphore, #tpu.memory_space<semaphore_mem>>, %arg18: memref<40x128xf32, #tpu.memory_space<vmem>>, %arg19: memref<1280xf32, #tpu.memory_space<vmem>>, %arg20: memref<10112xf32, #tpu.memory_space<vmem_shared>>, %arg21: memref<!tpu.dma_semaphore, #tpu.memory_space<semaphore_mem>>) attributes {dimension_semantics = [#tpu.dimension_semantics<core_parallel>, #tpu.dimension_semantics<subcore_parallel>], iteration_bounds = array<i64: 2, 16>, scalar_prefetch = 0 : i64, scratch_operands = 12 : i64, tpu.core_type = #tpu.core_type<sc_vector_subcore>, window_params = [{transform_indices = #map}, {transform_indices = #map}, {transform_indices = #map}, {transform_indices = #map}, {transform_indices = #map1}, {transform_indices = #map}, {transform_indices = #map2}, {transform_indices = #map1}]} {
    %mul3A = arith.constant 16 : i32
    %mul3A_0 = arith.muli %arg0, %mul3A : i32
    %add3A = arith.addi %mul3A_0, %arg1 : i32
    %mul3A_1 = arith.constant 632 : i32
    %mul3A_2 = arith.muli %arg1, %mul3A_1 : i32
    %mul3A_3 = arith.constant 632 : i32
    %mul3A_4 = arith.muli %arg1, %mul3A_3 : i32
    "tpu.region"() ({
      %run_scoped3A = tpu.sem_alloc : memref<!tpu.dma_semaphore, #tpu.memory_space<semaphore_mem>>
      %dma_start3A_290 = arith.constant 0 : i32
      %dma_start3A_291 = tpu.memref_slice %arg13[%mul3A_4, %dma_start3A_290] : memref<10112x128xf32, #tpu.memory_space<vmem_shared>> -> memref<632x128xf32, #tpu.memory_space<vmem_shared>>
      %dma_start3A_292 = arith.constant 0 : i32
      %dma_start3A_293 = tpu.memref_slice %arg5[%mul3A_2, %dma_start3A_292] : memref<10112x128xf32, #tpu.memory_space<hbm>> -> memref<632x128xf32, #tpu.memory_space<hbm>>
      tpu.enqueue_dma source(%dma_start3A_293 : memref<632x128xf32, #tpu.memory_space<hbm>>) target(%dma_start3A_291 : memref<632x128xf32, #tpu.memory_space<vmem_shared>>) target_semaphore(%run_scoped3A : memref<!tpu.dma_semaphore, #tpu.memory_space<semaphore_mem>>)
      %dma_wait3A_294 = arith.constant 0 : i32
      %dma_wait3A_295 = tpu.memref_slice %arg13[%mul3A_4, %dma_wait3A_294] : memref<10112x128xf32, #tpu.memory_space<vmem_shared>> -> memref<632x128xf32, #tpu.memory_space<vmem_shared>>
      %dma_wait3A_296 = arith.constant 0 : i32
      %dma_wait3A_297 = tpu.memref_slice %arg5[%mul3A_2, %dma_wait3A_296] : memref<10112x128xf32, #tpu.memory_space<hbm>> -> memref<632x128xf32, #tpu.memory_space<hbm>>
      tpu.wait_dma2 semaphore(%run_scoped3A : memref<!tpu.dma_semaphore, #tpu.memory_space<semaphore_mem>>) src(%dma_wait3A_297 : memref<632x128xf32, #tpu.memory_space<hbm>>) dst(%dma_wait3A_295 : memref<632x128xf32, #tpu.memory_space<vmem_shared>>)
      tpu.yield
    }) : () -> ()
    "tpu.region"() ({
      %run_scoped3A = tpu.sem_alloc : memref<!tpu.dma_semaphore, #tpu.memory_space<semaphore_mem>>
      tpu.enqueue_dma source(%arg7 : memref<40x128xf32, #tpu.memory_space<hbm>>) target(%arg18 : memref<40x128xf32, #tpu.memory_space<vmem>>) target_semaphore(%run_scoped3A : memref<!tpu.dma_semaphore, #tpu.memory_space<semaphore_mem>>)
      tpu.wait_dma2 semaphore(%run_scoped3A : memref<!tpu.dma_semaphore, #tpu.memory_space<semaphore_mem>>) src(%arg7 : memref<40x128xf32, #tpu.memory_space<hbm>>) dst(%arg18 : memref<40x128xf32, #tpu.memory_space<vmem>>)
      tpu.yield
    }) : () -> ()
    %eq3A = arith.constant 0 : i32
    %eq3A_5 = arith.cmpi eq, %arg1, %eq3A : i32
    %convert_element_type3A = arith.extui %eq3A_5 : i1 to i32
    %cond3A = arith.constant 0 : i32
    %cond3A_6 = arith.cmpi ne, %convert_element_type3A, %cond3A : i32
    scf.if %cond3A_6 {
      "tpu.region"() ({
        %run_scoped3A = tpu.sem_alloc : memref<!tpu.dma_semaphore, #tpu.memory_space<semaphore_mem>>
        tpu.enqueue_dma source(%arg6 : memref<1280xf32, #tpu.memory_space<hbm>>) target(%arg19 : memref<1280xf32, #tpu.memory_space<vmem>>) target_semaphore(%run_scoped3A : memref<!tpu.dma_semaphore, #tpu.memory_space<semaphore_mem>>)
        tpu.wait_dma2 semaphore(%run_scoped3A : memref<!tpu.dma_semaphore, #tpu.memory_space<semaphore_mem>>) src(%arg6 : memref<1280xf32, #tpu.memory_space<hbm>>) dst(%arg19 : memref<1280xf32, #tpu.memory_space<vmem>>)
        tpu.yield
      }) : () -> ()
      "tpu.region"() ({
        %run_scoped3A = tpu.sem_alloc : memref<!tpu.dma_semaphore, #tpu.memory_space<semaphore_mem>>
        %dma_start3A_290 = arith.constant 0 : i32
        %dma_start3A_291 = tpu.memref_slice %arg20[%dma_start3A_290] : memref<10112xf32, #tpu.memory_space<vmem_shared>> -> memref<1280xf32, #tpu.memory_space<vmem_shared>>
        %dma_start3A_292 = arith.constant 0 : i32
        %dma_start3A_293 = tpu.memref_slice %arg20[%dma_start3A_292] : memref<10112xf32, #tpu.memory_space<vmem_shared>> -> memref<1280xf32, #tpu.memory_space<vmem_shared>>
        tpu.enqueue_dma source(%arg19 : memref<1280xf32, #tpu.memory_space<vmem>>) target(%dma_start3A_293 : memref<1280xf32, #tpu.memory_space<vmem_shared>>) target_semaphore(%run_scoped3A : memref<!tpu.dma_semaphore, #tpu.memory_space<semaphore_mem>>)
        %dma_wait3A_294 = arith.constant 0 : i32
        %dma_wait3A_295 = tpu.memref_slice %arg20[%dma_wait3A_294] : memref<10112xf32, #tpu.memory_space<vmem_shared>> -> memref<1280xf32, #tpu.memory_space<vmem_shared>>
        %dma_wait3A_296 = arith.constant 0 : i32
        %dma_wait3A_297 = tpu.memref_slice %arg20[%dma_wait3A_296] : memref<10112xf32, #tpu.memory_space<vmem_shared>> -> memref<1280xf32, #tpu.memory_space<vmem_shared>>
        tpu.wait_dma2 semaphore(%run_scoped3A : memref<!tpu.dma_semaphore, #tpu.memory_space<semaphore_mem>>) src(%arg19 : memref<1280xf32, #tpu.memory_space<vmem>>) dst(%dma_wait3A_297 : memref<1280xf32, #tpu.memory_space<vmem_shared>>)
        tpu.yield
      }) : () -> ()
      "tpu.region"() ({
        %run_scoped3A = tpu.sem_alloc : memref<!tpu.dma_semaphore, #tpu.memory_space<semaphore_mem>>
        %dma_start3A_290 = arith.constant 1280 : i32
        %dma_start3A_291 = tpu.memref_slice %arg20[%dma_start3A_290] : memref<10112xf32, #tpu.memory_space<vmem_shared>> -> memref<1280xf32, #tpu.memory_space<vmem_shared>>
        %dma_start3A_292 = arith.constant 1280 : i32
        %dma_start3A_293 = tpu.memref_slice %arg20[%dma_start3A_292] : memref<10112xf32, #tpu.memory_space<vmem_shared>> -> memref<1280xf32, #tpu.memory_space<vmem_shared>>
        tpu.enqueue_dma source(%arg19 : memref<1280xf32, #tpu.memory_space<vmem>>) target(%dma_start3A_293 : memref<1280xf32, #tpu.memory_space<vmem_shared>>) target_semaphore(%run_scoped3A : memref<!tpu.dma_semaphore, #tpu.memory_space<semaphore_mem>>)
        %dma_wait3A_294 = arith.constant 1280 : i32
        %dma_wait3A_295 = tpu.memref_slice %arg20[%dma_wait3A_294] : memref<10112xf32, #tpu.memory_space<vmem_shared>> -> memref<1280xf32, #tpu.memory_space<vmem_shared>>
        %dma_wait3A_296 = arith.constant 1280 : i32
        %dma_wait3A_297 = tpu.memref_slice %arg20[%dma_wait3A_296] : memref<10112xf32, #tpu.memory_space<vmem_shared>> -> memref<1280xf32, #tpu.memory_space<vmem_shared>>
        tpu.wait_dma2 semaphore(%run_scoped3A : memref<!tpu.dma_semaphore, #tpu.memory_space<semaphore_mem>>) src(%arg19 : memref<1280xf32, #tpu.memory_space<vmem>>) dst(%dma_wait3A_297 : memref<1280xf32, #tpu.memory_space<vmem_shared>>)
        tpu.yield
      }) : () -> ()
      "tpu.region"() ({
        %run_scoped3A = tpu.sem_alloc : memref<!tpu.dma_semaphore, #tpu.memory_space<semaphore_mem>>
        %dma_start3A_290 = arith.constant 2560 : i32
        %dma_start3A_291 = tpu.memref_slice %arg20[%dma_start3A_290] : memref<10112xf32, #tpu.memory_space<vmem_shared>> -> memref<1280xf32, #tpu.memory_space<vmem_shared>>
        %dma_start3A_292 = arith.constant 2560 : i32
        %dma_start3A_293 = tpu.memref_slice %arg20[%dma_start3A_292] : memref<10112xf32, #tpu.memory_space<vmem_shared>> -> memref<1280xf32, #tpu.memory_space<vmem_shared>>
        tpu.enqueue_dma source(%arg19 : memref<1280xf32, #tpu.memory_space<vmem>>) target(%dma_start3A_293 : memref<1280xf32, #tpu.memory_space<vmem_shared>>) target_semaphore(%run_scoped3A : memref<!tpu.dma_semaphore, #tpu.memory_space<semaphore_mem>>)
        %dma_wait3A_294 = arith.constant 2560 : i32
        %dma_wait3A_295 = tpu.memref_slice %arg20[%dma_wait3A_294] : memref<10112xf32, #tpu.memory_space<vmem_shared>> -> memref<1280xf32, #tpu.memory_space<vmem_shared>>
        %dma_wait3A_296 = arith.constant 2560 : i32
        %dma_wait3A_297 = tpu.memref_slice %arg20[%dma_wait3A_296] : memref<10112xf32, #tpu.memory_space<vmem_shared>> -> memref<1280xf32, #tpu.memory_space<vmem_shared>>
        tpu.wait_dma2 semaphore(%run_scoped3A : memref<!tpu.dma_semaphore, #tpu.memory_space<semaphore_mem>>) src(%arg19 : memref<1280xf32, #tpu.memory_space<vmem>>) dst(%dma_wait3A_297 : memref<1280xf32, #tpu.memory_space<vmem_shared>>)
        tpu.yield
      }) : () -> ()
      "tpu.region"() ({
        %run_scoped3A = tpu.sem_alloc : memref<!tpu.dma_semaphore, #tpu.memory_space<semaphore_mem>>
        %dma_start3A_290 = arith.constant 3840 : i32
        %dma_start3A_291 = tpu.memref_slice %arg20[%dma_start3A_290] : memref<10112xf32, #tpu.memory_space<vmem_shared>> -> memref<1280xf32, #tpu.memory_space<vmem_shared>>
        %dma_start3A_292 = arith.constant 3840 : i32
        %dma_start3A_293 = tpu.memref_slice %arg20[%dma_start3A_292] : memref<10112xf32, #tpu.memory_space<vmem_shared>> -> memref<1280xf32, #tpu.memory_space<vmem_shared>>
        tpu.enqueue_dma source(%arg19 : memref<1280xf32, #tpu.memory_space<vmem>>) target(%dma_start3A_293 : memref<1280xf32, #tpu.memory_space<vmem_shared>>) target_semaphore(%run_scoped3A : memref<!tpu.dma_semaphore, #tpu.memory_space<semaphore_mem>>)
        %dma_wait3A_294 = arith.constant 3840 : i32
        %dma_wait3A_295 = tpu.memref_slice %arg20[%dma_wait3A_294] : memref<10112xf32, #tpu.memory_space<vmem_shared>> -> memref<1280xf32, #tpu.memory_space<vmem_shared>>
        %dma_wait3A_296 = arith.constant 3840 : i32
        %dma_wait3A_297 = tpu.memref_slice %arg20[%dma_wait3A_296] : memref<10112xf32, #tpu.memory_space<vmem_shared>> -> memref<1280xf32, #tpu.memory_space<vmem_shared>>
        tpu.wait_dma2 semaphore(%run_scoped3A : memref<!tpu.dma_semaphore, #tpu.memory_space<semaphore_mem>>) src(%arg19 : memref<1280xf32, #tpu.memory_space<vmem>>) dst(%dma_wait3A_297 : memref<1280xf32, #tpu.memory_space<vmem_shared>>)
        tpu.yield
      }) : () -> ()
      "tpu.region"() ({
        %run_scoped3A = tpu.sem_alloc : memref<!tpu.dma_semaphore, #tpu.memory_space<semaphore_mem>>
        %dma_start3A_290 = arith.constant 5120 : i32
        %dma_start3A_291 = tpu.memref_slice %arg20[%dma_start3A_290] : memref<10112xf32, #tpu.memory_space<vmem_shared>> -> memref<1280xf32, #tpu.memory_space<vmem_shared>>
        %dma_start3A_292 = arith.constant 5120 : i32
        %dma_start3A_293 = tpu.memref_slice %arg20[%dma_start3A_292] : memref<10112xf32, #tpu.memory_space<vmem_shared>> -> memref<1280xf32, #tpu.memory_space<vmem_shared>>
        tpu.enqueue_dma source(%arg19 : memref<1280xf32, #tpu.memory_space<vmem>>) target(%dma_start3A_293 : memref<1280xf32, #tpu.memory_space<vmem_shared>>) target_semaphore(%run_scoped3A : memref<!tpu.dma_semaphore, #tpu.memory_space<semaphore_mem>>)
        %dma_wait3A_294 = arith.constant 5120 : i32
        %dma_wait3A_295 = tpu.memref_slice %arg20[%dma_wait3A_294] : memref<10112xf32, #tpu.memory_space<vmem_shared>> -> memref<1280xf32, #tpu.memory_space<vmem_shared>>
        %dma_wait3A_296 = arith.constant 5120 : i32
        %dma_wait3A_297 = tpu.memref_slice %arg20[%dma_wait3A_296] : memref<10112xf32, #tpu.memory_space<vmem_shared>> -> memref<1280xf32, #tpu.memory_space<vmem_shared>>
        tpu.wait_dma2 semaphore(%run_scoped3A : memref<!tpu.dma_semaphore, #tpu.memory_space<semaphore_mem>>) src(%arg19 : memref<1280xf32, #tpu.memory_space<vmem>>) dst(%dma_wait3A_297 : memref<1280xf32, #tpu.memory_space<vmem_shared>>)
        tpu.yield
      }) : () -> ()
      "tpu.region"() ({
        %run_scoped3A = tpu.sem_alloc : memref<!tpu.dma_semaphore, #tpu.memory_space<semaphore_mem>>
        %dma_start3A_290 = arith.constant 6400 : i32
        %dma_start3A_291 = tpu.memref_slice %arg20[%dma_start3A_290] : memref<10112xf32, #tpu.memory_space<vmem_shared>> -> memref<1280xf32, #tpu.memory_space<vmem_shared>>
        %dma_start3A_292 = arith.constant 6400 : i32
        %dma_start3A_293 = tpu.memref_slice %arg20[%dma_start3A_292] : memref<10112xf32, #tpu.memory_space<vmem_shared>> -> memref<1280xf32, #tpu.memory_space<vmem_shared>>
        tpu.enqueue_dma source(%arg19 : memref<1280xf32, #tpu.memory_space<vmem>>) target(%dma_start3A_293 : memref<1280xf32, #tpu.memory_space<vmem_shared>>) target_semaphore(%run_scoped3A : memref<!tpu.dma_semaphore, #tpu.memory_space<semaphore_mem>>)
        %dma_wait3A_294 = arith.constant 6400 : i32
        %dma_wait3A_295 = tpu.memref_slice %arg20[%dma_wait3A_294] : memref<10112xf32, #tpu.memory_space<vmem_shared>> -> memref<1280xf32, #tpu.memory_space<vmem_shared>>
        %dma_wait3A_296 = arith.constant 6400 : i32
        %dma_wait3A_297 = tpu.memref_slice %arg20[%dma_wait3A_296] : memref<10112xf32, #tpu.memory_space<vmem_shared>> -> memref<1280xf32, #tpu.memory_space<vmem_shared>>
        tpu.wait_dma2 semaphore(%run_scoped3A : memref<!tpu.dma_semaphore, #tpu.memory_space<semaphore_mem>>) src(%arg19 : memref<1280xf32, #tpu.memory_space<vmem>>) dst(%dma_wait3A_297 : memref<1280xf32, #tpu.memory_space<vmem_shared>>)
        tpu.yield
      }) : () -> ()
      "tpu.region"() ({
        %run_scoped3A = tpu.sem_alloc : memref<!tpu.dma_semaphore, #tpu.memory_space<semaphore_mem>>
        %dma_start3A_290 = arith.constant 7680 : i32
        %dma_start3A_291 = tpu.memref_slice %arg20[%dma_start3A_290] : memref<10112xf32, #tpu.memory_space<vmem_shared>> -> memref<1280xf32, #tpu.memory_space<vmem_shared>>
        %dma_start3A_292 = arith.constant 7680 : i32
        %dma_start3A_293 = tpu.memref_slice %arg20[%dma_start3A_292] : memref<10112xf32, #tpu.memory_space<vmem_shared>> -> memref<1280xf32, #tpu.memory_space<vmem_shared>>
        tpu.enqueue_dma source(%arg19 : memref<1280xf32, #tpu.memory_space<vmem>>) target(%dma_start3A_293 : memref<1280xf32, #tpu.memory_space<vmem_shared>>) target_semaphore(%run_scoped3A : memref<!tpu.dma_semaphore, #tpu.memory_space<semaphore_mem>>)
        %dma_wait3A_294 = arith.constant 7680 : i32
        %dma_wait3A_295 = tpu.memref_slice %arg20[%dma_wait3A_294] : memref<10112xf32, #tpu.memory_space<vmem_shared>> -> memref<1280xf32, #tpu.memory_space<vmem_shared>>
        %dma_wait3A_296 = arith.constant 7680 : i32
        %dma_wait3A_297 = tpu.memref_slice %arg20[%dma_wait3A_296] : memref<10112xf32, #tpu.memory_space<vmem_shared>> -> memref<1280xf32, #tpu.memory_space<vmem_shared>>
        tpu.wait_dma2 semaphore(%run_scoped3A : memref<!tpu.dma_semaphore, #tpu.memory_space<semaphore_mem>>) src(%arg19 : memref<1280xf32, #tpu.memory_space<vmem>>) dst(%dma_wait3A_297 : memref<1280xf32, #tpu.memory_space<vmem_shared>>)
        tpu.yield
      }) : () -> ()
      "tpu.region"() ({
        %run_scoped3A = tpu.sem_alloc : memref<!tpu.dma_semaphore, #tpu.memory_space<semaphore_mem>>
        %dma_start3A_290 = arith.constant 0 : i32
        %dma_start3A_291 = tpu.memref_slice %arg19[%dma_start3A_290] : memref<1280xf32, #tpu.memory_space<vmem>> -> memref<1152xf32, #tpu.memory_space<vmem>>
        %dma_start3A_292 = arith.constant 8960 : i32
        %dma_start3A_293 = tpu.memref_slice %arg20[%dma_start3A_292] : memref<10112xf32, #tpu.memory_space<vmem_shared>> -> memref<1152xf32, #tpu.memory_space<vmem_shared>>
        %dma_start3A_294 = arith.constant 8960 : i32
        %dma_start3A_295 = tpu.memref_slice %arg20[%dma_start3A_294] : memref<10112xf32, #tpu.memory_space<vmem_shared>> -> memref<1152xf32, #tpu.memory_space<vmem_shared>>
        %dma_start3A_296 = arith.constant 0 : i32
        %dma_start3A_297 = tpu.memref_slice %arg19[%dma_start3A_296] : memref<1280xf32, #tpu.memory_space<vmem>> -> memref<1152xf32, #tpu.memory_space<vmem>>
        tpu.enqueue_dma source(%dma_start3A_297 : memref<1152xf32, #tpu.memory_space<vmem>>) target(%dma_start3A_295 : memref<1152xf32, #tpu.memory_space<vmem_shared>>) target_semaphore(%run_scoped3A : memref<!tpu.dma_semaphore, #tpu.memory_space<semaphore_mem>>)
        %dma_wait3A_298 = arith.constant 0 : i32
        %dma_wait3A_299 = tpu.memref_slice %arg19[%dma_wait3A_298] : memref<1280xf32, #tpu.memory_space<vmem>> -> memref<1152xf32, #tpu.memory_space<vmem>>
        %dma_wait3A_300 = arith.constant 8960 : i32
        %dma_wait3A_301 = tpu.memref_slice %arg20[%dma_wait3A_300] : memref<10112xf32, #tpu.memory_space<vmem_shared>> -> memref<1152xf32, #tpu.memory_space<vmem_shared>>
        %dma_wait3A_302 = arith.constant 8960 : i32
        %dma_wait3A_303 = tpu.memref_slice %arg20[%dma_wait3A_302] : memref<10112xf32, #tpu.memory_space<vmem_shared>> -> memref<1152xf32, #tpu.memory_space<vmem_shared>>
        %dma_wait3A_304 = arith.constant 0 : i32
        %dma_wait3A_305 = tpu.memref_slice %arg19[%dma_wait3A_304] : memref<1280xf32, #tpu.memory_space<vmem>> -> memref<1152xf32, #tpu.memory_space<vmem>>
        tpu.wait_dma2 semaphore(%run_scoped3A : memref<!tpu.dma_semaphore, #tpu.memory_space<semaphore_mem>>) src(%dma_wait3A_305 : memref<1152xf32, #tpu.memory_space<vmem>>) dst(%dma_wait3A_303 : memref<1152xf32, #tpu.memory_space<vmem_shared>>)
        tpu.yield
      }) : () -> ()
    } else {
    }
    %barrier3A = arith.constant 0 : index
    tpu.barrier barrier_id(%barrier3A)
    %mul3A_7 = arith.constant 80 : i32
    %mul3A_8 = arith.muli %add3A, %mul3A_7 : i32
    %add3A_9 = arith.constant 0 : i32
    %add3A_10 = arith.addi %mul3A_8, %add3A_9 : i32
    "tpu.region"() ({
      %run_scoped3A = tpu.sem_alloc : memref<!tpu.dma_semaphore, #tpu.memory_space<semaphore_mem>>
      %dma_start3A_290 = arith.constant 0 : i32
      %dma_start3A_291 = tpu.memref_slice %arg3[%add3A_10, %dma_start3A_290] : memref<2560x128xi32, #tpu.memory_space<hbm>> -> memref<40x128xi32, #tpu.memory_space<hbm>>
      %dma_start3A_292 = arith.constant 0 : i32
      %dma_start3A_293 = tpu.memref_slice %arg3[%add3A_10, %dma_start3A_292] : memref<2560x128xi32, #tpu.memory_space<hbm>> -> memref<40x128xi32, #tpu.memory_space<hbm>>
      tpu.enqueue_dma source(%dma_start3A_293 : memref<40x128xi32, #tpu.memory_space<hbm>>) target(%arg10 : memref<40x128xi32, #tpu.memory_space<vmem>>) target_semaphore(%run_scoped3A : memref<!tpu.dma_semaphore, #tpu.memory_space<semaphore_mem>>)
      %dma_wait3A_294 = arith.constant 0 : i32
      %dma_wait3A_295 = tpu.memref_slice %arg3[%add3A_10, %dma_wait3A_294] : memref<2560x128xi32, #tpu.memory_space<hbm>> -> memref<40x128xi32, #tpu.memory_space<hbm>>
      %dma_wait3A_296 = arith.constant 0 : i32
      %dma_wait3A_297 = tpu.memref_slice %arg3[%add3A_10, %dma_wait3A_296] : memref<2560x128xi32, #tpu.memory_space<hbm>> -> memref<40x128xi32, #tpu.memory_space<hbm>>
      tpu.wait_dma2 semaphore(%run_scoped3A : memref<!tpu.dma_semaphore, #tpu.memory_space<semaphore_mem>>) src(%dma_wait3A_297 : memref<40x128xi32, #tpu.memory_space<hbm>>) dst(%arg10 : memref<40x128xi32, #tpu.memory_space<vmem>>)
      tpu.yield
    }) : () -> ()
    "tpu.region"() ({
      %run_scoped3A = tpu.sem_alloc : memref<!tpu.dma_semaphore, #tpu.memory_space<semaphore_mem>>
      %dma_start3A_290 = arith.constant 0 : i32
      %dma_start3A_291 = tpu.memref_slice %arg4[%add3A_10, %dma_start3A_290] : memref<2560x128xi32, #tpu.memory_space<hbm>> -> memref<40x128xi32, #tpu.memory_space<hbm>>
      %dma_start3A_292 = arith.constant 0 : i32
      %dma_start3A_293 = tpu.memref_slice %arg4[%add3A_10, %dma_start3A_292] : memref<2560x128xi32, #tpu.memory_space<hbm>> -> memref<40x128xi32, #tpu.memory_space<hbm>>
      tpu.enqueue_dma source(%dma_start3A_293 : memref<40x128xi32, #tpu.memory_space<hbm>>) target(%arg11 : memref<40x128xi32, #tpu.memory_space<vmem>>) target_semaphore(%run_scoped3A : memref<!tpu.dma_semaphore, #tpu.memory_space<semaphore_mem>>)
      %dma_wait3A_294 = arith.constant 0 : i32
      %dma_wait3A_295 = tpu.memref_slice %arg4[%add3A_10, %dma_wait3A_294] : memref<2560x128xi32, #tpu.memory_space<hbm>> -> memref<40x128xi32, #tpu.memory_space<hbm>>
      %dma_wait3A_296 = arith.constant 0 : i32
      %dma_wait3A_297 = tpu.memref_slice %arg4[%add3A_10, %dma_wait3A_296] : memref<2560x128xi32, #tpu.memory_space<hbm>> -> memref<40x128xi32, #tpu.memory_space<hbm>>
      tpu.wait_dma2 semaphore(%run_scoped3A : memref<!tpu.dma_semaphore, #tpu.memory_space<semaphore_mem>>) src(%dma_wait3A_297 : memref<40x128xi32, #tpu.memory_space<hbm>>) dst(%arg11 : memref<40x128xi32, #tpu.memory_space<vmem>>)
      tpu.yield
    }) : () -> ()
    %dma_start3A = arith.constant 0 : i32
    %dma_start3A_11 = arith.constant 0 : i32
    %dma_start3A_12 = arith.constant 0 : i32
    %dma_start3A_13 = arith.constant 0 : i32
    %dma_start3A_14 = tpu.memref_slice %arg12[%dma_start3A_11, %dma_start3A_12, %dma_start3A_13] : memref<2x128x128xf32, #tpu.memory_space<vmem>> -> memref<1x128x128xf32, #tpu.memory_space<vmem>>
    %dma_start3A_15 = tpu.memref_squeeze %dma_start3A_14 : memref<1x128x128xf32, #tpu.memory_space<vmem>> -> memref<128x128xf32, #tpu.memory_space<vmem>>
    %dma_start3A_16 = arith.constant 0 : i32
    %dma_start3A_17 = tpu.memref_slice %arg10[%dma_start3A, %dma_start3A_16] : memref<40x128xi32, #tpu.memory_space<vmem>> -> memref<1x128xi32, #tpu.memory_space<vmem>>
    %dma_start3A_18 = tpu.memref_squeeze %dma_start3A_17 : memref<1x128xi32, #tpu.memory_space<vmem>> -> memref<128xi32, #tpu.memory_space<vmem>>
    %dma_start3A_19 = arith.constant 0 : i32
    %dma_start3A_20 = arith.constant 0 : i32
    %dma_start3A_21 = tpu.memref_slice %arg2[%dma_start3A_19, %dma_start3A_20] : memref<10000x128xf32, #tpu.memory_space<hbm>> -> memref<10000x128xf32, #tpu.memory_space<hbm>>
    tpu.enqueue_indirect_dma source(%dma_start3A_21 : memref<10000x128xf32, #tpu.memory_space<hbm>>) target(%dma_start3A_15 : memref<128x128xf32, #tpu.memory_space<vmem>>) offsets(%dma_start3A_18 : memref<128xi32, #tpu.memory_space<vmem>>) semaphore(%arg14 : memref<!tpu.dma_semaphore, #tpu.memory_space<semaphore_mem>>)
    %dma_start3A_22 = arith.constant 1 : i32
    %dma_start3A_23 = arith.constant 1 : i32
    %dma_start3A_24 = arith.constant 0 : i32
    %dma_start3A_25 = arith.constant 0 : i32
    %dma_start3A_26 = tpu.memref_slice %arg12[%dma_start3A_23, %dma_start3A_24, %dma_start3A_25] : memref<2x128x128xf32, #tpu.memory_space<vmem>> -> memref<1x128x128xf32, #tpu.memory_space<vmem>>
    %dma_start3A_27 = tpu.memref_squeeze %dma_start3A_26 : memref<1x128x128xf32, #tpu.memory_space<vmem>> -> memref<128x128xf32, #tpu.memory_space<vmem>>
    %dma_start3A_28 = arith.constant 0 : i32
    %dma_start3A_29 = tpu.memref_slice %arg10[%dma_start3A_22, %dma_start3A_28] : memref<40x128xi32, #tpu.memory_space<vmem>> -> memref<1x128xi32, #tpu.memory_space<vmem>>
    %dma_start3A_30 = tpu.memref_squeeze %dma_start3A_29 : memref<1x128xi32, #tpu.memory_space<vmem>> -> memref<128xi32, #tpu.memory_space<vmem>>
    %dma_start3A_31 = arith.constant 0 : i32
    %dma_start3A_32 = arith.constant 0 : i32
    %dma_start3A_33 = tpu.memref_slice %arg2[%dma_start3A_31, %dma_start3A_32] : memref<10000x128xf32, #tpu.memory_space<hbm>> -> memref<10000x128xf32, #tpu.memory_space<hbm>>
    tpu.enqueue_indirect_dma source(%dma_start3A_33 : memref<10000x128xf32, #tpu.memory_space<hbm>>) target(%dma_start3A_27 : memref<128x128xf32, #tpu.memory_space<vmem>>) offsets(%dma_start3A_30 : memref<128xi32, #tpu.memory_space<vmem>>) semaphore(%arg15 : memref<!tpu.dma_semaphore, #tpu.memory_space<semaphore_mem>>)
    %scan3A = arith.constant 0 : i32
    %scan3A_34 = arith.constant 0 : i32
    %scan3A_35 = arith.constant 19 : i32
    %scan3A_36 = arith.addi %scan3A_34, %scan3A_35 : i32
    %scan3A_37 = arith.constant 1 : i32
    scf.for %scan3A_290 = %scan3A_34 to %scan3A_36 step %scan3A_37  : i32 {
      %mul3A_291 = arith.constant 2 : i32
      %mul3A_292 = arith.muli %scan3A_290, %mul3A_291 : i32
      %add3A_293 = arith.constant 0 : i32
      %add3A_294 = arith.addi %mul3A_292, %add3A_293 : i32
      %dma_wait3A_295 = arith.constant 0 : i32
      %dma_wait3A_296 = arith.constant 0 : i32
      %dma_wait3A_297 = arith.constant 0 : i32
      %dma_wait3A_298 = tpu.memref_slice %arg12[%dma_wait3A_295, %dma_wait3A_296, %dma_wait3A_297] : memref<2x128x128xf32, #tpu.memory_space<vmem>> -> memref<1x128x128xf32, #tpu.memory_space<vmem>>
      %dma_wait3A_299 = tpu.memref_squeeze %dma_wait3A_298 : memref<1x128x128xf32, #tpu.memory_space<vmem>> -> memref<128x128xf32, #tpu.memory_space<vmem>>
      %dma_wait3A_300 = arith.constant 0 : i32
      %dma_wait3A_301 = arith.constant 0 : i32
      %dma_wait3A_302 = tpu.memref_slice %arg2[%dma_wait3A_300, %dma_wait3A_301] : memref<10000x128xf32, #tpu.memory_space<hbm>> -> memref<128x128xf32, #tpu.memory_space<hbm>>
      %dma_wait3A_303 = arith.constant 0 : i32
      %dma_wait3A_304 = arith.constant 0 : i32
      %dma_wait3A_305 = tpu.memref_slice %arg12[%dma_wait3A_295, %dma_wait3A_303, %dma_wait3A_304] : memref<2x128x128xf32, #tpu.memory_space<vmem>> -> memref<1x128x128xf32, #tpu.memory_space<vmem>>
      %dma_wait3A_306 = tpu.memref_squeeze %dma_wait3A_305 : memref<1x128x128xf32, #tpu.memory_space<vmem>> -> memref<128x128xf32, #tpu.memory_space<vmem>>
      %dma_wait3A_307 = arith.constant 0 : i32
      %dma_wait3A_308 = arith.constant 0 : i32
      %dma_wait3A_309 = tpu.memref_slice %arg2[%dma_wait3A_307, %dma_wait3A_308] : memref<10000x128xf32, #tpu.memory_space<hbm>> -> memref<128x128xf32, #tpu.memory_space<hbm>>
      tpu.wait_dma2 semaphore(%arg14 : memref<!tpu.dma_semaphore, #tpu.memory_space<semaphore_mem>>) src(%dma_wait3A_309 : memref<128x128xf32, #tpu.memory_space<hbm>>) dst(%dma_wait3A_306 : memref<128x128xf32, #tpu.memory_space<vmem>>)
      %dma_start3A_310 = arith.constant 0 : i32
      %dma_start3A_311 = arith.constant 0 : i32
      %dma_start3A_312 = arith.constant 0 : i32
      %dma_start3A_313 = tpu.memref_slice %arg12[%dma_start3A_310, %dma_start3A_311, %dma_start3A_312] : memref<2x128x128xf32, #tpu.memory_space<vmem>> -> memref<1x128x128xf32, #tpu.memory_space<vmem>>
      %dma_start3A_314 = tpu.memref_squeeze %dma_start3A_313 : memref<1x128x128xf32, #tpu.memory_space<vmem>> -> memref<128x128xf32, #tpu.memory_space<vmem>>
      %dma_start3A_315 = arith.constant 0 : i32
      %dma_start3A_316 = tpu.memref_slice %arg11[%add3A_294, %dma_start3A_315] : memref<40x128xi32, #tpu.memory_space<vmem>> -> memref<1x128xi32, #tpu.memory_space<vmem>>
      %dma_start3A_317 = tpu.memref_squeeze %dma_start3A_316 : memref<1x128xi32, #tpu.memory_space<vmem>> -> memref<128xi32, #tpu.memory_space<vmem>>
      %dma_start3A_318 = arith.constant 0 : i32
      %dma_start3A_319 = arith.constant 0 : i32
      %dma_start3A_320 = tpu.memref_slice %arg13[%dma_start3A_318, %dma_start3A_319] : memref<10112x128xf32, #tpu.memory_space<vmem_shared>> -> memref<10112x128xf32, #tpu.memory_space<vmem_shared>>
      tpu.enqueue_indirect_dma source(%dma_start3A_314 : memref<128x128xf32, #tpu.memory_space<vmem>>) target(%dma_start3A_320 : memref<10112x128xf32, #tpu.memory_space<vmem_shared>>) offsets(%dma_start3A_317 : memref<128xi32, #tpu.memory_space<vmem>>) semaphore(%arg16 : memref<!tpu.dma_semaphore, #tpu.memory_space<semaphore_mem>>) {add = true}
      %dma_start3A_321 = arith.constant 0 : i32
      %dma_start3A_322 = arith.constant 0 : i32
      %dma_start3A_323 = tpu.memref_slice %arg18[%dma_start3A_321, %dma_start3A_322] : memref<40x128xf32, #tpu.memory_space<vmem>> -> memref<1x128xf32, #tpu.memory_space<vmem>>
      %dma_start3A_324 = tpu.memref_squeeze %dma_start3A_323 : memref<1x128xf32, #tpu.memory_space<vmem>> -> memref<128xf32, #tpu.memory_space<vmem>>
      %dma_start3A_325 = arith.constant 0 : i32
      %dma_start3A_326 = tpu.memref_slice %arg11[%add3A_294, %dma_start3A_325] : memref<40x128xi32, #tpu.memory_space<vmem>> -> memref<1x128xi32, #tpu.memory_space<vmem>>
      %dma_start3A_327 = tpu.memref_squeeze %dma_start3A_326 : memref<1x128xi32, #tpu.memory_space<vmem>> -> memref<128xi32, #tpu.memory_space<vmem>>
      %dma_start3A_328 = arith.constant 0 : i32
      %dma_start3A_329 = tpu.memref_slice %arg20[%dma_start3A_328] : memref<10112xf32, #tpu.memory_space<vmem_shared>> -> memref<10112xf32, #tpu.memory_space<vmem_shared>>
      tpu.enqueue_indirect_dma source(%dma_start3A_324 : memref<128xf32, #tpu.memory_space<vmem>>) target(%dma_start3A_329 : memref<10112xf32, #tpu.memory_space<vmem_shared>>) offsets(%dma_start3A_327 : memref<128xi32, #tpu.memory_space<vmem>>) semaphore(%arg21 : memref<!tpu.dma_semaphore, #tpu.memory_space<semaphore_mem>>) {add = true}
      %dma_wait3A_330 = arith.constant 0 : i32
      %dma_wait3A_331 = arith.constant 0 : i32
      %dma_wait3A_332 = arith.constant 0 : i32
      %dma_wait3A_333 = tpu.memref_slice %arg12[%dma_wait3A_330, %dma_wait3A_331, %dma_wait3A_332] : memref<2x128x128xf32, #tpu.memory_space<vmem>> -> memref<1x128x128xf32, #tpu.memory_space<vmem>>
      %dma_wait3A_334 = tpu.memref_squeeze %dma_wait3A_333 : memref<1x128x128xf32, #tpu.memory_space<vmem>> -> memref<128x128xf32, #tpu.memory_space<vmem>>
      %dma_wait3A_335 = arith.constant 0 : i32
      %dma_wait3A_336 = arith.constant 0 : i32
      %dma_wait3A_337 = tpu.memref_slice %arg2[%dma_wait3A_335, %dma_wait3A_336] : memref<10000x128xf32, #tpu.memory_space<hbm>> -> memref<128x128xf32, #tpu.memory_space<hbm>>
      %dma_wait3A_338 = arith.constant 0 : i32
      %dma_wait3A_339 = arith.constant 0 : i32
      %dma_wait3A_340 = tpu.memref_slice %arg12[%dma_wait3A_330, %dma_wait3A_338, %dma_wait3A_339] : memref<2x128x128xf32, #tpu.memory_space<vmem>> -> memref<1x128x128xf32, #tpu.memory_space<vmem>>
      %dma_wait3A_341 = tpu.memref_squeeze %dma_wait3A_340 : memref<1x128x128xf32, #tpu.memory_space<vmem>> -> memref<128x128xf32, #tpu.memory_space<vmem>>
      %dma_wait3A_342 = arith.constant 0 : i32
      %dma_wait3A_343 = arith.constant 0 : i32
      %dma_wait3A_344 = tpu.memref_slice %arg2[%dma_wait3A_342, %dma_wait3A_343] : memref<10000x128xf32, #tpu.memory_space<hbm>> -> memref<128x128xf32, #tpu.memory_space<hbm>>
      tpu.wait_dma2 semaphore(%arg16 : memref<!tpu.dma_semaphore, #tpu.memory_space<semaphore_mem>>) src(%dma_wait3A_344 : memref<128x128xf32, #tpu.memory_space<hbm>>) dst(%dma_wait3A_341 : memref<128x128xf32, #tpu.memory_space<vmem>>)
      %add3A_345 = arith.constant 2 : i32
      %add3A_346 = arith.addi %add3A_294, %add3A_345 : i32
      %dma_start3A_347 = arith.constant 0 : i32
      %dma_start3A_348 = arith.constant 0 : i32
      %dma_start3A_349 = arith.constant 0 : i32
      %dma_start3A_350 = tpu.memref_slice %arg12[%dma_start3A_347, %dma_start3A_348, %dma_start3A_349] : memref<2x128x128xf32, #tpu.memory_space<vmem>> -> memref<1x128x128xf32, #tpu.memory_space<vmem>>
      %dma_start3A_351 = tpu.memref_squeeze %dma_start3A_350 : memref<1x128x128xf32, #tpu.memory_space<vmem>> -> memref<128x128xf32, #tpu.memory_space<vmem>>
      %dma_start3A_352 = arith.constant 0 : i32
      %dma_start3A_353 = tpu.memref_slice %arg10[%add3A_346, %dma_start3A_352] : memref<40x128xi32, #tpu.memory_space<vmem>> -> memref<1x128xi32, #tpu.memory_space<vmem>>
      %dma_start3A_354 = tpu.memref_squeeze %dma_start3A_353 : memref<1x128xi32, #tpu.memory_space<vmem>> -> memref<128xi32, #tpu.memory_space<vmem>>
      %dma_start3A_355 = arith.constant 0 : i32
      %dma_start3A_356 = arith.constant 0 : i32
      %dma_start3A_357 = tpu.memref_slice %arg2[%dma_start3A_355, %dma_start3A_356] : memref<10000x128xf32, #tpu.memory_space<hbm>> -> memref<10000x128xf32, #tpu.memory_space<hbm>>
      tpu.enqueue_indirect_dma source(%dma_start3A_357 : memref<10000x128xf32, #tpu.memory_space<hbm>>) target(%dma_start3A_351 : memref<128x128xf32, #tpu.memory_space<vmem>>) offsets(%dma_start3A_354 : memref<128xi32, #tpu.memory_space<vmem>>) semaphore(%arg14 : memref<!tpu.dma_semaphore, #tpu.memory_space<semaphore_mem>>)
      %add3A_358 = arith.constant 1 : i32
      %add3A_359 = arith.addi %mul3A_292, %add3A_358 : i32
      %dma_wait3A_360 = arith.constant 1 : i32
      %dma_wait3A_361 = arith.constant 0 : i32
      %dma_wait3A_362 = arith.constant 0 : i32
      %dma_wait3A_363 = tpu.memref_slice %arg12[%dma_wait3A_360, %dma_wait3A_361, %dma_wait3A_362] : memref<2x128x128xf32, #tpu.memory_space<vmem>> -> memref<1x128x128xf32, #tpu.memory_space<vmem>>
      %dma_wait3A_364 = tpu.memref_squeeze %dma_wait3A_363 : memref<1x128x128xf32, #tpu.memory_space<vmem>> -> memref<128x128xf32, #tpu.memory_space<vmem>>
      %dma_wait3A_365 = arith.constant 0 : i32
      %dma_wait3A_366 = arith.constant 0 : i32
      %dma_wait3A_367 = tpu.memref_slice %arg2[%dma_wait3A_365, %dma_wait3A_366] : memref<10000x128xf32, #tpu.memory_space<hbm>> -> memref<128x128xf32, #tpu.memory_space<hbm>>
      %dma_wait3A_368 = arith.constant 0 : i32
      %dma_wait3A_369 = arith.constant 0 : i32
      %dma_wait3A_370 = tpu.memref_slice %arg12[%dma_wait3A_360, %dma_wait3A_368, %dma_wait3A_369] : memref<2x128x128xf32, #tpu.memory_space<vmem>> -> memref<1x128x128xf32, #tpu.memory_space<vmem>>
      %dma_wait3A_371 = tpu.memref_squeeze %dma_wait3A_370 : memref<1x128x128xf32, #tpu.memory_space<vmem>> -> memref<128x128xf32, #tpu.memory_space<vmem>>
      %dma_wait3A_372 = arith.constant 0 : i32
      %dma_wait3A_373 = arith.constant 0 : i32
      %dma_wait3A_374 = tpu.memref_slice %arg2[%dma_wait3A_372, %dma_wait3A_373] : memref<10000x128xf32, #tpu.memory_space<hbm>> -> memref<128x128xf32, #tpu.memory_space<hbm>>
      tpu.wait_dma2 semaphore(%arg15 : memref<!tpu.dma_semaphore, #tpu.memory_space<semaphore_mem>>) src(%dma_wait3A_374 : memref<128x128xf32, #tpu.memory_space<hbm>>) dst(%dma_wait3A_371 : memref<128x128xf32, #tpu.memory_space<vmem>>)
      %dma_start3A_375 = arith.constant 1 : i32
      %dma_start3A_376 = arith.constant 0 : i32
      %dma_start3A_377 = arith.constant 0 : i32
      %dma_start3A_378 = tpu.memref_slice %arg12[%dma_start3A_375, %dma_start3A_376, %dma_start3A_377] : memref<2x128x128xf32, #tpu.memory_space<vmem>> -> memref<1x128x128xf32, #tpu.memory_space<vmem>>
      %dma_start3A_379 = tpu.memref_squeeze %dma_start3A_378 : memref<1x128x128xf32, #tpu.memory_space<vmem>> -> memref<128x128xf32, #tpu.memory_space<vmem>>
      %dma_start3A_380 = arith.constant 0 : i32
      %dma_start3A_381 = tpu.memref_slice %arg11[%add3A_359, %dma_start3A_380] : memref<40x128xi32, #tpu.memory_space<vmem>> -> memref<1x128xi32, #tpu.memory_space<vmem>>
      %dma_start3A_382 = tpu.memref_squeeze %dma_start3A_381 : memref<1x128xi32, #tpu.memory_space<vmem>> -> memref<128xi32, #tpu.memory_space<vmem>>
      %dma_start3A_383 = arith.constant 0 : i32
      %dma_start3A_384 = arith.constant 0 : i32
      %dma_start3A_385 = tpu.memref_slice %arg13[%dma_start3A_383, %dma_start3A_384] : memref<10112x128xf32, #tpu.memory_space<vmem_shared>> -> memref<10112x128xf32, #tpu.memory_space<vmem_shared>>
      tpu.enqueue_indirect_dma source(%dma_start3A_379 : memref<128x128xf32, #tpu.memory_space<vmem>>) target(%dma_start3A_385 : memref<10112x128xf32, #tpu.memory_space<vmem_shared>>) offsets(%dma_start3A_382 : memref<128xi32, #tpu.memory_space<vmem>>) semaphore(%arg17 : memref<!tpu.dma_semaphore, #tpu.memory_space<semaphore_mem>>) {add = true}
      %dma_start3A_386 = arith.constant 0 : i32
      %dma_start3A_387 = arith.constant 0 : i32
      %dma_start3A_388 = tpu.memref_slice %arg18[%dma_start3A_386, %dma_start3A_387] : memref<40x128xf32, #tpu.memory_space<vmem>> -> memref<1x128xf32, #tpu.memory_space<vmem>>
      %dma_start3A_389 = tpu.memref_squeeze %dma_start3A_388 : memref<1x128xf32, #tpu.memory_space<vmem>> -> memref<128xf32, #tpu.memory_space<vmem>>
      %dma_start3A_390 = arith.constant 0 : i32
      %dma_start3A_391 = tpu.memref_slice %arg11[%add3A_359, %dma_start3A_390] : memref<40x128xi32, #tpu.memory_space<vmem>> -> memref<1x128xi32, #tpu.memory_space<vmem>>
      %dma_start3A_392 = tpu.memref_squeeze %dma_start3A_391 : memref<1x128xi32, #tpu.memory_space<vmem>> -> memref<128xi32, #tpu.memory_space<vmem>>
      %dma_start3A_393 = arith.constant 0 : i32
      %dma_start3A_394 = tpu.memref_slice %arg20[%dma_start3A_393] : memref<10112xf32, #tpu.memory_space<vmem_shared>> -> memref<10112xf32, #tpu.memory_space<vmem_shared>>
      tpu.enqueue_indirect_dma source(%dma_start3A_389 : memref<128xf32, #tpu.memory_space<vmem>>) target(%dma_start3A_394 : memref<10112xf32, #tpu.memory_space<vmem_shared>>) offsets(%dma_start3A_392 : memref<128xi32, #tpu.memory_space<vmem>>) semaphore(%arg21 : memref<!tpu.dma_semaphore, #tpu.memory_space<semaphore_mem>>) {add = true}
      %dma_wait3A_395 = arith.constant 1 : i32
      %dma_wait3A_396 = arith.constant 0 : i32
      %dma_wait3A_397 = arith.constant 0 : i32
      %dma_wait3A_398 = tpu.memref_slice %arg12[%dma_wait3A_395, %dma_wait3A_396, %dma_wait3A_397] : memref<2x128x128xf32, #tpu.memory_space<vmem>> -> memref<1x128x128xf32, #tpu.memory_space<vmem>>
      %dma_wait3A_399 = tpu.memref_squeeze %dma_wait3A_398 : memref<1x128x128xf32, #tpu.memory_space<vmem>> -> memref<128x128xf32, #tpu.memory_space<vmem>>
      %dma_wait3A_400 = arith.constant 0 : i32
      %dma_wait3A_401 = arith.constant 0 : i32
      %dma_wait3A_402 = tpu.memref_slice %arg2[%dma_wait3A_400, %dma_wait3A_401] : memref<10000x128xf32, #tpu.memory_space<hbm>> -> memref<128x128xf32, #tpu.memory_space<hbm>>
      %dma_wait3A_403 = arith.constant 0 : i32
      %dma_wait3A_404 = arith.constant 0 : i32
      %dma_wait3A_405 = tpu.memref_slice %arg12[%dma_wait3A_395, %dma_wait3A_403, %dma_wait3A_404] : memref<2x128x128xf32, #tpu.memory_space<vmem>> -> memref<1x128x128xf32, #tpu.memory_space<vmem>>
      %dma_wait3A_406 = tpu.memref_squeeze %dma_wait3A_405 : memref<1x128x128xf32, #tpu.memory_space<vmem>> -> memref<128x128xf32, #tpu.memory_space<vmem>>
      %dma_wait3A_407 = arith.constant 0 : i32
      %dma_wait3A_408 = arith.constant 0 : i32
      %dma_wait3A_409 = tpu.memref_slice %arg2[%dma_wait3A_407, %dma_wait3A_408] : memref<10000x128xf32, #tpu.memory_space<hbm>> -> memref<128x128xf32, #tpu.memory_space<hbm>>
      tpu.wait_dma2 semaphore(%arg17 : memref<!tpu.dma_semaphore, #tpu.memory_space<semaphore_mem>>) src(%dma_wait3A_409 : memref<128x128xf32, #tpu.memory_space<hbm>>) dst(%dma_wait3A_406 : memref<128x128xf32, #tpu.memory_space<vmem>>)
      %add3A_410 = arith.constant 2 : i32
      %add3A_411 = arith.addi %add3A_359, %add3A_410 : i32
      %dma_start3A_412 = arith.constant 1 : i32
      %dma_start3A_413 = arith.constant 0 : i32
      %dma_start3A_414 = arith.constant 0 : i32
      %dma_start3A_415 = tpu.memref_slice %arg12[%dma_start3A_412, %dma_start3A_413, %dma_start3A_414] : memref<2x128x128xf32, #tpu.memory_space<vmem>> -> memref<1x128x128xf32, #tpu.memory_space<vmem>>
      %dma_start3A_416 = tpu.memref_squeeze %dma_start3A_415 : memref<1x128x128xf32, #tpu.memory_space<vmem>> -> memref<128x128xf32, #tpu.memory_space<vmem>>
      %dma_start3A_417 = arith.constant 0 : i32
      %dma_start3A_418 = tpu.memref_slice %arg10[%add3A_411, %dma_start3A_417] : memref<40x128xi32, #tpu.memory_space<vmem>> -> memref<1x128xi32, #tpu.memory_space<vmem>>
      %dma_start3A_419 = tpu.memref_squeeze %dma_start3A_418 : memref<1x128xi32, #tpu.memory_space<vmem>> -> memref<128xi32, #tpu.memory_space<vmem>>
      %dma_start3A_420 = arith.constant 0 : i32
      %dma_start3A_421 = arith.constant 0 : i32
      %dma_start3A_422 = tpu.memref_slice %arg2[%dma_start3A_420, %dma_start3A_421] : memref<10000x128xf32, #tpu.memory_space<hbm>> -> memref<10000x128xf32, #tpu.memory_space<hbm>>
      tpu.enqueue_indirect_dma source(%dma_start3A_422 : memref<10000x128xf32, #tpu.memory_space<hbm>>) target(%dma_start3A_416 : memref<128x128xf32, #tpu.memory_space<vmem>>) offsets(%dma_start3A_419 : memref<128xi32, #tpu.memory_space<vmem>>) semaphore(%arg15 : memref<!tpu.dma_semaphore, #tpu.memory_space<semaphore_mem>>)
    }
    %scan3A_38 = arith.constant 19 : i32
    %dma_wait3A = arith.constant 0 : i32
    %dma_wait3A_39 = arith.constant 0 : i32
    %dma_wait3A_40 = arith.constant 0 : i32
    %dma_wait3A_41 = tpu.memref_slice %arg12[%dma_wait3A, %dma_wait3A_39, %dma_wait3A_40] : memref<2x128x128xf32, #tpu.memory_space<vmem>> -> memref<1x128x128xf32, #tpu.memory_space<vmem>>
    %dma_wait3A_42 = tpu.memref_squeeze %dma_wait3A_41 : memref<1x128x128xf32, #tpu.memory_space<vmem>> -> memref<128x128xf32, #tpu.memory_space<vmem>>
    %dma_wait3A_43 = arith.constant 0 : i32
    %dma_wait3A_44 = arith.constant 0 : i32
    %dma_wait3A_45 = tpu.memref_slice %arg2[%dma_wait3A_43, %dma_wait3A_44] : memref<10000x128xf32, #tpu.memory_space<hbm>> -> memref<128x128xf32, #tpu.memory_space<hbm>>
    %dma_wait3A_46 = arith.constant 0 : i32
    %dma_wait3A_47 = arith.constant 0 : i32
    %dma_wait3A_48 = tpu.memref_slice %arg12[%dma_wait3A, %dma_wait3A_46, %dma_wait3A_47] : memref<2x128x128xf32, #tpu.memory_space<vmem>> -> memref<1x128x128xf32, #tpu.memory_space<vmem>>
    %dma_wait3A_49 = tpu.memref_squeeze %dma_wait3A_48 : memref<1x128x128xf32, #tpu.memory_space<vmem>> -> memref<128x128xf32, #tpu.memory_space<vmem>>
    %dma_wait3A_50 = arith.constant 0 : i32
    %dma_wait3A_51 = arith.constant 0 : i32
    %dma_wait3A_52 = tpu.memref_slice %arg2[%dma_wait3A_50, %dma_wait3A_51] : memref<10000x128xf32, #tpu.memory_space<hbm>> -> memref<128x128xf32, #tpu.memory_space<hbm>>
    tpu.wait_dma2 semaphore(%arg14 : memref<!tpu.dma_semaphore, #tpu.memory_space<semaphore_mem>>) src(%dma_wait3A_52 : memref<128x128xf32, #tpu.memory_space<hbm>>) dst(%dma_wait3A_49 : memref<128x128xf32, #tpu.memory_space<vmem>>)
    %dma_start3A_53 = arith.constant 0 : i32
    %dma_start3A_54 = arith.constant 38 : i32
    %dma_start3A_55 = arith.constant 0 : i32
    %dma_start3A_56 = arith.constant 0 : i32
    %dma_start3A_57 = tpu.memref_slice %arg12[%dma_start3A_53, %dma_start3A_55, %dma_start3A_56] : memref<2x128x128xf32, #tpu.memory_space<vmem>> -> memref<1x128x128xf32, #tpu.memory_space<vmem>>
    %dma_start3A_58 = tpu.memref_squeeze %dma_start3A_57 : memref<1x128x128xf32, #tpu.memory_space<vmem>> -> memref<128x128xf32, #tpu.memory_space<vmem>>
    %dma_start3A_59 = arith.constant 0 : i32
    %dma_start3A_60 = tpu.memref_slice %arg11[%dma_start3A_54, %dma_start3A_59] : memref<40x128xi32, #tpu.memory_space<vmem>> -> memref<1x128xi32, #tpu.memory_space<vmem>>
    %dma_start3A_61 = tpu.memref_squeeze %dma_start3A_60 : memref<1x128xi32, #tpu.memory_space<vmem>> -> memref<128xi32, #tpu.memory_space<vmem>>
    %dma_start3A_62 = arith.constant 0 : i32
    %dma_start3A_63 = arith.constant 0 : i32
    %dma_start3A_64 = tpu.memref_slice %arg13[%dma_start3A_62, %dma_start3A_63] : memref<10112x128xf32, #tpu.memory_space<vmem_shared>> -> memref<10112x128xf32, #tpu.memory_space<vmem_shared>>
    tpu.enqueue_indirect_dma source(%dma_start3A_58 : memref<128x128xf32, #tpu.memory_space<vmem>>) target(%dma_start3A_64 : memref<10112x128xf32, #tpu.memory_space<vmem_shared>>) offsets(%dma_start3A_61 : memref<128xi32, #tpu.memory_space<vmem>>) semaphore(%arg16 : memref<!tpu.dma_semaphore, #tpu.memory_space<semaphore_mem>>) {add = true}
    %dma_start3A_65 = arith.constant 0 : i32
    %dma_start3A_66 = arith.constant 38 : i32
    %dma_start3A_67 = arith.constant 0 : i32
    %dma_start3A_68 = tpu.memref_slice %arg18[%dma_start3A_65, %dma_start3A_67] : memref<40x128xf32, #tpu.memory_space<vmem>> -> memref<1x128xf32, #tpu.memory_space<vmem>>
    %dma_start3A_69 = tpu.memref_squeeze %dma_start3A_68 : memref<1x128xf32, #tpu.memory_space<vmem>> -> memref<128xf32, #tpu.memory_space<vmem>>
    %dma_start3A_70 = arith.constant 0 : i32
    %dma_start3A_71 = tpu.memref_slice %arg11[%dma_start3A_66, %dma_start3A_70] : memref<40x128xi32, #tpu.memory_space<vmem>> -> memref<1x128xi32, #tpu.memory_space<vmem>>
    %dma_start3A_72 = tpu.memref_squeeze %dma_start3A_71 : memref<1x128xi32, #tpu.memory_space<vmem>> -> memref<128xi32, #tpu.memory_space<vmem>>
    %dma_start3A_73 = arith.constant 0 : i32
    %dma_start3A_74 = tpu.memref_slice %arg20[%dma_start3A_73] : memref<10112xf32, #tpu.memory_space<vmem_shared>> -> memref<10112xf32, #tpu.memory_space<vmem_shared>>
    tpu.enqueue_indirect_dma source(%dma_start3A_69 : memref<128xf32, #tpu.memory_space<vmem>>) target(%dma_start3A_74 : memref<10112xf32, #tpu.memory_space<vmem_shared>>) offsets(%dma_start3A_72 : memref<128xi32, #tpu.memory_space<vmem>>) semaphore(%arg21 : memref<!tpu.dma_semaphore, #tpu.memory_space<semaphore_mem>>) {add = true}
    %dma_wait3A_75 = arith.constant 1 : i32
    %dma_wait3A_76 = arith.constant 0 : i32
    %dma_wait3A_77 = arith.constant 0 : i32
    %dma_wait3A_78 = tpu.memref_slice %arg12[%dma_wait3A_75, %dma_wait3A_76, %dma_wait3A_77] : memref<2x128x128xf32, #tpu.memory_space<vmem>> -> memref<1x128x128xf32, #tpu.memory_space<vmem>>
    %dma_wait3A_79 = tpu.memref_squeeze %dma_wait3A_78 : memref<1x128x128xf32, #tpu.memory_space<vmem>> -> memref<128x128xf32, #tpu.memory_space<vmem>>
    %dma_wait3A_80 = arith.constant 0 : i32
    %dma_wait3A_81 = arith.constant 0 : i32
    %dma_wait3A_82 = tpu.memref_slice %arg2[%dma_wait3A_80, %dma_wait3A_81] : memref<10000x128xf32, #tpu.memory_space<hbm>> -> memref<128x128xf32, #tpu.memory_space<hbm>>
    %dma_wait3A_83 = arith.constant 0 : i32
    %dma_wait3A_84 = arith.constant 0 : i32
    %dma_wait3A_85 = tpu.memref_slice %arg12[%dma_wait3A_75, %dma_wait3A_83, %dma_wait3A_84] : memref<2x128x128xf32, #tpu.memory_space<vmem>> -> memref<1x128x128xf32, #tpu.memory_space<vmem>>
    %dma_wait3A_86 = tpu.memref_squeeze %dma_wait3A_85 : memref<1x128x128xf32, #tpu.memory_space<vmem>> -> memref<128x128xf32, #tpu.memory_space<vmem>>
    %dma_wait3A_87 = arith.constant 0 : i32
    %dma_wait3A_88 = arith.constant 0 : i32
    %dma_wait3A_89 = tpu.memref_slice %arg2[%dma_wait3A_87, %dma_wait3A_88] : memref<10000x128xf32, #tpu.memory_space<hbm>> -> memref<128x128xf32, #tpu.memory_space<hbm>>
    tpu.wait_dma2 semaphore(%arg15 : memref<!tpu.dma_semaphore, #tpu.memory_space<semaphore_mem>>) src(%dma_wait3A_89 : memref<128x128xf32, #tpu.memory_space<hbm>>) dst(%dma_wait3A_86 : memref<128x128xf32, #tpu.memory_space<vmem>>)
    %dma_start3A_90 = arith.constant 1 : i32
    %dma_start3A_91 = arith.constant 39 : i32
    %dma_start3A_92 = arith.constant 0 : i32
    %dma_start3A_93 = arith.constant 0 : i32
    %dma_start3A_94 = tpu.memref_slice %arg12[%dma_start3A_90, %dma_start3A_92, %dma_start3A_93] : memref<2x128x128xf32, #tpu.memory_space<vmem>> -> memref<1x128x128xf32, #tpu.memory_space<vmem>>
    %dma_start3A_95 = tpu.memref_squeeze %dma_start3A_94 : memref<1x128x128xf32, #tpu.memory_space<vmem>> -> memref<128x128xf32, #tpu.memory_space<vmem>>
    %dma_start3A_96 = arith.constant 0 : i32
    %dma_start3A_97 = tpu.memref_slice %arg11[%dma_start3A_91, %dma_start3A_96] : memref<40x128xi32, #tpu.memory_space<vmem>> -> memref<1x128xi32, #tpu.memory_space<vmem>>
    %dma_start3A_98 = tpu.memref_squeeze %dma_start3A_97 : memref<1x128xi32, #tpu.memory_space<vmem>> -> memref<128xi32, #tpu.memory_space<vmem>>
    %dma_start3A_99 = arith.constant 0 : i32
    %dma_start3A_100 = arith.constant 0 : i32
    %dma_start3A_101 = tpu.memref_slice %arg13[%dma_start3A_99, %dma_start3A_100] : memref<10112x128xf32, #tpu.memory_space<vmem_shared>> -> memref<10112x128xf32, #tpu.memory_space<vmem_shared>>
    tpu.enqueue_indirect_dma source(%dma_start3A_95 : memref<128x128xf32, #tpu.memory_space<vmem>>) target(%dma_start3A_101 : memref<10112x128xf32, #tpu.memory_space<vmem_shared>>) offsets(%dma_start3A_98 : memref<128xi32, #tpu.memory_space<vmem>>) semaphore(%arg17 : memref<!tpu.dma_semaphore, #tpu.memory_space<semaphore_mem>>) {add = true}
    %dma_start3A_102 = arith.constant 0 : i32
    %dma_start3A_103 = arith.constant 39 : i32
    %dma_start3A_104 = arith.constant 0 : i32
    %dma_start3A_105 = tpu.memref_slice %arg18[%dma_start3A_102, %dma_start3A_104] : memref<40x128xf32, #tpu.memory_space<vmem>> -> memref<1x128xf32, #tpu.memory_space<vmem>>
    %dma_start3A_106 = tpu.memref_squeeze %dma_start3A_105 : memref<1x128xf32, #tpu.memory_space<vmem>> -> memref<128xf32, #tpu.memory_space<vmem>>
    %dma_start3A_107 = arith.constant 0 : i32
    %dma_start3A_108 = tpu.memref_slice %arg11[%dma_start3A_103, %dma_start3A_107] : memref<40x128xi32, #tpu.memory_space<vmem>> -> memref<1x128xi32, #tpu.memory_space<vmem>>
    %dma_start3A_109 = tpu.memref_squeeze %dma_start3A_108 : memref<1x128xi32, #tpu.memory_space<vmem>> -> memref<128xi32, #tpu.memory_space<vmem>>
    %dma_start3A_110 = arith.constant 0 : i32
    %dma_start3A_111 = tpu.memref_slice %arg20[%dma_start3A_110] : memref<10112xf32, #tpu.memory_space<vmem_shared>> -> memref<10112xf32, #tpu.memory_space<vmem_shared>>
    tpu.enqueue_indirect_dma source(%dma_start3A_106 : memref<128xf32, #tpu.memory_space<vmem>>) target(%dma_start3A_111 : memref<10112xf32, #tpu.memory_space<vmem_shared>>) offsets(%dma_start3A_109 : memref<128xi32, #tpu.memory_space<vmem>>) semaphore(%arg21 : memref<!tpu.dma_semaphore, #tpu.memory_space<semaphore_mem>>) {add = true}
    %dma_wait3A_112 = arith.constant 0 : i32
    %dma_wait3A_113 = arith.constant 0 : i32
    %dma_wait3A_114 = arith.constant 0 : i32
    %dma_wait3A_115 = tpu.memref_slice %arg12[%dma_wait3A_112, %dma_wait3A_113, %dma_wait3A_114] : memref<2x128x128xf32, #tpu.memory_space<vmem>> -> memref<1x128x128xf32, #tpu.memory_space<vmem>>
    %dma_wait3A_116 = tpu.memref_squeeze %dma_wait3A_115 : memref<1x128x128xf32, #tpu.memory_space<vmem>> -> memref<128x128xf32, #tpu.memory_space<vmem>>
    %dma_wait3A_117 = arith.constant 0 : i32
    %dma_wait3A_118 = arith.constant 0 : i32
    %dma_wait3A_119 = tpu.memref_slice %arg2[%dma_wait3A_117, %dma_wait3A_118] : memref<10000x128xf32, #tpu.memory_space<hbm>> -> memref<128x128xf32, #tpu.memory_space<hbm>>
    %dma_wait3A_120 = arith.constant 0 : i32
    %dma_wait3A_121 = arith.constant 0 : i32
    %dma_wait3A_122 = tpu.memref_slice %arg12[%dma_wait3A_112, %dma_wait3A_120, %dma_wait3A_121] : memref<2x128x128xf32, #tpu.memory_space<vmem>> -> memref<1x128x128xf32, #tpu.memory_space<vmem>>
    %dma_wait3A_123 = tpu.memref_squeeze %dma_wait3A_122 : memref<1x128x128xf32, #tpu.memory_space<vmem>> -> memref<128x128xf32, #tpu.memory_space<vmem>>
    %dma_wait3A_124 = arith.constant 0 : i32
    %dma_wait3A_125 = arith.constant 0 : i32
    %dma_wait3A_126 = tpu.memref_slice %arg2[%dma_wait3A_124, %dma_wait3A_125] : memref<10000x128xf32, #tpu.memory_space<hbm>> -> memref<128x128xf32, #tpu.memory_space<hbm>>
    tpu.wait_dma2 semaphore(%arg16 : memref<!tpu.dma_semaphore, #tpu.memory_space<semaphore_mem>>) src(%dma_wait3A_126 : memref<128x128xf32, #tpu.memory_space<hbm>>) dst(%dma_wait3A_123 : memref<128x128xf32, #tpu.memory_space<vmem>>)
    %dma_wait3A_127 = arith.constant 1 : i32
    %dma_wait3A_128 = arith.constant 0 : i32
    %dma_wait3A_129 = arith.constant 0 : i32
    %dma_wait3A_130 = tpu.memref_slice %arg12[%dma_wait3A_127, %dma_wait3A_128, %dma_wait3A_129] : memref<2x128x128xf32, #tpu.memory_space<vmem>> -> memref<1x128x128xf32, #tpu.memory_space<vmem>>
    %dma_wait3A_131 = tpu.memref_squeeze %dma_wait3A_130 : memref<1x128x128xf32, #tpu.memory_space<vmem>> -> memref<128x128xf32, #tpu.memory_space<vmem>>
    %dma_wait3A_132 = arith.constant 0 : i32
    %dma_wait3A_133 = arith.constant 0 : i32
    %dma_wait3A_134 = tpu.memref_slice %arg2[%dma_wait3A_132, %dma_wait3A_133] : memref<10000x128xf32, #tpu.memory_space<hbm>> -> memref<128x128xf32, #tpu.memory_space<hbm>>
    %dma_wait3A_135 = arith.constant 0 : i32
    %dma_wait3A_136 = arith.constant 0 : i32
    %dma_wait3A_137 = tpu.memref_slice %arg12[%dma_wait3A_127, %dma_wait3A_135, %dma_wait3A_136] : memref<2x128x128xf32, #tpu.memory_space<vmem>> -> memref<1x128x128xf32, #tpu.memory_space<vmem>>
    %dma_wait3A_138 = tpu.memref_squeeze %dma_wait3A_137 : memref<1x128x128xf32, #tpu.memory_space<vmem>> -> memref<128x128xf32, #tpu.memory_space<vmem>>
    %dma_wait3A_139 = arith.constant 0 : i32
    %dma_wait3A_140 = arith.constant 0 : i32
    %dma_wait3A_141 = tpu.memref_slice %arg2[%dma_wait3A_139, %dma_wait3A_140] : memref<10000x128xf32, #tpu.memory_space<hbm>> -> memref<128x128xf32, #tpu.memory_space<hbm>>
    tpu.wait_dma2 semaphore(%arg17 : memref<!tpu.dma_semaphore, #tpu.memory_space<semaphore_mem>>) src(%dma_wait3A_141 : memref<128x128xf32, #tpu.memory_space<hbm>>) dst(%dma_wait3A_138 : memref<128x128xf32, #tpu.memory_space<vmem>>)
    tpu.wait_dma2 semaphore(%arg21 : memref<!tpu.dma_semaphore, #tpu.memory_space<semaphore_mem>>) src(%arg6 : memref<1280xf32, #tpu.memory_space<hbm>>) dst(%arg19 : memref<1280xf32, #tpu.memory_space<vmem>>)
    tpu.wait_dma2 semaphore(%arg21 : memref<!tpu.dma_semaphore, #tpu.memory_space<semaphore_mem>>) src(%arg6 : memref<1280xf32, #tpu.memory_space<hbm>>) dst(%arg19 : memref<1280xf32, #tpu.memory_space<vmem>>)
    tpu.wait_dma2 semaphore(%arg21 : memref<!tpu.dma_semaphore, #tpu.memory_space<semaphore_mem>>) src(%arg6 : memref<1280xf32, #tpu.memory_space<hbm>>) dst(%arg19 : memref<1280xf32, #tpu.memory_space<vmem>>)
    tpu.wait_dma2 semaphore(%arg21 : memref<!tpu.dma_semaphore, #tpu.memory_space<semaphore_mem>>) src(%arg6 : memref<1280xf32, #tpu.memory_space<hbm>>) dst(%arg19 : memref<1280xf32, #tpu.memory_space<vmem>>)
    %mul3A_142 = arith.constant 80 : i32
    %mul3A_143 = arith.muli %add3A, %mul3A_142 : i32
    %add3A_144 = arith.constant 40 : i32
    %add3A_145 = arith.addi %mul3A_143, %add3A_144 : i32
    "tpu.region"() ({
      %run_scoped3A = tpu.sem_alloc : memref<!tpu.dma_semaphore, #tpu.memory_space<semaphore_mem>>
      %dma_start3A_290 = arith.constant 0 : i32
      %dma_start3A_291 = tpu.memref_slice %arg3[%add3A_145, %dma_start3A_290] : memref<2560x128xi32, #tpu.memory_space<hbm>> -> memref<40x128xi32, #tpu.memory_space<hbm>>
      %dma_start3A_292 = arith.constant 0 : i32
      %dma_start3A_293 = tpu.memref_slice %arg3[%add3A_145, %dma_start3A_292] : memref<2560x128xi32, #tpu.memory_space<hbm>> -> memref<40x128xi32, #tpu.memory_space<hbm>>
      tpu.enqueue_dma source(%dma_start3A_293 : memref<40x128xi32, #tpu.memory_space<hbm>>) target(%arg10 : memref<40x128xi32, #tpu.memory_space<vmem>>) target_semaphore(%run_scoped3A : memref<!tpu.dma_semaphore, #tpu.memory_space<semaphore_mem>>)
      %dma_wait3A_294 = arith.constant 0 : i32
      %dma_wait3A_295 = tpu.memref_slice %arg3[%add3A_145, %dma_wait3A_294] : memref<2560x128xi32, #tpu.memory_space<hbm>> -> memref<40x128xi32, #tpu.memory_space<hbm>>
      %dma_wait3A_296 = arith.constant 0 : i32
      %dma_wait3A_297 = tpu.memref_slice %arg3[%add3A_145, %dma_wait3A_296] : memref<2560x128xi32, #tpu.memory_space<hbm>> -> memref<40x128xi32, #tpu.memory_space<hbm>>
      tpu.wait_dma2 semaphore(%run_scoped3A : memref<!tpu.dma_semaphore, #tpu.memory_space<semaphore_mem>>) src(%dma_wait3A_297 : memref<40x128xi32, #tpu.memory_space<hbm>>) dst(%arg10 : memref<40x128xi32, #tpu.memory_space<vmem>>)
      tpu.yield
    }) : () -> ()
    "tpu.region"() ({
      %run_scoped3A = tpu.sem_alloc : memref<!tpu.dma_semaphore, #tpu.memory_space<semaphore_mem>>
      %dma_start3A_290 = arith.constant 0 : i32
      %dma_start3A_291 = tpu.memref_slice %arg4[%add3A_145, %dma_start3A_290] : memref<2560x128xi32, #tpu.memory_space<hbm>> -> memref<40x128xi32, #tpu.memory_space<hbm>>
      %dma_start3A_292 = arith.constant 0 : i32
      %dma_start3A_293 = tpu.memref_slice %arg4[%add3A_145, %dma_start3A_292] : memref<2560x128xi32, #tpu.memory_space<hbm>> -> memref<40x128xi32, #tpu.memory_space<hbm>>
      tpu.enqueue_dma source(%dma_start3A_293 : memref<40x128xi32, #tpu.memory_space<hbm>>) target(%arg11 : memref<40x128xi32, #tpu.memory_space<vmem>>) target_semaphore(%run_scoped3A : memref<!tpu.dma_semaphore, #tpu.memory_space<semaphore_mem>>)
      %dma_wait3A_294 = arith.constant 0 : i32
      %dma_wait3A_295 = tpu.memref_slice %arg4[%add3A_145, %dma_wait3A_294] : memref<2560x128xi32, #tpu.memory_space<hbm>> -> memref<40x128xi32, #tpu.memory_space<hbm>>
      %dma_wait3A_296 = arith.constant 0 : i32
      %dma_wait3A_297 = tpu.memref_slice %arg4[%add3A_145, %dma_wait3A_296] : memref<2560x128xi32, #tpu.memory_space<hbm>> -> memref<40x128xi32, #tpu.memory_space<hbm>>
      tpu.wait_dma2 semaphore(%run_scoped3A : memref<!tpu.dma_semaphore, #tpu.memory_space<semaphore_mem>>) src(%dma_wait3A_297 : memref<40x128xi32, #tpu.memory_space<hbm>>) dst(%arg11 : memref<40x128xi32, #tpu.memory_space<vmem>>)
      tpu.yield
    }) : () -> ()
    %dma_start3A_146 = arith.constant 0 : i32
    %dma_start3A_147 = arith.constant 0 : i32
    %dma_start3A_148 = arith.constant 0 : i32
    %dma_start3A_149 = arith.constant 0 : i32
    %dma_start3A_150 = tpu.memref_slice %arg12[%dma_start3A_147, %dma_start3A_148, %dma_start3A_149] : memref<2x128x128xf32, #tpu.memory_space<vmem>> -> memref<1x128x128xf32, #tpu.memory_space<vmem>>
    %dma_start3A_151 = tpu.memref_squeeze %dma_start3A_150 : memref<1x128x128xf32, #tpu.memory_space<vmem>> -> memref<128x128xf32, #tpu.memory_space<vmem>>
    %dma_start3A_152 = arith.constant 0 : i32
    %dma_start3A_153 = tpu.memref_slice %arg10[%dma_start3A_146, %dma_start3A_152] : memref<40x128xi32, #tpu.memory_space<vmem>> -> memref<1x128xi32, #tpu.memory_space<vmem>>
    %dma_start3A_154 = tpu.memref_squeeze %dma_start3A_153 : memref<1x128xi32, #tpu.memory_space<vmem>> -> memref<128xi32, #tpu.memory_space<vmem>>
    %dma_start3A_155 = arith.constant 0 : i32
    %dma_start3A_156 = arith.constant 0 : i32
    %dma_start3A_157 = tpu.memref_slice %arg2[%dma_start3A_155, %dma_start3A_156] : memref<10000x128xf32, #tpu.memory_space<hbm>> -> memref<10000x128xf32, #tpu.memory_space<hbm>>
    tpu.enqueue_indirect_dma source(%dma_start3A_157 : memref<10000x128xf32, #tpu.memory_space<hbm>>) target(%dma_start3A_151 : memref<128x128xf32, #tpu.memory_space<vmem>>) offsets(%dma_start3A_154 : memref<128xi32, #tpu.memory_space<vmem>>) semaphore(%arg14 : memref<!tpu.dma_semaphore, #tpu.memory_space<semaphore_mem>>)
    %dma_start3A_158 = arith.constant 1 : i32
    %dma_start3A_159 = arith.constant 1 : i32
    %dma_start3A_160 = arith.constant 0 : i32
    %dma_start3A_161 = arith.constant 0 : i32
    %dma_start3A_162 = tpu.memref_slice %arg12[%dma_start3A_159, %dma_start3A_160, %dma_start3A_161] : memref<2x128x128xf32, #tpu.memory_space<vmem>> -> memref<1x128x128xf32, #tpu.memory_space<vmem>>
    %dma_start3A_163 = tpu.memref_squeeze %dma_start3A_162 : memref<1x128x128xf32, #tpu.memory_space<vmem>> -> memref<128x128xf32, #tpu.memory_space<vmem>>
    %dma_start3A_164 = arith.constant 0 : i32
    %dma_start3A_165 = tpu.memref_slice %arg10[%dma_start3A_158, %dma_start3A_164] : memref<40x128xi32, #tpu.memory_space<vmem>> -> memref<1x128xi32, #tpu.memory_space<vmem>>
    %dma_start3A_166 = tpu.memref_squeeze %dma_start3A_165 : memref<1x128xi32, #tpu.memory_space<vmem>> -> memref<128xi32, #tpu.memory_space<vmem>>
    %dma_start3A_167 = arith.constant 0 : i32
    %dma_start3A_168 = arith.constant 0 : i32
    %dma_start3A_169 = tpu.memref_slice %arg2[%dma_start3A_167, %dma_start3A_168] : memref<10000x128xf32, #tpu.memory_space<hbm>> -> memref<10000x128xf32, #tpu.memory_space<hbm>>
    tpu.enqueue_indirect_dma source(%dma_start3A_169 : memref<10000x128xf32, #tpu.memory_space<hbm>>) target(%dma_start3A_163 : memref<128x128xf32, #tpu.memory_space<vmem>>) offsets(%dma_start3A_166 : memref<128xi32, #tpu.memory_space<vmem>>) semaphore(%arg15 : memref<!tpu.dma_semaphore, #tpu.memory_space<semaphore_mem>>)
    %scan3A_170 = arith.constant 0 : i32
    %scan3A_171 = arith.constant 0 : i32
    %scan3A_172 = arith.constant 19 : i32
    %scan3A_173 = arith.addi %scan3A_171, %scan3A_172 : i32
    %scan3A_174 = arith.constant 1 : i32
    scf.for %scan3A_290 = %scan3A_171 to %scan3A_173 step %scan3A_174  : i32 {
      %mul3A_291 = arith.constant 2 : i32
      %mul3A_292 = arith.muli %scan3A_290, %mul3A_291 : i32
      %add3A_293 = arith.constant 0 : i32
      %add3A_294 = arith.addi %mul3A_292, %add3A_293 : i32
      %dma_wait3A_295 = arith.constant 0 : i32
      %dma_wait3A_296 = arith.constant 0 : i32
      %dma_wait3A_297 = arith.constant 0 : i32
      %dma_wait3A_298 = tpu.memref_slice %arg12[%dma_wait3A_295, %dma_wait3A_296, %dma_wait3A_297] : memref<2x128x128xf32, #tpu.memory_space<vmem>> -> memref<1x128x128xf32, #tpu.memory_space<vmem>>
      %dma_wait3A_299 = tpu.memref_squeeze %dma_wait3A_298 : memref<1x128x128xf32, #tpu.memory_space<vmem>> -> memref<128x128xf32, #tpu.memory_space<vmem>>
      %dma_wait3A_300 = arith.constant 0 : i32
      %dma_wait3A_301 = arith.constant 0 : i32
      %dma_wait3A_302 = tpu.memref_slice %arg2[%dma_wait3A_300, %dma_wait3A_301] : memref<10000x128xf32, #tpu.memory_space<hbm>> -> memref<128x128xf32, #tpu.memory_space<hbm>>
      %dma_wait3A_303 = arith.constant 0 : i32
      %dma_wait3A_304 = arith.constant 0 : i32
      %dma_wait3A_305 = tpu.memref_slice %arg12[%dma_wait3A_295, %dma_wait3A_303, %dma_wait3A_304] : memref<2x128x128xf32, #tpu.memory_space<vmem>> -> memref<1x128x128xf32, #tpu.memory_space<vmem>>
      %dma_wait3A_306 = tpu.memref_squeeze %dma_wait3A_305 : memref<1x128x128xf32, #tpu.memory_space<vmem>> -> memref<128x128xf32, #tpu.memory_space<vmem>>
      %dma_wait3A_307 = arith.constant 0 : i32
      %dma_wait3A_308 = arith.constant 0 : i32
      %dma_wait3A_309 = tpu.memref_slice %arg2[%dma_wait3A_307, %dma_wait3A_308] : memref<10000x128xf32, #tpu.memory_space<hbm>> -> memref<128x128xf32, #tpu.memory_space<hbm>>
      tpu.wait_dma2 semaphore(%arg14 : memref<!tpu.dma_semaphore, #tpu.memory_space<semaphore_mem>>) src(%dma_wait3A_309 : memref<128x128xf32, #tpu.memory_space<hbm>>) dst(%dma_wait3A_306 : memref<128x128xf32, #tpu.memory_space<vmem>>)
      %dma_start3A_310 = arith.constant 0 : i32
      %dma_start3A_311 = arith.constant 0 : i32
      %dma_start3A_312 = arith.constant 0 : i32
      %dma_start3A_313 = tpu.memref_slice %arg12[%dma_start3A_310, %dma_start3A_311, %dma_start3A_312] : memref<2x128x128xf32, #tpu.memory_space<vmem>> -> memref<1x128x128xf32, #tpu.memory_space<vmem>>
      %dma_start3A_314 = tpu.memref_squeeze %dma_start3A_313 : memref<1x128x128xf32, #tpu.memory_space<vmem>> -> memref<128x128xf32, #tpu.memory_space<vmem>>
      %dma_start3A_315 = arith.constant 0 : i32
      %dma_start3A_316 = tpu.memref_slice %arg11[%add3A_294, %dma_start3A_315] : memref<40x128xi32, #tpu.memory_space<vmem>> -> memref<1x128xi32, #tpu.memory_space<vmem>>
      %dma_start3A_317 = tpu.memref_squeeze %dma_start3A_316 : memref<1x128xi32, #tpu.memory_space<vmem>> -> memref<128xi32, #tpu.memory_space<vmem>>
      %dma_start3A_318 = arith.constant 0 : i32
      %dma_start3A_319 = arith.constant 0 : i32
      %dma_start3A_320 = tpu.memref_slice %arg13[%dma_start3A_318, %dma_start3A_319] : memref<10112x128xf32, #tpu.memory_space<vmem_shared>> -> memref<10112x128xf32, #tpu.memory_space<vmem_shared>>
      tpu.enqueue_indirect_dma source(%dma_start3A_314 : memref<128x128xf32, #tpu.memory_space<vmem>>) target(%dma_start3A_320 : memref<10112x128xf32, #tpu.memory_space<vmem_shared>>) offsets(%dma_start3A_317 : memref<128xi32, #tpu.memory_space<vmem>>) semaphore(%arg16 : memref<!tpu.dma_semaphore, #tpu.memory_space<semaphore_mem>>) {add = true}
      %dma_start3A_321 = arith.constant 0 : i32
      %dma_start3A_322 = arith.constant 0 : i32
      %dma_start3A_323 = tpu.memref_slice %arg18[%dma_start3A_321, %dma_start3A_322] : memref<40x128xf32, #tpu.memory_space<vmem>> -> memref<1x128xf32, #tpu.memory_space<vmem>>
      %dma_start3A_324 = tpu.memref_squeeze %dma_start3A_323 : memref<1x128xf32, #tpu.memory_space<vmem>> -> memref<128xf32, #tpu.memory_space<vmem>>
      %dma_start3A_325 = arith.constant 0 : i32
      %dma_start3A_326 = tpu.memref_slice %arg11[%add3A_294, %dma_start3A_325] : memref<40x128xi32, #tpu.memory_space<vmem>> -> memref<1x128xi32, #tpu.memory_space<vmem>>
      %dma_start3A_327 = tpu.memref_squeeze %dma_start3A_326 : memref<1x128xi32, #tpu.memory_space<vmem>> -> memref<128xi32, #tpu.memory_space<vmem>>
      %dma_start3A_328 = arith.constant 0 : i32
      %dma_start3A_329 = tpu.memref_slice %arg20[%dma_start3A_328] : memref<10112xf32, #tpu.memory_space<vmem_shared>> -> memref<10112xf32, #tpu.memory_space<vmem_shared>>
      tpu.enqueue_indirect_dma source(%dma_start3A_324 : memref<128xf32, #tpu.memory_space<vmem>>) target(%dma_start3A_329 : memref<10112xf32, #tpu.memory_space<vmem_shared>>) offsets(%dma_start3A_327 : memref<128xi32, #tpu.memory_space<vmem>>) semaphore(%arg21 : memref<!tpu.dma_semaphore, #tpu.memory_space<semaphore_mem>>) {add = true}
      %dma_wait3A_330 = arith.constant 0 : i32
      %dma_wait3A_331 = arith.constant 0 : i32
      %dma_wait3A_332 = arith.constant 0 : i32
      %dma_wait3A_333 = tpu.memref_slice %arg12[%dma_wait3A_330, %dma_wait3A_331, %dma_wait3A_332] : memref<2x128x128xf32, #tpu.memory_space<vmem>> -> memref<1x128x128xf32, #tpu.memory_space<vmem>>
      %dma_wait3A_334 = tpu.memref_squeeze %dma_wait3A_333 : memref<1x128x128xf32, #tpu.memory_space<vmem>> -> memref<128x128xf32, #tpu.memory_space<vmem>>
      %dma_wait3A_335 = arith.constant 0 : i32
      %dma_wait3A_336 = arith.constant 0 : i32
      %dma_wait3A_337 = tpu.memref_slice %arg2[%dma_wait3A_335, %dma_wait3A_336] : memref<10000x128xf32, #tpu.memory_space<hbm>> -> memref<128x128xf32, #tpu.memory_space<hbm>>
      %dma_wait3A_338 = arith.constant 0 : i32
      %dma_wait3A_339 = arith.constant 0 : i32
      %dma_wait3A_340 = tpu.memref_slice %arg12[%dma_wait3A_330, %dma_wait3A_338, %dma_wait3A_339] : memref<2x128x128xf32, #tpu.memory_space<vmem>> -> memref<1x128x128xf32, #tpu.memory_space<vmem>>
      %dma_wait3A_341 = tpu.memref_squeeze %dma_wait3A_340 : memref<1x128x128xf32, #tpu.memory_space<vmem>> -> memref<128x128xf32, #tpu.memory_space<vmem>>
      %dma_wait3A_342 = arith.constant 0 : i32
      %dma_wait3A_343 = arith.constant 0 : i32
      %dma_wait3A_344 = tpu.memref_slice %arg2[%dma_wait3A_342, %dma_wait3A_343] : memref<10000x128xf32, #tpu.memory_space<hbm>> -> memref<128x128xf32, #tpu.memory_space<hbm>>
      tpu.wait_dma2 semaphore(%arg16 : memref<!tpu.dma_semaphore, #tpu.memory_space<semaphore_mem>>) src(%dma_wait3A_344 : memref<128x128xf32, #tpu.memory_space<hbm>>) dst(%dma_wait3A_341 : memref<128x128xf32, #tpu.memory_space<vmem>>)
      %add3A_345 = arith.constant 2 : i32
      %add3A_346 = arith.addi %add3A_294, %add3A_345 : i32
      %dma_start3A_347 = arith.constant 0 : i32
      %dma_start3A_348 = arith.constant 0 : i32
      %dma_start3A_349 = arith.constant 0 : i32
      %dma_start3A_350 = tpu.memref_slice %arg12[%dma_start3A_347, %dma_start3A_348, %dma_start3A_349] : memref<2x128x128xf32, #tpu.memory_space<vmem>> -> memref<1x128x128xf32, #tpu.memory_space<vmem>>
      %dma_start3A_351 = tpu.memref_squeeze %dma_start3A_350 : memref<1x128x128xf32, #tpu.memory_space<vmem>> -> memref<128x128xf32, #tpu.memory_space<vmem>>
      %dma_start3A_352 = arith.constant 0 : i32
      %dma_start3A_353 = tpu.memref_slice %arg10[%add3A_346, %dma_start3A_352] : memref<40x128xi32, #tpu.memory_space<vmem>> -> memref<1x128xi32, #tpu.memory_space<vmem>>
      %dma_start3A_354 = tpu.memref_squeeze %dma_start3A_353 : memref<1x128xi32, #tpu.memory_space<vmem>> -> memref<128xi32, #tpu.memory_space<vmem>>
      %dma_start3A_355 = arith.constant 0 : i32
      %dma_start3A_356 = arith.constant 0 : i32
      %dma_start3A_357 = tpu.memref_slice %arg2[%dma_start3A_355, %dma_start3A_356] : memref<10000x128xf32, #tpu.memory_space<hbm>> -> memref<10000x128xf32, #tpu.memory_space<hbm>>
      tpu.enqueue_indirect_dma source(%dma_start3A_357 : memref<10000x128xf32, #tpu.memory_space<hbm>>) target(%dma_start3A_351 : memref<128x128xf32, #tpu.memory_space<vmem>>) offsets(%dma_start3A_354 : memref<128xi32, #tpu.memory_space<vmem>>) semaphore(%arg14 : memref<!tpu.dma_semaphore, #tpu.memory_space<semaphore_mem>>)
      %add3A_358 = arith.constant 1 : i32
      %add3A_359 = arith.addi %mul3A_292, %add3A_358 : i32
      %dma_wait3A_360 = arith.constant 1 : i32
      %dma_wait3A_361 = arith.constant 0 : i32
      %dma_wait3A_362 = arith.constant 0 : i32
      %dma_wait3A_363 = tpu.memref_slice %arg12[%dma_wait3A_360, %dma_wait3A_361, %dma_wait3A_362] : memref<2x128x128xf32, #tpu.memory_space<vmem>> -> memref<1x128x128xf32, #tpu.memory_space<vmem>>
      %dma_wait3A_364 = tpu.memref_squeeze %dma_wait3A_363 : memref<1x128x128xf32, #tpu.memory_space<vmem>> -> memref<128x128xf32, #tpu.memory_space<vmem>>
      %dma_wait3A_365 = arith.constant 0 : i32
      %dma_wait3A_366 = arith.constant 0 : i32
      %dma_wait3A_367 = tpu.memref_slice %arg2[%dma_wait3A_365, %dma_wait3A_366] : memref<10000x128xf32, #tpu.memory_space<hbm>> -> memref<128x128xf32, #tpu.memory_space<hbm>>
      %dma_wait3A_368 = arith.constant 0 : i32
      %dma_wait3A_369 = arith.constant 0 : i32
      %dma_wait3A_370 = tpu.memref_slice %arg12[%dma_wait3A_360, %dma_wait3A_368, %dma_wait3A_369] : memref<2x128x128xf32, #tpu.memory_space<vmem>> -> memref<1x128x128xf32, #tpu.memory_space<vmem>>
      %dma_wait3A_371 = tpu.memref_squeeze %dma_wait3A_370 : memref<1x128x128xf32, #tpu.memory_space<vmem>> -> memref<128x128xf32, #tpu.memory_space<vmem>>
      %dma_wait3A_372 = arith.constant 0 : i32
      %dma_wait3A_373 = arith.constant 0 : i32
      %dma_wait3A_374 = tpu.memref_slice %arg2[%dma_wait3A_372, %dma_wait3A_373] : memref<10000x128xf32, #tpu.memory_space<hbm>> -> memref<128x128xf32, #tpu.memory_space<hbm>>
      tpu.wait_dma2 semaphore(%arg15 : memref<!tpu.dma_semaphore, #tpu.memory_space<semaphore_mem>>) src(%dma_wait3A_374 : memref<128x128xf32, #tpu.memory_space<hbm>>) dst(%dma_wait3A_371 : memref<128x128xf32, #tpu.memory_space<vmem>>)
      %dma_start3A_375 = arith.constant 1 : i32
      %dma_start3A_376 = arith.constant 0 : i32
      %dma_start3A_377 = arith.constant 0 : i32
      %dma_start3A_378 = tpu.memref_slice %arg12[%dma_start3A_375, %dma_start3A_376, %dma_start3A_377] : memref<2x128x128xf32, #tpu.memory_space<vmem>> -> memref<1x128x128xf32, #tpu.memory_space<vmem>>
      %dma_start3A_379 = tpu.memref_squeeze %dma_start3A_378 : memref<1x128x128xf32, #tpu.memory_space<vmem>> -> memref<128x128xf32, #tpu.memory_space<vmem>>
      %dma_start3A_380 = arith.constant 0 : i32
      %dma_start3A_381 = tpu.memref_slice %arg11[%add3A_359, %dma_start3A_380] : memref<40x128xi32, #tpu.memory_space<vmem>> -> memref<1x128xi32, #tpu.memory_space<vmem>>
      %dma_start3A_382 = tpu.memref_squeeze %dma_start3A_381 : memref<1x128xi32, #tpu.memory_space<vmem>> -> memref<128xi32, #tpu.memory_space<vmem>>
      %dma_start3A_383 = arith.constant 0 : i32
      %dma_start3A_384 = arith.constant 0 : i32
      %dma_start3A_385 = tpu.memref_slice %arg13[%dma_start3A_383, %dma_start3A_384] : memref<10112x128xf32, #tpu.memory_space<vmem_shared>> -> memref<10112x128xf32, #tpu.memory_space<vmem_shared>>
      tpu.enqueue_indirect_dma source(%dma_start3A_379 : memref<128x128xf32, #tpu.memory_space<vmem>>) target(%dma_start3A_385 : memref<10112x128xf32, #tpu.memory_space<vmem_shared>>) offsets(%dma_start3A_382 : memref<128xi32, #tpu.memory_space<vmem>>) semaphore(%arg17 : memref<!tpu.dma_semaphore, #tpu.memory_space<semaphore_mem>>) {add = true}
      %dma_start3A_386 = arith.constant 0 : i32
      %dma_start3A_387 = arith.constant 0 : i32
      %dma_start3A_388 = tpu.memref_slice %arg18[%dma_start3A_386, %dma_start3A_387] : memref<40x128xf32, #tpu.memory_space<vmem>> -> memref<1x128xf32, #tpu.memory_space<vmem>>
      %dma_start3A_389 = tpu.memref_squeeze %dma_start3A_388 : memref<1x128xf32, #tpu.memory_space<vmem>> -> memref<128xf32, #tpu.memory_space<vmem>>
      %dma_start3A_390 = arith.constant 0 : i32
      %dma_start3A_391 = tpu.memref_slice %arg11[%add3A_359, %dma_start3A_390] : memref<40x128xi32, #tpu.memory_space<vmem>> -> memref<1x128xi32, #tpu.memory_space<vmem>>
      %dma_start3A_392 = tpu.memref_squeeze %dma_start3A_391 : memref<1x128xi32, #tpu.memory_space<vmem>> -> memref<128xi32, #tpu.memory_space<vmem>>
      %dma_start3A_393 = arith.constant 0 : i32
      %dma_start3A_394 = tpu.memref_slice %arg20[%dma_start3A_393] : memref<10112xf32, #tpu.memory_space<vmem_shared>> -> memref<10112xf32, #tpu.memory_space<vmem_shared>>
      tpu.enqueue_indirect_dma source(%dma_start3A_389 : memref<128xf32, #tpu.memory_space<vmem>>) target(%dma_start3A_394 : memref<10112xf32, #tpu.memory_space<vmem_shared>>) offsets(%dma_start3A_392 : memref<128xi32, #tpu.memory_space<vmem>>) semaphore(%arg21 : memref<!tpu.dma_semaphore, #tpu.memory_space<semaphore_mem>>) {add = true}
      %dma_wait3A_395 = arith.constant 1 : i32
      %dma_wait3A_396 = arith.constant 0 : i32
      %dma_wait3A_397 = arith.constant 0 : i32
      %dma_wait3A_398 = tpu.memref_slice %arg12[%dma_wait3A_395, %dma_wait3A_396, %dma_wait3A_397] : memref<2x128x128xf32, #tpu.memory_space<vmem>> -> memref<1x128x128xf32, #tpu.memory_space<vmem>>
      %dma_wait3A_399 = tpu.memref_squeeze %dma_wait3A_398 : memref<1x128x128xf32, #tpu.memory_space<vmem>> -> memref<128x128xf32, #tpu.memory_space<vmem>>
      %dma_wait3A_400 = arith.constant 0 : i32
      %dma_wait3A_401 = arith.constant 0 : i32
      %dma_wait3A_402 = tpu.memref_slice %arg2[%dma_wait3A_400, %dma_wait3A_401] : memref<10000x128xf32, #tpu.memory_space<hbm>> -> memref<128x128xf32, #tpu.memory_space<hbm>>
      %dma_wait3A_403 = arith.constant 0 : i32
      %dma_wait3A_404 = arith.constant 0 : i32
      %dma_wait3A_405 = tpu.memref_slice %arg12[%dma_wait3A_395, %dma_wait3A_403, %dma_wait3A_404] : memref<2x128x128xf32, #tpu.memory_space<vmem>> -> memref<1x128x128xf32, #tpu.memory_space<vmem>>
      %dma_wait3A_406 = tpu.memref_squeeze %dma_wait3A_405 : memref<1x128x128xf32, #tpu.memory_space<vmem>> -> memref<128x128xf32, #tpu.memory_space<vmem>>
      %dma_wait3A_407 = arith.constant 0 : i32
      %dma_wait3A_408 = arith.constant 0 : i32
      %dma_wait3A_409 = tpu.memref_slice %arg2[%dma_wait3A_407, %dma_wait3A_408] : memref<10000x128xf32, #tpu.memory_space<hbm>> -> memref<128x128xf32, #tpu.memory_space<hbm>>
      tpu.wait_dma2 semaphore(%arg17 : memref<!tpu.dma_semaphore, #tpu.memory_space<semaphore_mem>>) src(%dma_wait3A_409 : memref<128x128xf32, #tpu.memory_space<hbm>>) dst(%dma_wait3A_406 : memref<128x128xf32, #tpu.memory_space<vmem>>)
      %add3A_410 = arith.constant 2 : i32
      %add3A_411 = arith.addi %add3A_359, %add3A_410 : i32
      %dma_start3A_412 = arith.constant 1 : i32
      %dma_start3A_413 = arith.constant 0 : i32
      %dma_start3A_414 = arith.constant 0 : i32
      %dma_start3A_415 = tpu.memref_slice %arg12[%dma_start3A_412, %dma_start3A_413, %dma_start3A_414] : memref<2x128x128xf32, #tpu.memory_space<vmem>> -> memref<1x128x128xf32, #tpu.memory_space<vmem>>
      %dma_start3A_416 = tpu.memref_squeeze %dma_start3A_415 : memref<1x128x128xf32, #tpu.memory_space<vmem>> -> memref<128x128xf32, #tpu.memory_space<vmem>>
      %dma_start3A_417 = arith.constant 0 : i32
      %dma_start3A_418 = tpu.memref_slice %arg10[%add3A_411, %dma_start3A_417] : memref<40x128xi32, #tpu.memory_space<vmem>> -> memref<1x128xi32, #tpu.memory_space<vmem>>
      %dma_start3A_419 = tpu.memref_squeeze %dma_start3A_418 : memref<1x128xi32, #tpu.memory_space<vmem>> -> memref<128xi32, #tpu.memory_space<vmem>>
      %dma_start3A_420 = arith.constant 0 : i32
      %dma_start3A_421 = arith.constant 0 : i32
      %dma_start3A_422 = tpu.memref_slice %arg2[%dma_start3A_420, %dma_start3A_421] : memref<10000x128xf32, #tpu.memory_space<hbm>> -> memref<10000x128xf32, #tpu.memory_space<hbm>>
      tpu.enqueue_indirect_dma source(%dma_start3A_422 : memref<10000x128xf32, #tpu.memory_space<hbm>>) target(%dma_start3A_416 : memref<128x128xf32, #tpu.memory_space<vmem>>) offsets(%dma_start3A_419 : memref<128xi32, #tpu.memory_space<vmem>>) semaphore(%arg15 : memref<!tpu.dma_semaphore, #tpu.memory_space<semaphore_mem>>)
    }
    %scan3A_175 = arith.constant 19 : i32
    %dma_wait3A_176 = arith.constant 0 : i32
    %dma_wait3A_177 = arith.constant 0 : i32
    %dma_wait3A_178 = arith.constant 0 : i32
    %dma_wait3A_179 = tpu.memref_slice %arg12[%dma_wait3A_176, %dma_wait3A_177, %dma_wait3A_178] : memref<2x128x128xf32, #tpu.memory_space<vmem>> -> memref<1x128x128xf32, #tpu.memory_space<vmem>>
    %dma_wait3A_180 = tpu.memref_squeeze %dma_wait3A_179 : memref<1x128x128xf32, #tpu.memory_space<vmem>> -> memref<128x128xf32, #tpu.memory_space<vmem>>
    %dma_wait3A_181 = arith.constant 0 : i32
    %dma_wait3A_182 = arith.constant 0 : i32
    %dma_wait3A_183 = tpu.memref_slice %arg2[%dma_wait3A_181, %dma_wait3A_182] : memref<10000x128xf32, #tpu.memory_space<hbm>> -> memref<128x128xf32, #tpu.memory_space<hbm>>
    %dma_wait3A_184 = arith.constant 0 : i32
    %dma_wait3A_185 = arith.constant 0 : i32
    %dma_wait3A_186 = tpu.memref_slice %arg12[%dma_wait3A_176, %dma_wait3A_184, %dma_wait3A_185] : memref<2x128x128xf32, #tpu.memory_space<vmem>> -> memref<1x128x128xf32, #tpu.memory_space<vmem>>
    %dma_wait3A_187 = tpu.memref_squeeze %dma_wait3A_186 : memref<1x128x128xf32, #tpu.memory_space<vmem>> -> memref<128x128xf32, #tpu.memory_space<vmem>>
    %dma_wait3A_188 = arith.constant 0 : i32
    %dma_wait3A_189 = arith.constant 0 : i32
    %dma_wait3A_190 = tpu.memref_slice %arg2[%dma_wait3A_188, %dma_wait3A_189] : memref<10000x128xf32, #tpu.memory_space<hbm>> -> memref<128x128xf32, #tpu.memory_space<hbm>>
    tpu.wait_dma2 semaphore(%arg14 : memref<!tpu.dma_semaphore, #tpu.memory_space<semaphore_mem>>) src(%dma_wait3A_190 : memref<128x128xf32, #tpu.memory_space<hbm>>) dst(%dma_wait3A_187 : memref<128x128xf32, #tpu.memory_space<vmem>>)
    %dma_start3A_191 = arith.constant 0 : i32
    %dma_start3A_192 = arith.constant 38 : i32
    %dma_start3A_193 = arith.constant 0 : i32
    %dma_start3A_194 = arith.constant 0 : i32
    %dma_start3A_195 = tpu.memref_slice %arg12[%dma_start3A_191, %dma_start3A_193, %dma_start3A_194] : memref<2x128x128xf32, #tpu.memory_space<vmem>> -> memref<1x128x128xf32, #tpu.memory_space<vmem>>
    %dma_start3A_196 = tpu.memref_squeeze %dma_start3A_195 : memref<1x128x128xf32, #tpu.memory_space<vmem>> -> memref<128x128xf32, #tpu.memory_space<vmem>>
    %dma_start3A_197 = arith.constant 0 : i32
    %dma_start3A_198 = tpu.memref_slice %arg11[%dma_start3A_192, %dma_start3A_197] : memref<40x128xi32, #tpu.memory_space<vmem>> -> memref<1x128xi32, #tpu.memory_space<vmem>>
    %dma_start3A_199 = tpu.memref_squeeze %dma_start3A_198 : memref<1x128xi32, #tpu.memory_space<vmem>> -> memref<128xi32, #tpu.memory_space<vmem>>
    %dma_start3A_200 = arith.constant 0 : i32
    %dma_start3A_201 = arith.constant 0 : i32
    %dma_start3A_202 = tpu.memref_slice %arg13[%dma_start3A_200, %dma_start3A_201] : memref<10112x128xf32, #tpu.memory_space<vmem_shared>> -> memref<10112x128xf32, #tpu.memory_space<vmem_shared>>
    tpu.enqueue_indirect_dma source(%dma_start3A_196 : memref<128x128xf32, #tpu.memory_space<vmem>>) target(%dma_start3A_202 : memref<10112x128xf32, #tpu.memory_space<vmem_shared>>) offsets(%dma_start3A_199 : memref<128xi32, #tpu.memory_space<vmem>>) semaphore(%arg16 : memref<!tpu.dma_semaphore, #tpu.memory_space<semaphore_mem>>) {add = true}
    %dma_start3A_203 = arith.constant 0 : i32
    %dma_start3A_204 = arith.constant 38 : i32
    %dma_start3A_205 = arith.constant 0 : i32
    %dma_start3A_206 = tpu.memref_slice %arg18[%dma_start3A_203, %dma_start3A_205] : memref<40x128xf32, #tpu.memory_space<vmem>> -> memref<1x128xf32, #tpu.memory_space<vmem>>
    %dma_start3A_207 = tpu.memref_squeeze %dma_start3A_206 : memref<1x128xf32, #tpu.memory_space<vmem>> -> memref<128xf32, #tpu.memory_space<vmem>>
    %dma_start3A_208 = arith.constant 0 : i32
    %dma_start3A_209 = tpu.memref_slice %arg11[%dma_start3A_204, %dma_start3A_208] : memref<40x128xi32, #tpu.memory_space<vmem>> -> memref<1x128xi32, #tpu.memory_space<vmem>>
    %dma_start3A_210 = tpu.memref_squeeze %dma_start3A_209 : memref<1x128xi32, #tpu.memory_space<vmem>> -> memref<128xi32, #tpu.memory_space<vmem>>
    %dma_start3A_211 = arith.constant 0 : i32
    %dma_start3A_212 = tpu.memref_slice %arg20[%dma_start3A_211] : memref<10112xf32, #tpu.memory_space<vmem_shared>> -> memref<10112xf32, #tpu.memory_space<vmem_shared>>
    tpu.enqueue_indirect_dma source(%dma_start3A_207 : memref<128xf32, #tpu.memory_space<vmem>>) target(%dma_start3A_212 : memref<10112xf32, #tpu.memory_space<vmem_shared>>) offsets(%dma_start3A_210 : memref<128xi32, #tpu.memory_space<vmem>>) semaphore(%arg21 : memref<!tpu.dma_semaphore, #tpu.memory_space<semaphore_mem>>) {add = true}
    %dma_wait3A_213 = arith.constant 1 : i32
    %dma_wait3A_214 = arith.constant 0 : i32
    %dma_wait3A_215 = arith.constant 0 : i32
    %dma_wait3A_216 = tpu.memref_slice %arg12[%dma_wait3A_213, %dma_wait3A_214, %dma_wait3A_215] : memref<2x128x128xf32, #tpu.memory_space<vmem>> -> memref<1x128x128xf32, #tpu.memory_space<vmem>>
    %dma_wait3A_217 = tpu.memref_squeeze %dma_wait3A_216 : memref<1x128x128xf32, #tpu.memory_space<vmem>> -> memref<128x128xf32, #tpu.memory_space<vmem>>
    %dma_wait3A_218 = arith.constant 0 : i32
    %dma_wait3A_219 = arith.constant 0 : i32
    %dma_wait3A_220 = tpu.memref_slice %arg2[%dma_wait3A_218, %dma_wait3A_219] : memref<10000x128xf32, #tpu.memory_space<hbm>> -> memref<128x128xf32, #tpu.memory_space<hbm>>
    %dma_wait3A_221 = arith.constant 0 : i32
    %dma_wait3A_222 = arith.constant 0 : i32
    %dma_wait3A_223 = tpu.memref_slice %arg12[%dma_wait3A_213, %dma_wait3A_221, %dma_wait3A_222] : memref<2x128x128xf32, #tpu.memory_space<vmem>> -> memref<1x128x128xf32, #tpu.memory_space<vmem>>
    %dma_wait3A_224 = tpu.memref_squeeze %dma_wait3A_223 : memref<1x128x128xf32, #tpu.memory_space<vmem>> -> memref<128x128xf32, #tpu.memory_space<vmem>>
    %dma_wait3A_225 = arith.constant 0 : i32
    %dma_wait3A_226 = arith.constant 0 : i32
    %dma_wait3A_227 = tpu.memref_slice %arg2[%dma_wait3A_225, %dma_wait3A_226] : memref<10000x128xf32, #tpu.memory_space<hbm>> -> memref<128x128xf32, #tpu.memory_space<hbm>>
    tpu.wait_dma2 semaphore(%arg15 : memref<!tpu.dma_semaphore, #tpu.memory_space<semaphore_mem>>) src(%dma_wait3A_227 : memref<128x128xf32, #tpu.memory_space<hbm>>) dst(%dma_wait3A_224 : memref<128x128xf32, #tpu.memory_space<vmem>>)
    %dma_start3A_228 = arith.constant 1 : i32
    %dma_start3A_229 = arith.constant 39 : i32
    %dma_start3A_230 = arith.constant 0 : i32
    %dma_start3A_231 = arith.constant 0 : i32
    %dma_start3A_232 = tpu.memref_slice %arg12[%dma_start3A_228, %dma_start3A_230, %dma_start3A_231] : memref<2x128x128xf32, #tpu.memory_space<vmem>> -> memref<1x128x128xf32, #tpu.memory_space<vmem>>
    %dma_start3A_233 = tpu.memref_squeeze %dma_start3A_232 : memref<1x128x128xf32, #tpu.memory_space<vmem>> -> memref<128x128xf32, #tpu.memory_space<vmem>>
    %dma_start3A_234 = arith.constant 0 : i32
    %dma_start3A_235 = tpu.memref_slice %arg11[%dma_start3A_229, %dma_start3A_234] : memref<40x128xi32, #tpu.memory_space<vmem>> -> memref<1x128xi32, #tpu.memory_space<vmem>>
    %dma_start3A_236 = tpu.memref_squeeze %dma_start3A_235 : memref<1x128xi32, #tpu.memory_space<vmem>> -> memref<128xi32, #tpu.memory_space<vmem>>
    %dma_start3A_237 = arith.constant 0 : i32
    %dma_start3A_238 = arith.constant 0 : i32
    %dma_start3A_239 = tpu.memref_slice %arg13[%dma_start3A_237, %dma_start3A_238] : memref<10112x128xf32, #tpu.memory_space<vmem_shared>> -> memref<10112x128xf32, #tpu.memory_space<vmem_shared>>
    tpu.enqueue_indirect_dma source(%dma_start3A_233 : memref<128x128xf32, #tpu.memory_space<vmem>>) target(%dma_start3A_239 : memref<10112x128xf32, #tpu.memory_space<vmem_shared>>) offsets(%dma_start3A_236 : memref<128xi32, #tpu.memory_space<vmem>>) semaphore(%arg17 : memref<!tpu.dma_semaphore, #tpu.memory_space<semaphore_mem>>) {add = true}
    %dma_start3A_240 = arith.constant 0 : i32
    %dma_start3A_241 = arith.constant 39 : i32
    %dma_start3A_242 = arith.constant 0 : i32
    %dma_start3A_243 = tpu.memref_slice %arg18[%dma_start3A_240, %dma_start3A_242] : memref<40x128xf32, #tpu.memory_space<vmem>> -> memref<1x128xf32, #tpu.memory_space<vmem>>
    %dma_start3A_244 = tpu.memref_squeeze %dma_start3A_243 : memref<1x128xf32, #tpu.memory_space<vmem>> -> memref<128xf32, #tpu.memory_space<vmem>>
    %dma_start3A_245 = arith.constant 0 : i32
    %dma_start3A_246 = tpu.memref_slice %arg11[%dma_start3A_241, %dma_start3A_245] : memref<40x128xi32, #tpu.memory_space<vmem>> -> memref<1x128xi32, #tpu.memory_space<vmem>>
    %dma_start3A_247 = tpu.memref_squeeze %dma_start3A_246 : memref<1x128xi32, #tpu.memory_space<vmem>> -> memref<128xi32, #tpu.memory_space<vmem>>
    %dma_start3A_248 = arith.constant 0 : i32
    %dma_start3A_249 = tpu.memref_slice %arg20[%dma_start3A_248] : memref<10112xf32, #tpu.memory_space<vmem_shared>> -> memref<10112xf32, #tpu.memory_space<vmem_shared>>
    tpu.enqueue_indirect_dma source(%dma_start3A_244 : memref<128xf32, #tpu.memory_space<vmem>>) target(%dma_start3A_249 : memref<10112xf32, #tpu.memory_space<vmem_shared>>) offsets(%dma_start3A_247 : memref<128xi32, #tpu.memory_space<vmem>>) semaphore(%arg21 : memref<!tpu.dma_semaphore, #tpu.memory_space<semaphore_mem>>) {add = true}
    %dma_wait3A_250 = arith.constant 0 : i32
    %dma_wait3A_251 = arith.constant 0 : i32
    %dma_wait3A_252 = arith.constant 0 : i32
    %dma_wait3A_253 = tpu.memref_slice %arg12[%dma_wait3A_250, %dma_wait3A_251, %dma_wait3A_252] : memref<2x128x128xf32, #tpu.memory_space<vmem>> -> memref<1x128x128xf32, #tpu.memory_space<vmem>>
    %dma_wait3A_254 = tpu.memref_squeeze %dma_wait3A_253 : memref<1x128x128xf32, #tpu.memory_space<vmem>> -> memref<128x128xf32, #tpu.memory_space<vmem>>
    %dma_wait3A_255 = arith.constant 0 : i32
    %dma_wait3A_256 = arith.constant 0 : i32
    %dma_wait3A_257 = tpu.memref_slice %arg2[%dma_wait3A_255, %dma_wait3A_256] : memref<10000x128xf32, #tpu.memory_space<hbm>> -> memref<128x128xf32, #tpu.memory_space<hbm>>
    %dma_wait3A_258 = arith.constant 0 : i32
    %dma_wait3A_259 = arith.constant 0 : i32
    %dma_wait3A_260 = tpu.memref_slice %arg12[%dma_wait3A_250, %dma_wait3A_258, %dma_wait3A_259] : memref<2x128x128xf32, #tpu.memory_space<vmem>> -> memref<1x128x128xf32, #tpu.memory_space<vmem>>
    %dma_wait3A_261 = tpu.memref_squeeze %dma_wait3A_260 : memref<1x128x128xf32, #tpu.memory_space<vmem>> -> memref<128x128xf32, #tpu.memory_space<vmem>>
    %dma_wait3A_262 = arith.constant 0 : i32
    %dma_wait3A_263 = arith.constant 0 : i32
    %dma_wait3A_264 = tpu.memref_slice %arg2[%dma_wait3A_262, %dma_wait3A_263] : memref<10000x128xf32, #tpu.memory_space<hbm>> -> memref<128x128xf32, #tpu.memory_space<hbm>>
    tpu.wait_dma2 semaphore(%arg16 : memref<!tpu.dma_semaphore, #tpu.memory_space<semaphore_mem>>) src(%dma_wait3A_264 : memref<128x128xf32, #tpu.memory_space<hbm>>) dst(%dma_wait3A_261 : memref<128x128xf32, #tpu.memory_space<vmem>>)
    %dma_wait3A_265 = arith.constant 1 : i32
    %dma_wait3A_266 = arith.constant 0 : i32
    %dma_wait3A_267 = arith.constant 0 : i32
    %dma_wait3A_268 = tpu.memref_slice %arg12[%dma_wait3A_265, %dma_wait3A_266, %dma_wait3A_267] : memref<2x128x128xf32, #tpu.memory_space<vmem>> -> memref<1x128x128xf32, #tpu.memory_space<vmem>>
    %dma_wait3A_269 = tpu.memref_squeeze %dma_wait3A_268 : memref<1x128x128xf32, #tpu.memory_space<vmem>> -> memref<128x128xf32, #tpu.memory_space<vmem>>
    %dma_wait3A_270 = arith.constant 0 : i32
    %dma_wait3A_271 = arith.constant 0 : i32
    %dma_wait3A_272 = tpu.memref_slice %arg2[%dma_wait3A_270, %dma_wait3A_271] : memref<10000x128xf32, #tpu.memory_space<hbm>> -> memref<128x128xf32, #tpu.memory_space<hbm>>
    %dma_wait3A_273 = arith.constant 0 : i32
    %dma_wait3A_274 = arith.constant 0 : i32
    %dma_wait3A_275 = tpu.memref_slice %arg12[%dma_wait3A_265, %dma_wait3A_273, %dma_wait3A_274] : memref<2x128x128xf32, #tpu.memory_space<vmem>> -> memref<1x128x128xf32, #tpu.memory_space<vmem>>
    %dma_wait3A_276 = tpu.memref_squeeze %dma_wait3A_275 : memref<1x128x128xf32, #tpu.memory_space<vmem>> -> memref<128x128xf32, #tpu.memory_space<vmem>>
    %dma_wait3A_277 = arith.constant 0 : i32
    %dma_wait3A_278 = arith.constant 0 : i32
    %dma_wait3A_279 = tpu.memref_slice %arg2[%dma_wait3A_277, %dma_wait3A_278] : memref<10000x128xf32, #tpu.memory_space<hbm>> -> memref<128x128xf32, #tpu.memory_space<hbm>>
    tpu.wait_dma2 semaphore(%arg17 : memref<!tpu.dma_semaphore, #tpu.memory_space<semaphore_mem>>) src(%dma_wait3A_279 : memref<128x128xf32, #tpu.memory_space<hbm>>) dst(%dma_wait3A_276 : memref<128x128xf32, #tpu.memory_space<vmem>>)
    tpu.wait_dma2 semaphore(%arg21 : memref<!tpu.dma_semaphore, #tpu.memory_space<semaphore_mem>>) src(%arg6 : memref<1280xf32, #tpu.memory_space<hbm>>) dst(%arg19 : memref<1280xf32, #tpu.memory_space<vmem>>)
    tpu.wait_dma2 semaphore(%arg21 : memref<!tpu.dma_semaphore, #tpu.memory_space<semaphore_mem>>) src(%arg6 : memref<1280xf32, #tpu.memory_space<hbm>>) dst(%arg19 : memref<1280xf32, #tpu.memory_space<vmem>>)
    tpu.wait_dma2 semaphore(%arg21 : memref<!tpu.dma_semaphore, #tpu.memory_space<semaphore_mem>>) src(%arg6 : memref<1280xf32, #tpu.memory_space<hbm>>) dst(%arg19 : memref<1280xf32, #tpu.memory_space<vmem>>)
    tpu.wait_dma2 semaphore(%arg21 : memref<!tpu.dma_semaphore, #tpu.memory_space<semaphore_mem>>) src(%arg6 : memref<1280xf32, #tpu.memory_space<hbm>>) dst(%arg19 : memref<1280xf32, #tpu.memory_space<vmem>>)
    %barrier3A_280 = arith.constant 0 : index
    tpu.barrier barrier_id(%barrier3A_280)
    %mul3A_281 = arith.constant 632 : i32
    %mul3A_282 = arith.muli %arg1, %mul3A_281 : i32
    %mul3A_283 = arith.constant 632 : i32
    %mul3A_284 = arith.muli %arg1, %mul3A_283 : i32
    "tpu.region"() ({
      %run_scoped3A = tpu.sem_alloc : memref<!tpu.dma_semaphore, #tpu.memory_space<semaphore_mem>>
      %dma_start3A_290 = arith.constant 0 : i32
      %dma_start3A_291 = tpu.memref_slice %arg8[%arg0, %mul3A_284, %dma_start3A_290] : memref<2x10112x128xf32, #tpu.memory_space<hbm>> -> memref<1x632x128xf32, #tpu.memory_space<hbm>>
      %dma_start3A_292 = tpu.memref_squeeze %dma_start3A_291 : memref<1x632x128xf32, #tpu.memory_space<hbm>> -> memref<632x128xf32, #tpu.memory_space<hbm>>
      %dma_start3A_293 = arith.constant 0 : i32
      %dma_start3A_294 = tpu.memref_slice %arg13[%mul3A_282, %dma_start3A_293] : memref<10112x128xf32, #tpu.memory_space<vmem_shared>> -> memref<632x128xf32, #tpu.memory_space<vmem_shared>>
      tpu.enqueue_dma source(%dma_start3A_294 : memref<632x128xf32, #tpu.memory_space<vmem_shared>>) target(%dma_start3A_292 : memref<632x128xf32, #tpu.memory_space<hbm>>) target_semaphore(%run_scoped3A : memref<!tpu.dma_semaphore, #tpu.memory_space<semaphore_mem>>)
      %dma_wait3A_295 = arith.constant 0 : i32
      %dma_wait3A_296 = tpu.memref_slice %arg8[%arg0, %mul3A_284, %dma_wait3A_295] : memref<2x10112x128xf32, #tpu.memory_space<hbm>> -> memref<1x632x128xf32, #tpu.memory_space<hbm>>
      %dma_wait3A_297 = tpu.memref_squeeze %dma_wait3A_296 : memref<1x632x128xf32, #tpu.memory_space<hbm>> -> memref<632x128xf32, #tpu.memory_space<hbm>>
      %dma_wait3A_298 = arith.constant 0 : i32
      %dma_wait3A_299 = tpu.memref_slice %arg13[%mul3A_282, %dma_wait3A_298] : memref<10112x128xf32, #tpu.memory_space<vmem_shared>> -> memref<632x128xf32, #tpu.memory_space<vmem_shared>>
      tpu.wait_dma2 semaphore(%run_scoped3A : memref<!tpu.dma_semaphore, #tpu.memory_space<semaphore_mem>>) src(%dma_wait3A_299 : memref<632x128xf32, #tpu.memory_space<vmem_shared>>) dst(%dma_wait3A_297 : memref<632x128xf32, #tpu.memory_space<hbm>>)
      tpu.yield
    }) : () -> ()
    %eq3A_285 = arith.constant 0 : i32
    %eq3A_286 = arith.cmpi eq, %arg1, %eq3A_285 : i32
    %convert_element_type3A_287 = arith.extui %eq3A_286 : i1 to i32
    %cond3A_288 = arith.constant 0 : i32
    %cond3A_289 = arith.cmpi ne, %convert_element_type3A_287, %cond3A_288 : i32
    scf.if %cond3A_289 {
      "tpu.region"() ({
        %run_scoped3A = tpu.sem_alloc : memref<!tpu.dma_semaphore, #tpu.memory_space<semaphore_mem>>
        %dma_start3A_323 = arith.constant 0 : i32
        %dma_start3A_324 = tpu.memref_slice %arg20[%dma_start3A_323] : memref<10112xf32, #tpu.memory_space<vmem_shared>> -> memref<1280xf32, #tpu.memory_space<vmem_shared>>
        %dma_start3A_325 = arith.constant 0 : i32
        %dma_start3A_326 = tpu.memref_slice %arg20[%dma_start3A_325] : memref<10112xf32, #tpu.memory_space<vmem_shared>> -> memref<1280xf32, #tpu.memory_space<vmem_shared>>
        tpu.enqueue_dma source(%dma_start3A_326 : memref<1280xf32, #tpu.memory_space<vmem_shared>>) target(%arg19 : memref<1280xf32, #tpu.memory_space<vmem>>) target_semaphore(%run_scoped3A : memref<!tpu.dma_semaphore, #tpu.memory_space<semaphore_mem>>)
        %dma_wait3A_327 = arith.constant 0 : i32
        %dma_wait3A_328 = tpu.memref_slice %arg20[%dma_wait3A_327] : memref<10112xf32, #tpu.memory_space<vmem_shared>> -> memref<1280xf32, #tpu.memory_space<vmem_shared>>
        %dma_wait3A_329 = arith.constant 0 : i32
        %dma_wait3A_330 = tpu.memref_slice %arg20[%dma_wait3A_329] : memref<10112xf32, #tpu.memory_space<vmem_shared>> -> memref<1280xf32, #tpu.memory_space<vmem_shared>>
        tpu.wait_dma2 semaphore(%run_scoped3A : memref<!tpu.dma_semaphore, #tpu.memory_space<semaphore_mem>>) src(%dma_wait3A_330 : memref<1280xf32, #tpu.memory_space<vmem_shared>>) dst(%arg19 : memref<1280xf32, #tpu.memory_space<vmem>>)
        tpu.yield
      }) : () -> ()
      %mul3A_290 = arith.constant 10112 : i32
      %mul3A_291 = arith.muli %arg0, %mul3A_290 : i32
      %add3A_292 = arith.constant 0 : i32
      %add3A_293 = arith.addi %mul3A_291, %add3A_292 : i32
      "tpu.region"() ({
        %run_scoped3A = tpu.sem_alloc : memref<!tpu.dma_semaphore, #tpu.memory_space<semaphore_mem>>
        %dma_start3A_323 = tpu.memref_slice %arg9[%add3A_293] : memref<20224xf32, #tpu.memory_space<hbm>> -> memref<1280xf32, #tpu.memory_space<hbm>>
        %dma_start3A_324 = tpu.memref_slice %arg9[%add3A_293] : memref<20224xf32, #tpu.memory_space<hbm>> -> memref<1280xf32, #tpu.memory_space<hbm>>
        tpu.enqueue_dma source(%arg19 : memref<1280xf32, #tpu.memory_space<vmem>>) target(%dma_start3A_324 : memref<1280xf32, #tpu.memory_space<hbm>>) target_semaphore(%run_scoped3A : memref<!tpu.dma_semaphore, #tpu.memory_space<semaphore_mem>>)
        %dma_wait3A_325 = tpu.memref_slice %arg9[%add3A_293] : memref<20224xf32, #tpu.memory_space<hbm>> -> memref<1280xf32, #tpu.memory_space<hbm>>
        %dma_wait3A_326 = tpu.memref_slice %arg9[%add3A_293] : memref<20224xf32, #tpu.memory_space<hbm>> -> memref<1280xf32, #tpu.memory_space<hbm>>
        tpu.wait_dma2 semaphore(%run_scoped3A : memref<!tpu.dma_semaphore, #tpu.memory_space<semaphore_mem>>) src(%arg19 : memref<1280xf32, #tpu.memory_space<vmem>>) dst(%dma_wait3A_326 : memref<1280xf32, #tpu.memory_space<hbm>>)
        tpu.yield
      }) : () -> ()
      "tpu.region"() ({
        %run_scoped3A = tpu.sem_alloc : memref<!tpu.dma_semaphore, #tpu.memory_space<semaphore_mem>>
        %dma_start3A_323 = arith.constant 1280 : i32
        %dma_start3A_324 = tpu.memref_slice %arg20[%dma_start3A_323] : memref<10112xf32, #tpu.memory_space<vmem_shared>> -> memref<1280xf32, #tpu.memory_space<vmem_shared>>
        %dma_start3A_325 = arith.constant 1280 : i32
        %dma_start3A_326 = tpu.memref_slice %arg20[%dma_start3A_325] : memref<10112xf32, #tpu.memory_space<vmem_shared>> -> memref<1280xf32, #tpu.memory_space<vmem_shared>>
        tpu.enqueue_dma source(%dma_start3A_326 : memref<1280xf32, #tpu.memory_space<vmem_shared>>) target(%arg19 : memref<1280xf32, #tpu.memory_space<vmem>>) target_semaphore(%run_scoped3A : memref<!tpu.dma_semaphore, #tpu.memory_space<semaphore_mem>>)
        %dma_wait3A_327 = arith.constant 1280 : i32
        %dma_wait3A_328 = tpu.memref_slice %arg20[%dma_wait3A_327] : memref<10112xf32, #tpu.memory_space<vmem_shared>> -> memref<1280xf32, #tpu.memory_space<vmem_shared>>
        %dma_wait3A_329 = arith.constant 1280 : i32
        %dma_wait3A_330 = tpu.memref_slice %arg20[%dma_wait3A_329] : memref<10112xf32, #tpu.memory_space<vmem_shared>> -> memref<1280xf32, #tpu.memory_space<vmem_shared>>
        tpu.wait_dma2 semaphore(%run_scoped3A : memref<!tpu.dma_semaphore, #tpu.memory_space<semaphore_mem>>) src(%dma_wait3A_330 : memref<1280xf32, #tpu.memory_space<vmem_shared>>) dst(%arg19 : memref<1280xf32, #tpu.memory_space<vmem>>)
        tpu.yield
      }) : () -> ()
      %mul3A_294 = arith.constant 10112 : i32
      %mul3A_295 = arith.muli %arg0, %mul3A_294 : i32
      %add3A_296 = arith.constant 1280 : i32
      %add3A_297 = arith.addi %mul3A_295, %add3A_296 : i32
      "tpu.region"() ({
        %run_scoped3A = tpu.sem_alloc : memref<!tpu.dma_semaphore, #tpu.memory_space<semaphore_mem>>
        %dma_start3A_323 = tpu.memref_slice %arg9[%add3A_297] : memref<20224xf32, #tpu.memory_space<hbm>> -> memref<1280xf32, #tpu.memory_space<hbm>>
        %dma_start3A_324 = tpu.memref_slice %arg9[%add3A_297] : memref<20224xf32, #tpu.memory_space<hbm>> -> memref<1280xf32, #tpu.memory_space<hbm>>
        tpu.enqueue_dma source(%arg19 : memref<1280xf32, #tpu.memory_space<vmem>>) target(%dma_start3A_324 : memref<1280xf32, #tpu.memory_space<hbm>>) target_semaphore(%run_scoped3A : memref<!tpu.dma_semaphore, #tpu.memory_space<semaphore_mem>>)
        %dma_wait3A_325 = tpu.memref_slice %arg9[%add3A_297] : memref<20224xf32, #tpu.memory_space<hbm>> -> memref<1280xf32, #tpu.memory_space<hbm>>
        %dma_wait3A_326 = tpu.memref_slice %arg9[%add3A_297] : memref<20224xf32, #tpu.memory_space<hbm>> -> memref<1280xf32, #tpu.memory_space<hbm>>
        tpu.wait_dma2 semaphore(%run_scoped3A : memref<!tpu.dma_semaphore, #tpu.memory_space<semaphore_mem>>) src(%arg19 : memref<1280xf32, #tpu.memory_space<vmem>>) dst(%dma_wait3A_326 : memref<1280xf32, #tpu.memory_space<hbm>>)
        tpu.yield
      }) : () -> ()
      "tpu.region"() ({
        %run_scoped3A = tpu.sem_alloc : memref<!tpu.dma_semaphore, #tpu.memory_space<semaphore_mem>>
        %dma_start3A_323 = arith.constant 2560 : i32
        %dma_start3A_324 = tpu.memref_slice %arg20[%dma_start3A_323] : memref<10112xf32, #tpu.memory_space<vmem_shared>> -> memref<1280xf32, #tpu.memory_space<vmem_shared>>
        %dma_start3A_325 = arith.constant 2560 : i32
        %dma_start3A_326 = tpu.memref_slice %arg20[%dma_start3A_325] : memref<10112xf32, #tpu.memory_space<vmem_shared>> -> memref<1280xf32, #tpu.memory_space<vmem_shared>>
        tpu.enqueue_dma source(%dma_start3A_326 : memref<1280xf32, #tpu.memory_space<vmem_shared>>) target(%arg19 : memref<1280xf32, #tpu.memory_space<vmem>>) target_semaphore(%run_scoped3A : memref<!tpu.dma_semaphore, #tpu.memory_space<semaphore_mem>>)
        %dma_wait3A_327 = arith.constant 2560 : i32
        %dma_wait3A_328 = tpu.memref_slice %arg20[%dma_wait3A_327] : memref<10112xf32, #tpu.memory_space<vmem_shared>> -> memref<1280xf32, #tpu.memory_space<vmem_shared>>
        %dma_wait3A_329 = arith.constant 2560 : i32
        %dma_wait3A_330 = tpu.memref_slice %arg20[%dma_wait3A_329] : memref<10112xf32, #tpu.memory_space<vmem_shared>> -> memref<1280xf32, #tpu.memory_space<vmem_shared>>
        tpu.wait_dma2 semaphore(%run_scoped3A : memref<!tpu.dma_semaphore, #tpu.memory_space<semaphore_mem>>) src(%dma_wait3A_330 : memref<1280xf32, #tpu.memory_space<vmem_shared>>) dst(%arg19 : memref<1280xf32, #tpu.memory_space<vmem>>)
        tpu.yield
      }) : () -> ()
      %mul3A_298 = arith.constant 10112 : i32
      %mul3A_299 = arith.muli %arg0, %mul3A_298 : i32
      %add3A_300 = arith.constant 2560 : i32
      %add3A_301 = arith.addi %mul3A_299, %add3A_300 : i32
      "tpu.region"() ({
        %run_scoped3A = tpu.sem_alloc : memref<!tpu.dma_semaphore, #tpu.memory_space<semaphore_mem>>
        %dma_start3A_323 = tpu.memref_slice %arg9[%add3A_301] : memref<20224xf32, #tpu.memory_space<hbm>> -> memref<1280xf32, #tpu.memory_space<hbm>>
        %dma_start3A_324 = tpu.memref_slice %arg9[%add3A_301] : memref<20224xf32, #tpu.memory_space<hbm>> -> memref<1280xf32, #tpu.memory_space<hbm>>
        tpu.enqueue_dma source(%arg19 : memref<1280xf32, #tpu.memory_space<vmem>>) target(%dma_start3A_324 : memref<1280xf32, #tpu.memory_space<hbm>>) target_semaphore(%run_scoped3A : memref<!tpu.dma_semaphore, #tpu.memory_space<semaphore_mem>>)
        %dma_wait3A_325 = tpu.memref_slice %arg9[%add3A_301] : memref<20224xf32, #tpu.memory_space<hbm>> -> memref<1280xf32, #tpu.memory_space<hbm>>
        %dma_wait3A_326 = tpu.memref_slice %arg9[%add3A_301] : memref<20224xf32, #tpu.memory_space<hbm>> -> memref<1280xf32, #tpu.memory_space<hbm>>
        tpu.wait_dma2 semaphore(%run_scoped3A : memref<!tpu.dma_semaphore, #tpu.memory_space<semaphore_mem>>) src(%arg19 : memref<1280xf32, #tpu.memory_space<vmem>>) dst(%dma_wait3A_326 : memref<1280xf32, #tpu.memory_space<hbm>>)
        tpu.yield
      }) : () -> ()
      "tpu.region"() ({
        %run_scoped3A = tpu.sem_alloc : memref<!tpu.dma_semaphore, #tpu.memory_space<semaphore_mem>>
        %dma_start3A_323 = arith.constant 3840 : i32
        %dma_start3A_324 = tpu.memref_slice %arg20[%dma_start3A_323] : memref<10112xf32, #tpu.memory_space<vmem_shared>> -> memref<1280xf32, #tpu.memory_space<vmem_shared>>
        %dma_start3A_325 = arith.constant 3840 : i32
        %dma_start3A_326 = tpu.memref_slice %arg20[%dma_start3A_325] : memref<10112xf32, #tpu.memory_space<vmem_shared>> -> memref<1280xf32, #tpu.memory_space<vmem_shared>>
        tpu.enqueue_dma source(%dma_start3A_326 : memref<1280xf32, #tpu.memory_space<vmem_shared>>) target(%arg19 : memref<1280xf32, #tpu.memory_space<vmem>>) target_semaphore(%run_scoped3A : memref<!tpu.dma_semaphore, #tpu.memory_space<semaphore_mem>>)
        %dma_wait3A_327 = arith.constant 3840 : i32
        %dma_wait3A_328 = tpu.memref_slice %arg20[%dma_wait3A_327] : memref<10112xf32, #tpu.memory_space<vmem_shared>> -> memref<1280xf32, #tpu.memory_space<vmem_shared>>
        %dma_wait3A_329 = arith.constant 3840 : i32
        %dma_wait3A_330 = tpu.memref_slice %arg20[%dma_wait3A_329] : memref<10112xf32, #tpu.memory_space<vmem_shared>> -> memref<1280xf32, #tpu.memory_space<vmem_shared>>
        tpu.wait_dma2 semaphore(%run_scoped3A : memref<!tpu.dma_semaphore, #tpu.memory_space<semaphore_mem>>) src(%dma_wait3A_330 : memref<1280xf32, #tpu.memory_space<vmem_shared>>) dst(%arg19 : memref<1280xf32, #tpu.memory_space<vmem>>)
        tpu.yield
      }) : () -> ()
      %mul3A_302 = arith.constant 10112 : i32
      %mul3A_303 = arith.muli %arg0, %mul3A_302 : i32
      %add3A_304 = arith.constant 3840 : i32
      %add3A_305 = arith.addi %mul3A_303, %add3A_304 : i32
      "tpu.region"() ({
        %run_scoped3A = tpu.sem_alloc : memref<!tpu.dma_semaphore, #tpu.memory_space<semaphore_mem>>
        %dma_start3A_323 = tpu.memref_slice %arg9[%add3A_305] : memref<20224xf32, #tpu.memory_space<hbm>> -> memref<1280xf32, #tpu.memory_space<hbm>>
        %dma_start3A_324 = tpu.memref_slice %arg9[%add3A_305] : memref<20224xf32, #tpu.memory_space<hbm>> -> memref<1280xf32, #tpu.memory_space<hbm>>
        tpu.enqueue_dma source(%arg19 : memref<1280xf32, #tpu.memory_space<vmem>>) target(%dma_start3A_324 : memref<1280xf32, #tpu.memory_space<hbm>>) target_semaphore(%run_scoped3A : memref<!tpu.dma_semaphore, #tpu.memory_space<semaphore_mem>>)
        %dma_wait3A_325 = tpu.memref_slice %arg9[%add3A_305] : memref<20224xf32, #tpu.memory_space<hbm>> -> memref<1280xf32, #tpu.memory_space<hbm>>
        %dma_wait3A_326 = tpu.memref_slice %arg9[%add3A_305] : memref<20224xf32, #tpu.memory_space<hbm>> -> memref<1280xf32, #tpu.memory_space<hbm>>
        tpu.wait_dma2 semaphore(%run_scoped3A : memref<!tpu.dma_semaphore, #tpu.memory_space<semaphore_mem>>) src(%arg19 : memref<1280xf32, #tpu.memory_space<vmem>>) dst(%dma_wait3A_326 : memref<1280xf32, #tpu.memory_space<hbm>>)
        tpu.yield
      }) : () -> ()
      "tpu.region"() ({
        %run_scoped3A = tpu.sem_alloc : memref<!tpu.dma_semaphore, #tpu.memory_space<semaphore_mem>>
        %dma_start3A_323 = arith.constant 5120 : i32
        %dma_start3A_324 = tpu.memref_slice %arg20[%dma_start3A_323] : memref<10112xf32, #tpu.memory_space<vmem_shared>> -> memref<1280xf32, #tpu.memory_space<vmem_shared>>
        %dma_start3A_325 = arith.constant 5120 : i32
        %dma_start3A_326 = tpu.memref_slice %arg20[%dma_start3A_325] : memref<10112xf32, #tpu.memory_space<vmem_shared>> -> memref<1280xf32, #tpu.memory_space<vmem_shared>>
        tpu.enqueue_dma source(%dma_start3A_326 : memref<1280xf32, #tpu.memory_space<vmem_shared>>) target(%arg19 : memref<1280xf32, #tpu.memory_space<vmem>>) target_semaphore(%run_scoped3A : memref<!tpu.dma_semaphore, #tpu.memory_space<semaphore_mem>>)
        %dma_wait3A_327 = arith.constant 5120 : i32
        %dma_wait3A_328 = tpu.memref_slice %arg20[%dma_wait3A_327] : memref<10112xf32, #tpu.memory_space<vmem_shared>> -> memref<1280xf32, #tpu.memory_space<vmem_shared>>
        %dma_wait3A_329 = arith.constant 5120 : i32
        %dma_wait3A_330 = tpu.memref_slice %arg20[%dma_wait3A_329] : memref<10112xf32, #tpu.memory_space<vmem_shared>> -> memref<1280xf32, #tpu.memory_space<vmem_shared>>
        tpu.wait_dma2 semaphore(%run_scoped3A : memref<!tpu.dma_semaphore, #tpu.memory_space<semaphore_mem>>) src(%dma_wait3A_330 : memref<1280xf32, #tpu.memory_space<vmem_shared>>) dst(%arg19 : memref<1280xf32, #tpu.memory_space<vmem>>)
        tpu.yield
      }) : () -> ()
      %mul3A_306 = arith.constant 10112 : i32
      %mul3A_307 = arith.muli %arg0, %mul3A_306 : i32
      %add3A_308 = arith.constant 5120 : i32
      %add3A_309 = arith.addi %mul3A_307, %add3A_308 : i32
      "tpu.region"() ({
        %run_scoped3A = tpu.sem_alloc : memref<!tpu.dma_semaphore, #tpu.memory_space<semaphore_mem>>
        %dma_start3A_323 = tpu.memref_slice %arg9[%add3A_309] : memref<20224xf32, #tpu.memory_space<hbm>> -> memref<1280xf32, #tpu.memory_space<hbm>>
        %dma_start3A_324 = tpu.memref_slice %arg9[%add3A_309] : memref<20224xf32, #tpu.memory_space<hbm>> -> memref<1280xf32, #tpu.memory_space<hbm>>
        tpu.enqueue_dma source(%arg19 : memref<1280xf32, #tpu.memory_space<vmem>>) target(%dma_start3A_324 : memref<1280xf32, #tpu.memory_space<hbm>>) target_semaphore(%run_scoped3A : memref<!tpu.dma_semaphore, #tpu.memory_space<semaphore_mem>>)
        %dma_wait3A_325 = tpu.memref_slice %arg9[%add3A_309] : memref<20224xf32, #tpu.memory_space<hbm>> -> memref<1280xf32, #tpu.memory_space<hbm>>
        %dma_wait3A_326 = tpu.memref_slice %arg9[%add3A_309] : memref<20224xf32, #tpu.memory_space<hbm>> -> memref<1280xf32, #tpu.memory_space<hbm>>
        tpu.wait_dma2 semaphore(%run_scoped3A : memref<!tpu.dma_semaphore, #tpu.memory_space<semaphore_mem>>) src(%arg19 : memref<1280xf32, #tpu.memory_space<vmem>>) dst(%dma_wait3A_326 : memref<1280xf32, #tpu.memory_space<hbm>>)
        tpu.yield
      }) : () -> ()
      "tpu.region"() ({
        %run_scoped3A = tpu.sem_alloc : memref<!tpu.dma_semaphore, #tpu.memory_space<semaphore_mem>>
        %dma_start3A_323 = arith.constant 6400 : i32
        %dma_start3A_324 = tpu.memref_slice %arg20[%dma_start3A_323] : memref<10112xf32, #tpu.memory_space<vmem_shared>> -> memref<1280xf32, #tpu.memory_space<vmem_shared>>
        %dma_start3A_325 = arith.constant 6400 : i32
        %dma_start3A_326 = tpu.memref_slice %arg20[%dma_start3A_325] : memref<10112xf32, #tpu.memory_space<vmem_shared>> -> memref<1280xf32, #tpu.memory_space<vmem_shared>>
        tpu.enqueue_dma source(%dma_start3A_326 : memref<1280xf32, #tpu.memory_space<vmem_shared>>) target(%arg19 : memref<1280xf32, #tpu.memory_space<vmem>>) target_semaphore(%run_scoped3A : memref<!tpu.dma_semaphore, #tpu.memory_space<semaphore_mem>>)
        %dma_wait3A_327 = arith.constant 6400 : i32
        %dma_wait3A_328 = tpu.memref_slice %arg20[%dma_wait3A_327] : memref<10112xf32, #tpu.memory_space<vmem_shared>> -> memref<1280xf32, #tpu.memory_space<vmem_shared>>
        %dma_wait3A_329 = arith.constant 6400 : i32
        %dma_wait3A_330 = tpu.memref_slice %arg20[%dma_wait3A_329] : memref<10112xf32, #tpu.memory_space<vmem_shared>> -> memref<1280xf32, #tpu.memory_space<vmem_shared>>
        tpu.wait_dma2 semaphore(%run_scoped3A : memref<!tpu.dma_semaphore, #tpu.memory_space<semaphore_mem>>) src(%dma_wait3A_330 : memref<1280xf32, #tpu.memory_space<vmem_shared>>) dst(%arg19 : memref<1280xf32, #tpu.memory_space<vmem>>)
        tpu.yield
      }) : () -> ()
      %mul3A_310 = arith.constant 10112 : i32
      %mul3A_311 = arith.muli %arg0, %mul3A_310 : i32
      %add3A_312 = arith.constant 6400 : i32
      %add3A_313 = arith.addi %mul3A_311, %add3A_312 : i32
      "tpu.region"() ({
        %run_scoped3A = tpu.sem_alloc : memref<!tpu.dma_semaphore, #tpu.memory_space<semaphore_mem>>
        %dma_start3A_323 = tpu.memref_slice %arg9[%add3A_313] : memref<20224xf32, #tpu.memory_space<hbm>> -> memref<1280xf32, #tpu.memory_space<hbm>>
        %dma_start3A_324 = tpu.memref_slice %arg9[%add3A_313] : memref<20224xf32, #tpu.memory_space<hbm>> -> memref<1280xf32, #tpu.memory_space<hbm>>
        tpu.enqueue_dma source(%arg19 : memref<1280xf32, #tpu.memory_space<vmem>>) target(%dma_start3A_324 : memref<1280xf32, #tpu.memory_space<hbm>>) target_semaphore(%run_scoped3A : memref<!tpu.dma_semaphore, #tpu.memory_space<semaphore_mem>>)
        %dma_wait3A_325 = tpu.memref_slice %arg9[%add3A_313] : memref<20224xf32, #tpu.memory_space<hbm>> -> memref<1280xf32, #tpu.memory_space<hbm>>
        %dma_wait3A_326 = tpu.memref_slice %arg9[%add3A_313] : memref<20224xf32, #tpu.memory_space<hbm>> -> memref<1280xf32, #tpu.memory_space<hbm>>
        tpu.wait_dma2 semaphore(%run_scoped3A : memref<!tpu.dma_semaphore, #tpu.memory_space<semaphore_mem>>) src(%arg19 : memref<1280xf32, #tpu.memory_space<vmem>>) dst(%dma_wait3A_326 : memref<1280xf32, #tpu.memory_space<hbm>>)
        tpu.yield
      }) : () -> ()
      "tpu.region"() ({
        %run_scoped3A = tpu.sem_alloc : memref<!tpu.dma_semaphore, #tpu.memory_space<semaphore_mem>>
        %dma_start3A_323 = arith.constant 7680 : i32
        %dma_start3A_324 = tpu.memref_slice %arg20[%dma_start3A_323] : memref<10112xf32, #tpu.memory_space<vmem_shared>> -> memref<1280xf32, #tpu.memory_space<vmem_shared>>
        %dma_start3A_325 = arith.constant 7680 : i32
        %dma_start3A_326 = tpu.memref_slice %arg20[%dma_start3A_325] : memref<10112xf32, #tpu.memory_space<vmem_shared>> -> memref<1280xf32, #tpu.memory_space<vmem_shared>>
        tpu.enqueue_dma source(%dma_start3A_326 : memref<1280xf32, #tpu.memory_space<vmem_shared>>) target(%arg19 : memref<1280xf32, #tpu.memory_space<vmem>>) target_semaphore(%run_scoped3A : memref<!tpu.dma_semaphore, #tpu.memory_space<semaphore_mem>>)
        %dma_wait3A_327 = arith.constant 7680 : i32
        %dma_wait3A_328 = tpu.memref_slice %arg20[%dma_wait3A_327] : memref<10112xf32, #tpu.memory_space<vmem_shared>> -> memref<1280xf32, #tpu.memory_space<vmem_shared>>
        %dma_wait3A_329 = arith.constant 7680 : i32
        %dma_wait3A_330 = tpu.memref_slice %arg20[%dma_wait3A_329] : memref<10112xf32, #tpu.memory_space<vmem_shared>> -> memref<1280xf32, #tpu.memory_space<vmem_shared>>
        tpu.wait_dma2 semaphore(%run_scoped3A : memref<!tpu.dma_semaphore, #tpu.memory_space<semaphore_mem>>) src(%dma_wait3A_330 : memref<1280xf32, #tpu.memory_space<vmem_shared>>) dst(%arg19 : memref<1280xf32, #tpu.memory_space<vmem>>)
        tpu.yield
      }) : () -> ()
      %mul3A_314 = arith.constant 10112 : i32
      %mul3A_315 = arith.muli %arg0, %mul3A_314 : i32
      %add3A_316 = arith.constant 7680 : i32
      %add3A_317 = arith.addi %mul3A_315, %add3A_316 : i32
      "tpu.region"() ({
        %run_scoped3A = tpu.sem_alloc : memref<!tpu.dma_semaphore, #tpu.memory_space<semaphore_mem>>
        %dma_start3A_323 = tpu.memref_slice %arg9[%add3A_317] : memref<20224xf32, #tpu.memory_space<hbm>> -> memref<1280xf32, #tpu.memory_space<hbm>>
        %dma_start3A_324 = tpu.memref_slice %arg9[%add3A_317] : memref<20224xf32, #tpu.memory_space<hbm>> -> memref<1280xf32, #tpu.memory_space<hbm>>
        tpu.enqueue_dma source(%arg19 : memref<1280xf32, #tpu.memory_space<vmem>>) target(%dma_start3A_324 : memref<1280xf32, #tpu.memory_space<hbm>>) target_semaphore(%run_scoped3A : memref<!tpu.dma_semaphore, #tpu.memory_space<semaphore_mem>>)
        %dma_wait3A_325 = tpu.memref_slice %arg9[%add3A_317] : memref<20224xf32, #tpu.memory_space<hbm>> -> memref<1280xf32, #tpu.memory_space<hbm>>
        %dma_wait3A_326 = tpu.memref_slice %arg9[%add3A_317] : memref<20224xf32, #tpu.memory_space<hbm>> -> memref<1280xf32, #tpu.memory_space<hbm>>
        tpu.wait_dma2 semaphore(%run_scoped3A : memref<!tpu.dma_semaphore, #tpu.memory_space<semaphore_mem>>) src(%arg19 : memref<1280xf32, #tpu.memory_space<vmem>>) dst(%dma_wait3A_326 : memref<1280xf32, #tpu.memory_space<hbm>>)
        tpu.yield
      }) : () -> ()
      "tpu.region"() ({
        %run_scoped3A = tpu.sem_alloc : memref<!tpu.dma_semaphore, #tpu.memory_space<semaphore_mem>>
        %dma_start3A_323 = arith.constant 0 : i32
        %dma_start3A_324 = tpu.memref_slice %arg19[%dma_start3A_323] : memref<1280xf32, #tpu.memory_space<vmem>> -> memref<1152xf32, #tpu.memory_space<vmem>>
        %dma_start3A_325 = arith.constant 8960 : i32
        %dma_start3A_326 = tpu.memref_slice %arg20[%dma_start3A_325] : memref<10112xf32, #tpu.memory_space<vmem_shared>> -> memref<1152xf32, #tpu.memory_space<vmem_shared>>
        %dma_start3A_327 = arith.constant 0 : i32
        %dma_start3A_328 = tpu.memref_slice %arg19[%dma_start3A_327] : memref<1280xf32, #tpu.memory_space<vmem>> -> memref<1152xf32, #tpu.memory_space<vmem>>
        %dma_start3A_329 = arith.constant 8960 : i32
        %dma_start3A_330 = tpu.memref_slice %arg20[%dma_start3A_329] : memref<10112xf32, #tpu.memory_space<vmem_shared>> -> memref<1152xf32, #tpu.memory_space<vmem_shared>>
        tpu.enqueue_dma source(%dma_start3A_330 : memref<1152xf32, #tpu.memory_space<vmem_shared>>) target(%dma_start3A_328 : memref<1152xf32, #tpu.memory_space<vmem>>) target_semaphore(%run_scoped3A : memref<!tpu.dma_semaphore, #tpu.memory_space<semaphore_mem>>)
        %dma_wait3A_331 = arith.constant 0 : i32
        %dma_wait3A_332 = tpu.memref_slice %arg19[%dma_wait3A_331] : memref<1280xf32, #tpu.memory_space<vmem>> -> memref<1152xf32, #tpu.memory_space<vmem>>
        %dma_wait3A_333 = arith.constant 8960 : i32
        %dma_wait3A_334 = tpu.memref_slice %arg20[%dma_wait3A_333] : memref<10112xf32, #tpu.memory_space<vmem_shared>> -> memref<1152xf32, #tpu.memory_space<vmem_shared>>
        %dma_wait3A_335 = arith.constant 0 : i32
        %dma_wait3A_336 = tpu.memref_slice %arg19[%dma_wait3A_335] : memref<1280xf32, #tpu.memory_space<vmem>> -> memref<1152xf32, #tpu.memory_space<vmem>>
        %dma_wait3A_337 = arith.constant 8960 : i32
        %dma_wait3A_338 = tpu.memref_slice %arg20[%dma_wait3A_337] : memref<10112xf32, #tpu.memory_space<vmem_shared>> -> memref<1152xf32, #tpu.memory_space<vmem_shared>>
        tpu.wait_dma2 semaphore(%run_scoped3A : memref<!tpu.dma_semaphore, #tpu.memory_space<semaphore_mem>>) src(%dma_wait3A_338 : memref<1152xf32, #tpu.memory_space<vmem_shared>>) dst(%dma_wait3A_336 : memref<1152xf32, #tpu.memory_space<vmem>>)
        tpu.yield
      }) : () -> ()
      %mul3A_318 = arith.constant 10112 : i32
      %mul3A_319 = arith.muli %arg0, %mul3A_318 : i32
      %add3A_320 = arith.constant 10112 : i32
      %add3A_321 = arith.addi %mul3A_319, %add3A_320 : i32
      %sub3A = arith.constant 1152 : i32
      %sub3A_322 = arith.subi %add3A_321, %sub3A : i32
      "tpu.region"() ({
        %run_scoped3A = tpu.sem_alloc : memref<!tpu.dma_semaphore, #tpu.memory_space<semaphore_mem>>
        %dma_start3A_323 = arith.constant 0 : i32
        %dma_start3A_324 = tpu.memref_slice %arg19[%dma_start3A_323] : memref<1280xf32, #tpu.memory_space<vmem>> -> memref<1152xf32, #tpu.memory_space<vmem>>
        %dma_start3A_325 = tpu.memref_slice %arg9[%sub3A_322] : memref<20224xf32, #tpu.memory_space<hbm>> -> memref<1152xf32, #tpu.memory_space<hbm>>
        %dma_start3A_326 = tpu.memref_slice %arg9[%sub3A_322] : memref<20224xf32, #tpu.memory_space<hbm>> -> memref<1152xf32, #tpu.memory_space<hbm>>
        %dma_start3A_327 = arith.constant 0 : i32
        %dma_start3A_328 = tpu.memref_slice %arg19[%dma_start3A_327] : memref<1280xf32, #tpu.memory_space<vmem>> -> memref<1152xf32, #tpu.memory_space<vmem>>
        tpu.enqueue_dma source(%dma_start3A_328 : memref<1152xf32, #tpu.memory_space<vmem>>) target(%dma_start3A_326 : memref<1152xf32, #tpu.memory_space<hbm>>) target_semaphore(%run_scoped3A : memref<!tpu.dma_semaphore, #tpu.memory_space<semaphore_mem>>)
        %dma_wait3A_329 = arith.constant 0 : i32
        %dma_wait3A_330 = tpu.memref_slice %arg19[%dma_wait3A_329] : memref<1280xf32, #tpu.memory_space<vmem>> -> memref<1152xf32, #tpu.memory_space<vmem>>
        %dma_wait3A_331 = tpu.memref_slice %arg9[%sub3A_322] : memref<20224xf32, #tpu.memory_space<hbm>> -> memref<1152xf32, #tpu.memory_space<hbm>>
        %dma_wait3A_332 = tpu.memref_slice %arg9[%sub3A_322] : memref<20224xf32, #tpu.memory_space<hbm>> -> memref<1152xf32, #tpu.memory_space<hbm>>
        %dma_wait3A_333 = arith.constant 0 : i32
        %dma_wait3A_334 = tpu.memref_slice %arg19[%dma_wait3A_333] : memref<1280xf32, #tpu.memory_space<vmem>> -> memref<1152xf32, #tpu.memory_space<vmem>>
        tpu.wait_dma2 semaphore(%run_scoped3A : memref<!tpu.dma_semaphore, #tpu.memory_space<semaphore_mem>>) src(%dma_wait3A_334 : memref<1152xf32, #tpu.memory_space<vmem>>) dst(%dma_wait3A_332 : memref<1152xf32, #tpu.memory_space<hbm>>)
        tpu.yield
      }) : () -> ()
    } else {
    }
    return
  }
}

#map = affine_map<(d0, d1) -> (0, 0)>
#map1 = affine_map<(d0, d1) -> (0)>
#map2 = affine_map<(d0, d1) -> (0, 0, 0)>
module attributes {stable_mosaic.version = 14 : i64} {
  func.func @body(%arg0: i32, %arg1: i32, %arg2: memref<10000x128xf32, #tpu.memory_space<hbm>>, %arg3: memref<2560x128xi32, #tpu.memory_space<hbm>>, %arg4: memref<2560x128xi32, #tpu.memory_space<hbm>>, %arg5: memref<10112x128xf32, #tpu.memory_space<hbm>>, %arg6: memref<1280xf32, #tpu.memory_space<hbm>>, %arg7: memref<2x10112x128xf32, #tpu.memory_space<hbm>>, %arg8: memref<40x128xi32, #tpu.memory_space<vmem>>, %arg9: memref<40x128xi32, #tpu.memory_space<vmem>>, %arg10: memref<2x128x128xf32, #tpu.memory_space<vmem>>, %arg11: memref<10112x128xf32, #tpu.memory_space<vmem_shared>>, %arg12: memref<!tpu.dma_semaphore, #tpu.memory_space<semaphore_mem>>, %arg13: memref<!tpu.dma_semaphore, #tpu.memory_space<semaphore_mem>>, %arg14: memref<!tpu.dma_semaphore, #tpu.memory_space<semaphore_mem>>, %arg15: memref<!tpu.dma_semaphore, #tpu.memory_space<semaphore_mem>>) attributes {dimension_semantics = [#tpu.dimension_semantics<core_parallel>, #tpu.dimension_semantics<subcore_parallel>], iteration_bounds = array<i64: 2, 16>, scalar_prefetch = 0 : i64, scratch_operands = 8 : i64, tpu.core_type = #tpu.core_type<sc_vector_subcore>, window_params = [{transform_indices = #map}, {transform_indices = #map}, {transform_indices = #map}, {transform_indices = #map}, {transform_indices = #map1}, {transform_indices = #map2}]} {
    %mul3A = arith.constant 16 : i32
    %mul3A_0 = arith.muli %arg0, %mul3A : i32
    %add3A = arith.addi %mul3A_0, %arg1 : i32
    %mul3A_1 = arith.constant 632 : i32
    %mul3A_2 = arith.muli %arg1, %mul3A_1 : i32
    %mul3A_3 = arith.constant 632 : i32
    %mul3A_4 = arith.muli %arg1, %mul3A_3 : i32
    "tpu.region"() ({
      %run_scoped3A = tpu.sem_alloc : memref<!tpu.dma_semaphore, #tpu.memory_space<semaphore_mem>>
      %dma_start3A_243 = arith.constant 0 : i32
      %dma_start3A_244 = tpu.memref_slice %arg11[%mul3A_4, %dma_start3A_243] : memref<10112x128xf32, #tpu.memory_space<vmem_shared>> -> memref<632x128xf32, #tpu.memory_space<vmem_shared>>
      %dma_start3A_245 = arith.constant 0 : i32
      %dma_start3A_246 = tpu.memref_slice %arg5[%mul3A_2, %dma_start3A_245] : memref<10112x128xf32, #tpu.memory_space<hbm>> -> memref<632x128xf32, #tpu.memory_space<hbm>>
      tpu.enqueue_dma source(%dma_start3A_246 : memref<632x128xf32, #tpu.memory_space<hbm>>) target(%dma_start3A_244 : memref<632x128xf32, #tpu.memory_space<vmem_shared>>) target_semaphore(%run_scoped3A : memref<!tpu.dma_semaphore, #tpu.memory_space<semaphore_mem>>)
      %dma_wait3A_247 = arith.constant 0 : i32
      %dma_wait3A_248 = tpu.memref_slice %arg11[%mul3A_4, %dma_wait3A_247] : memref<10112x128xf32, #tpu.memory_space<vmem_shared>> -> memref<632x128xf32, #tpu.memory_space<vmem_shared>>
      %dma_wait3A_249 = arith.constant 0 : i32
      %dma_wait3A_250 = tpu.memref_slice %arg5[%mul3A_2, %dma_wait3A_249] : memref<10112x128xf32, #tpu.memory_space<hbm>> -> memref<632x128xf32, #tpu.memory_space<hbm>>
      tpu.wait_dma2 semaphore(%run_scoped3A : memref<!tpu.dma_semaphore, #tpu.memory_space<semaphore_mem>>) src(%dma_wait3A_250 : memref<632x128xf32, #tpu.memory_space<hbm>>) dst(%dma_wait3A_248 : memref<632x128xf32, #tpu.memory_space<vmem_shared>>)
      tpu.yield
    }) : () -> ()
    %barrier3A = arith.constant 0 : index
    tpu.barrier barrier_id(%barrier3A)
    %mul3A_5 = arith.constant 80 : i32
    %mul3A_6 = arith.muli %add3A, %mul3A_5 : i32
    %add3A_7 = arith.constant 0 : i32
    %add3A_8 = arith.addi %mul3A_6, %add3A_7 : i32
    "tpu.region"() ({
      %run_scoped3A = tpu.sem_alloc : memref<!tpu.dma_semaphore, #tpu.memory_space<semaphore_mem>>
      %dma_start3A_243 = arith.constant 0 : i32
      %dma_start3A_244 = tpu.memref_slice %arg3[%add3A_8, %dma_start3A_243] : memref<2560x128xi32, #tpu.memory_space<hbm>> -> memref<40x128xi32, #tpu.memory_space<hbm>>
      %dma_start3A_245 = arith.constant 0 : i32
      %dma_start3A_246 = tpu.memref_slice %arg3[%add3A_8, %dma_start3A_245] : memref<2560x128xi32, #tpu.memory_space<hbm>> -> memref<40x128xi32, #tpu.memory_space<hbm>>
      tpu.enqueue_dma source(%dma_start3A_246 : memref<40x128xi32, #tpu.memory_space<hbm>>) target(%arg8 : memref<40x128xi32, #tpu.memory_space<vmem>>) target_semaphore(%run_scoped3A : memref<!tpu.dma_semaphore, #tpu.memory_space<semaphore_mem>>)
      %dma_wait3A_247 = arith.constant 0 : i32
      %dma_wait3A_248 = tpu.memref_slice %arg3[%add3A_8, %dma_wait3A_247] : memref<2560x128xi32, #tpu.memory_space<hbm>> -> memref<40x128xi32, #tpu.memory_space<hbm>>
      %dma_wait3A_249 = arith.constant 0 : i32
      %dma_wait3A_250 = tpu.memref_slice %arg3[%add3A_8, %dma_wait3A_249] : memref<2560x128xi32, #tpu.memory_space<hbm>> -> memref<40x128xi32, #tpu.memory_space<hbm>>
      tpu.wait_dma2 semaphore(%run_scoped3A : memref<!tpu.dma_semaphore, #tpu.memory_space<semaphore_mem>>) src(%dma_wait3A_250 : memref<40x128xi32, #tpu.memory_space<hbm>>) dst(%arg8 : memref<40x128xi32, #tpu.memory_space<vmem>>)
      tpu.yield
    }) : () -> ()
    "tpu.region"() ({
      %run_scoped3A = tpu.sem_alloc : memref<!tpu.dma_semaphore, #tpu.memory_space<semaphore_mem>>
      %dma_start3A_243 = arith.constant 0 : i32
      %dma_start3A_244 = tpu.memref_slice %arg4[%add3A_8, %dma_start3A_243] : memref<2560x128xi32, #tpu.memory_space<hbm>> -> memref<40x128xi32, #tpu.memory_space<hbm>>
      %dma_start3A_245 = arith.constant 0 : i32
      %dma_start3A_246 = tpu.memref_slice %arg4[%add3A_8, %dma_start3A_245] : memref<2560x128xi32, #tpu.memory_space<hbm>> -> memref<40x128xi32, #tpu.memory_space<hbm>>
      tpu.enqueue_dma source(%dma_start3A_246 : memref<40x128xi32, #tpu.memory_space<hbm>>) target(%arg9 : memref<40x128xi32, #tpu.memory_space<vmem>>) target_semaphore(%run_scoped3A : memref<!tpu.dma_semaphore, #tpu.memory_space<semaphore_mem>>)
      %dma_wait3A_247 = arith.constant 0 : i32
      %dma_wait3A_248 = tpu.memref_slice %arg4[%add3A_8, %dma_wait3A_247] : memref<2560x128xi32, #tpu.memory_space<hbm>> -> memref<40x128xi32, #tpu.memory_space<hbm>>
      %dma_wait3A_249 = arith.constant 0 : i32
      %dma_wait3A_250 = tpu.memref_slice %arg4[%add3A_8, %dma_wait3A_249] : memref<2560x128xi32, #tpu.memory_space<hbm>> -> memref<40x128xi32, #tpu.memory_space<hbm>>
      tpu.wait_dma2 semaphore(%run_scoped3A : memref<!tpu.dma_semaphore, #tpu.memory_space<semaphore_mem>>) src(%dma_wait3A_250 : memref<40x128xi32, #tpu.memory_space<hbm>>) dst(%arg9 : memref<40x128xi32, #tpu.memory_space<vmem>>)
      tpu.yield
    }) : () -> ()
    %dma_start3A = arith.constant 0 : i32
    %dma_start3A_9 = arith.constant 0 : i32
    %dma_start3A_10 = arith.constant 0 : i32
    %dma_start3A_11 = arith.constant 0 : i32
    %dma_start3A_12 = tpu.memref_slice %arg10[%dma_start3A_9, %dma_start3A_10, %dma_start3A_11] : memref<2x128x128xf32, #tpu.memory_space<vmem>> -> memref<1x128x128xf32, #tpu.memory_space<vmem>>
    %dma_start3A_13 = tpu.memref_squeeze %dma_start3A_12 : memref<1x128x128xf32, #tpu.memory_space<vmem>> -> memref<128x128xf32, #tpu.memory_space<vmem>>
    %dma_start3A_14 = arith.constant 0 : i32
    %dma_start3A_15 = tpu.memref_slice %arg8[%dma_start3A, %dma_start3A_14] : memref<40x128xi32, #tpu.memory_space<vmem>> -> memref<1x128xi32, #tpu.memory_space<vmem>>
    %dma_start3A_16 = tpu.memref_squeeze %dma_start3A_15 : memref<1x128xi32, #tpu.memory_space<vmem>> -> memref<128xi32, #tpu.memory_space<vmem>>
    %dma_start3A_17 = arith.constant 0 : i32
    %dma_start3A_18 = arith.constant 0 : i32
    %dma_start3A_19 = tpu.memref_slice %arg2[%dma_start3A_17, %dma_start3A_18] : memref<10000x128xf32, #tpu.memory_space<hbm>> -> memref<10000x128xf32, #tpu.memory_space<hbm>>
    tpu.enqueue_indirect_dma source(%dma_start3A_19 : memref<10000x128xf32, #tpu.memory_space<hbm>>) target(%dma_start3A_13 : memref<128x128xf32, #tpu.memory_space<vmem>>) offsets(%dma_start3A_16 : memref<128xi32, #tpu.memory_space<vmem>>) semaphore(%arg12 : memref<!tpu.dma_semaphore, #tpu.memory_space<semaphore_mem>>)
    %dma_start3A_20 = arith.constant 1 : i32
    %dma_start3A_21 = arith.constant 1 : i32
    %dma_start3A_22 = arith.constant 0 : i32
    %dma_start3A_23 = arith.constant 0 : i32
    %dma_start3A_24 = tpu.memref_slice %arg10[%dma_start3A_21, %dma_start3A_22, %dma_start3A_23] : memref<2x128x128xf32, #tpu.memory_space<vmem>> -> memref<1x128x128xf32, #tpu.memory_space<vmem>>
    %dma_start3A_25 = tpu.memref_squeeze %dma_start3A_24 : memref<1x128x128xf32, #tpu.memory_space<vmem>> -> memref<128x128xf32, #tpu.memory_space<vmem>>
    %dma_start3A_26 = arith.constant 0 : i32
    %dma_start3A_27 = tpu.memref_slice %arg8[%dma_start3A_20, %dma_start3A_26] : memref<40x128xi32, #tpu.memory_space<vmem>> -> memref<1x128xi32, #tpu.memory_space<vmem>>
    %dma_start3A_28 = tpu.memref_squeeze %dma_start3A_27 : memref<1x128xi32, #tpu.memory_space<vmem>> -> memref<128xi32, #tpu.memory_space<vmem>>
    %dma_start3A_29 = arith.constant 0 : i32
    %dma_start3A_30 = arith.constant 0 : i32
    %dma_start3A_31 = tpu.memref_slice %arg2[%dma_start3A_29, %dma_start3A_30] : memref<10000x128xf32, #tpu.memory_space<hbm>> -> memref<10000x128xf32, #tpu.memory_space<hbm>>
    tpu.enqueue_indirect_dma source(%dma_start3A_31 : memref<10000x128xf32, #tpu.memory_space<hbm>>) target(%dma_start3A_25 : memref<128x128xf32, #tpu.memory_space<vmem>>) offsets(%dma_start3A_28 : memref<128xi32, #tpu.memory_space<vmem>>) semaphore(%arg13 : memref<!tpu.dma_semaphore, #tpu.memory_space<semaphore_mem>>)
    %scan3A = arith.constant 0 : i32
    %scan3A_32 = arith.constant 0 : i32
    %scan3A_33 = arith.constant 19 : i32
    %scan3A_34 = arith.addi %scan3A_32, %scan3A_33 : i32
    %scan3A_35 = arith.constant 1 : i32
    scf.for %scan3A_243 = %scan3A_32 to %scan3A_34 step %scan3A_35  : i32 {
      %mul3A_244 = arith.constant 2 : i32
      %mul3A_245 = arith.muli %scan3A_243, %mul3A_244 : i32
      %add3A_246 = arith.constant 0 : i32
      %add3A_247 = arith.addi %mul3A_245, %add3A_246 : i32
      %dma_wait3A_248 = arith.constant 0 : i32
      %dma_wait3A_249 = arith.constant 0 : i32
      %dma_wait3A_250 = arith.constant 0 : i32
      %dma_wait3A_251 = tpu.memref_slice %arg10[%dma_wait3A_248, %dma_wait3A_249, %dma_wait3A_250] : memref<2x128x128xf32, #tpu.memory_space<vmem>> -> memref<1x128x128xf32, #tpu.memory_space<vmem>>
      %dma_wait3A_252 = tpu.memref_squeeze %dma_wait3A_251 : memref<1x128x128xf32, #tpu.memory_space<vmem>> -> memref<128x128xf32, #tpu.memory_space<vmem>>
      %dma_wait3A_253 = arith.constant 0 : i32
      %dma_wait3A_254 = arith.constant 0 : i32
      %dma_wait3A_255 = tpu.memref_slice %arg2[%dma_wait3A_253, %dma_wait3A_254] : memref<10000x128xf32, #tpu.memory_space<hbm>> -> memref<128x128xf32, #tpu.memory_space<hbm>>
      %dma_wait3A_256 = arith.constant 0 : i32
      %dma_wait3A_257 = arith.constant 0 : i32
      %dma_wait3A_258 = tpu.memref_slice %arg10[%dma_wait3A_248, %dma_wait3A_256, %dma_wait3A_257] : memref<2x128x128xf32, #tpu.memory_space<vmem>> -> memref<1x128x128xf32, #tpu.memory_space<vmem>>
      %dma_wait3A_259 = tpu.memref_squeeze %dma_wait3A_258 : memref<1x128x128xf32, #tpu.memory_space<vmem>> -> memref<128x128xf32, #tpu.memory_space<vmem>>
      %dma_wait3A_260 = arith.constant 0 : i32
      %dma_wait3A_261 = arith.constant 0 : i32
      %dma_wait3A_262 = tpu.memref_slice %arg2[%dma_wait3A_260, %dma_wait3A_261] : memref<10000x128xf32, #tpu.memory_space<hbm>> -> memref<128x128xf32, #tpu.memory_space<hbm>>
      tpu.wait_dma2 semaphore(%arg12 : memref<!tpu.dma_semaphore, #tpu.memory_space<semaphore_mem>>) src(%dma_wait3A_262 : memref<128x128xf32, #tpu.memory_space<hbm>>) dst(%dma_wait3A_259 : memref<128x128xf32, #tpu.memory_space<vmem>>)
      %dma_start3A_263 = arith.constant 0 : i32
      %dma_start3A_264 = arith.constant 0 : i32
      %dma_start3A_265 = arith.constant 0 : i32
      %dma_start3A_266 = tpu.memref_slice %arg10[%dma_start3A_263, %dma_start3A_264, %dma_start3A_265] : memref<2x128x128xf32, #tpu.memory_space<vmem>> -> memref<1x128x128xf32, #tpu.memory_space<vmem>>
      %dma_start3A_267 = tpu.memref_squeeze %dma_start3A_266 : memref<1x128x128xf32, #tpu.memory_space<vmem>> -> memref<128x128xf32, #tpu.memory_space<vmem>>
      %dma_start3A_268 = arith.constant 0 : i32
      %dma_start3A_269 = tpu.memref_slice %arg9[%add3A_247, %dma_start3A_268] : memref<40x128xi32, #tpu.memory_space<vmem>> -> memref<1x128xi32, #tpu.memory_space<vmem>>
      %dma_start3A_270 = tpu.memref_squeeze %dma_start3A_269 : memref<1x128xi32, #tpu.memory_space<vmem>> -> memref<128xi32, #tpu.memory_space<vmem>>
      %dma_start3A_271 = arith.constant 0 : i32
      %dma_start3A_272 = arith.constant 0 : i32
      %dma_start3A_273 = tpu.memref_slice %arg11[%dma_start3A_271, %dma_start3A_272] : memref<10112x128xf32, #tpu.memory_space<vmem_shared>> -> memref<10112x128xf32, #tpu.memory_space<vmem_shared>>
      tpu.enqueue_indirect_dma source(%dma_start3A_267 : memref<128x128xf32, #tpu.memory_space<vmem>>) target(%dma_start3A_273 : memref<10112x128xf32, #tpu.memory_space<vmem_shared>>) offsets(%dma_start3A_270 : memref<128xi32, #tpu.memory_space<vmem>>) semaphore(%arg14 : memref<!tpu.dma_semaphore, #tpu.memory_space<semaphore_mem>>) {add = true}
      %dma_wait3A_274 = arith.constant 0 : i32
      %dma_wait3A_275 = arith.constant 0 : i32
      %dma_wait3A_276 = arith.constant 0 : i32
      %dma_wait3A_277 = tpu.memref_slice %arg10[%dma_wait3A_274, %dma_wait3A_275, %dma_wait3A_276] : memref<2x128x128xf32, #tpu.memory_space<vmem>> -> memref<1x128x128xf32, #tpu.memory_space<vmem>>
      %dma_wait3A_278 = tpu.memref_squeeze %dma_wait3A_277 : memref<1x128x128xf32, #tpu.memory_space<vmem>> -> memref<128x128xf32, #tpu.memory_space<vmem>>
      %dma_wait3A_279 = arith.constant 0 : i32
      %dma_wait3A_280 = arith.constant 0 : i32
      %dma_wait3A_281 = tpu.memref_slice %arg2[%dma_wait3A_279, %dma_wait3A_280] : memref<10000x128xf32, #tpu.memory_space<hbm>> -> memref<128x128xf32, #tpu.memory_space<hbm>>
      %dma_wait3A_282 = arith.constant 0 : i32
      %dma_wait3A_283 = arith.constant 0 : i32
      %dma_wait3A_284 = tpu.memref_slice %arg10[%dma_wait3A_274, %dma_wait3A_282, %dma_wait3A_283] : memref<2x128x128xf32, #tpu.memory_space<vmem>> -> memref<1x128x128xf32, #tpu.memory_space<vmem>>
      %dma_wait3A_285 = tpu.memref_squeeze %dma_wait3A_284 : memref<1x128x128xf32, #tpu.memory_space<vmem>> -> memref<128x128xf32, #tpu.memory_space<vmem>>
      %dma_wait3A_286 = arith.constant 0 : i32
      %dma_wait3A_287 = arith.constant 0 : i32
      %dma_wait3A_288 = tpu.memref_slice %arg2[%dma_wait3A_286, %dma_wait3A_287] : memref<10000x128xf32, #tpu.memory_space<hbm>> -> memref<128x128xf32, #tpu.memory_space<hbm>>
      tpu.wait_dma2 semaphore(%arg14 : memref<!tpu.dma_semaphore, #tpu.memory_space<semaphore_mem>>) src(%dma_wait3A_288 : memref<128x128xf32, #tpu.memory_space<hbm>>) dst(%dma_wait3A_285 : memref<128x128xf32, #tpu.memory_space<vmem>>)
      %add3A_289 = arith.constant 2 : i32
      %add3A_290 = arith.addi %add3A_247, %add3A_289 : i32
      %dma_start3A_291 = arith.constant 0 : i32
      %dma_start3A_292 = arith.constant 0 : i32
      %dma_start3A_293 = arith.constant 0 : i32
      %dma_start3A_294 = tpu.memref_slice %arg10[%dma_start3A_291, %dma_start3A_292, %dma_start3A_293] : memref<2x128x128xf32, #tpu.memory_space<vmem>> -> memref<1x128x128xf32, #tpu.memory_space<vmem>>
      %dma_start3A_295 = tpu.memref_squeeze %dma_start3A_294 : memref<1x128x128xf32, #tpu.memory_space<vmem>> -> memref<128x128xf32, #tpu.memory_space<vmem>>
      %dma_start3A_296 = arith.constant 0 : i32
      %dma_start3A_297 = tpu.memref_slice %arg8[%add3A_290, %dma_start3A_296] : memref<40x128xi32, #tpu.memory_space<vmem>> -> memref<1x128xi32, #tpu.memory_space<vmem>>
      %dma_start3A_298 = tpu.memref_squeeze %dma_start3A_297 : memref<1x128xi32, #tpu.memory_space<vmem>> -> memref<128xi32, #tpu.memory_space<vmem>>
      %dma_start3A_299 = arith.constant 0 : i32
      %dma_start3A_300 = arith.constant 0 : i32
      %dma_start3A_301 = tpu.memref_slice %arg2[%dma_start3A_299, %dma_start3A_300] : memref<10000x128xf32, #tpu.memory_space<hbm>> -> memref<10000x128xf32, #tpu.memory_space<hbm>>
      tpu.enqueue_indirect_dma source(%dma_start3A_301 : memref<10000x128xf32, #tpu.memory_space<hbm>>) target(%dma_start3A_295 : memref<128x128xf32, #tpu.memory_space<vmem>>) offsets(%dma_start3A_298 : memref<128xi32, #tpu.memory_space<vmem>>) semaphore(%arg12 : memref<!tpu.dma_semaphore, #tpu.memory_space<semaphore_mem>>)
      %add3A_302 = arith.constant 1 : i32
      %add3A_303 = arith.addi %mul3A_245, %add3A_302 : i32
      %dma_wait3A_304 = arith.constant 1 : i32
      %dma_wait3A_305 = arith.constant 0 : i32
      %dma_wait3A_306 = arith.constant 0 : i32
      %dma_wait3A_307 = tpu.memref_slice %arg10[%dma_wait3A_304, %dma_wait3A_305, %dma_wait3A_306] : memref<2x128x128xf32, #tpu.memory_space<vmem>> -> memref<1x128x128xf32, #tpu.memory_space<vmem>>
      %dma_wait3A_308 = tpu.memref_squeeze %dma_wait3A_307 : memref<1x128x128xf32, #tpu.memory_space<vmem>> -> memref<128x128xf32, #tpu.memory_space<vmem>>
      %dma_wait3A_309 = arith.constant 0 : i32
      %dma_wait3A_310 = arith.constant 0 : i32
      %dma_wait3A_311 = tpu.memref_slice %arg2[%dma_wait3A_309, %dma_wait3A_310] : memref<10000x128xf32, #tpu.memory_space<hbm>> -> memref<128x128xf32, #tpu.memory_space<hbm>>
      %dma_wait3A_312 = arith.constant 0 : i32
      %dma_wait3A_313 = arith.constant 0 : i32
      %dma_wait3A_314 = tpu.memref_slice %arg10[%dma_wait3A_304, %dma_wait3A_312, %dma_wait3A_313] : memref<2x128x128xf32, #tpu.memory_space<vmem>> -> memref<1x128x128xf32, #tpu.memory_space<vmem>>
      %dma_wait3A_315 = tpu.memref_squeeze %dma_wait3A_314 : memref<1x128x128xf32, #tpu.memory_space<vmem>> -> memref<128x128xf32, #tpu.memory_space<vmem>>
      %dma_wait3A_316 = arith.constant 0 : i32
      %dma_wait3A_317 = arith.constant 0 : i32
      %dma_wait3A_318 = tpu.memref_slice %arg2[%dma_wait3A_316, %dma_wait3A_317] : memref<10000x128xf32, #tpu.memory_space<hbm>> -> memref<128x128xf32, #tpu.memory_space<hbm>>
      tpu.wait_dma2 semaphore(%arg13 : memref<!tpu.dma_semaphore, #tpu.memory_space<semaphore_mem>>) src(%dma_wait3A_318 : memref<128x128xf32, #tpu.memory_space<hbm>>) dst(%dma_wait3A_315 : memref<128x128xf32, #tpu.memory_space<vmem>>)
      %dma_start3A_319 = arith.constant 1 : i32
      %dma_start3A_320 = arith.constant 0 : i32
      %dma_start3A_321 = arith.constant 0 : i32
      %dma_start3A_322 = tpu.memref_slice %arg10[%dma_start3A_319, %dma_start3A_320, %dma_start3A_321] : memref<2x128x128xf32, #tpu.memory_space<vmem>> -> memref<1x128x128xf32, #tpu.memory_space<vmem>>
      %dma_start3A_323 = tpu.memref_squeeze %dma_start3A_322 : memref<1x128x128xf32, #tpu.memory_space<vmem>> -> memref<128x128xf32, #tpu.memory_space<vmem>>
      %dma_start3A_324 = arith.constant 0 : i32
      %dma_start3A_325 = tpu.memref_slice %arg9[%add3A_303, %dma_start3A_324] : memref<40x128xi32, #tpu.memory_space<vmem>> -> memref<1x128xi32, #tpu.memory_space<vmem>>
      %dma_start3A_326 = tpu.memref_squeeze %dma_start3A_325 : memref<1x128xi32, #tpu.memory_space<vmem>> -> memref<128xi32, #tpu.memory_space<vmem>>
      %dma_start3A_327 = arith.constant 0 : i32
      %dma_start3A_328 = arith.constant 0 : i32
      %dma_start3A_329 = tpu.memref_slice %arg11[%dma_start3A_327, %dma_start3A_328] : memref<10112x128xf32, #tpu.memory_space<vmem_shared>> -> memref<10112x128xf32, #tpu.memory_space<vmem_shared>>
      tpu.enqueue_indirect_dma source(%dma_start3A_323 : memref<128x128xf32, #tpu.memory_space<vmem>>) target(%dma_start3A_329 : memref<10112x128xf32, #tpu.memory_space<vmem_shared>>) offsets(%dma_start3A_326 : memref<128xi32, #tpu.memory_space<vmem>>) semaphore(%arg15 : memref<!tpu.dma_semaphore, #tpu.memory_space<semaphore_mem>>) {add = true}
      %dma_wait3A_330 = arith.constant 1 : i32
      %dma_wait3A_331 = arith.constant 0 : i32
      %dma_wait3A_332 = arith.constant 0 : i32
      %dma_wait3A_333 = tpu.memref_slice %arg10[%dma_wait3A_330, %dma_wait3A_331, %dma_wait3A_332] : memref<2x128x128xf32, #tpu.memory_space<vmem>> -> memref<1x128x128xf32, #tpu.memory_space<vmem>>
      %dma_wait3A_334 = tpu.memref_squeeze %dma_wait3A_333 : memref<1x128x128xf32, #tpu.memory_space<vmem>> -> memref<128x128xf32, #tpu.memory_space<vmem>>
      %dma_wait3A_335 = arith.constant 0 : i32
      %dma_wait3A_336 = arith.constant 0 : i32
      %dma_wait3A_337 = tpu.memref_slice %arg2[%dma_wait3A_335, %dma_wait3A_336] : memref<10000x128xf32, #tpu.memory_space<hbm>> -> memref<128x128xf32, #tpu.memory_space<hbm>>
      %dma_wait3A_338 = arith.constant 0 : i32
      %dma_wait3A_339 = arith.constant 0 : i32
      %dma_wait3A_340 = tpu.memref_slice %arg10[%dma_wait3A_330, %dma_wait3A_338, %dma_wait3A_339] : memref<2x128x128xf32, #tpu.memory_space<vmem>> -> memref<1x128x128xf32, #tpu.memory_space<vmem>>
      %dma_wait3A_341 = tpu.memref_squeeze %dma_wait3A_340 : memref<1x128x128xf32, #tpu.memory_space<vmem>> -> memref<128x128xf32, #tpu.memory_space<vmem>>
      %dma_wait3A_342 = arith.constant 0 : i32
      %dma_wait3A_343 = arith.constant 0 : i32
      %dma_wait3A_344 = tpu.memref_slice %arg2[%dma_wait3A_342, %dma_wait3A_343] : memref<10000x128xf32, #tpu.memory_space<hbm>> -> memref<128x128xf32, #tpu.memory_space<hbm>>
      tpu.wait_dma2 semaphore(%arg15 : memref<!tpu.dma_semaphore, #tpu.memory_space<semaphore_mem>>) src(%dma_wait3A_344 : memref<128x128xf32, #tpu.memory_space<hbm>>) dst(%dma_wait3A_341 : memref<128x128xf32, #tpu.memory_space<vmem>>)
      %add3A_345 = arith.constant 2 : i32
      %add3A_346 = arith.addi %add3A_303, %add3A_345 : i32
      %dma_start3A_347 = arith.constant 1 : i32
      %dma_start3A_348 = arith.constant 0 : i32
      %dma_start3A_349 = arith.constant 0 : i32
      %dma_start3A_350 = tpu.memref_slice %arg10[%dma_start3A_347, %dma_start3A_348, %dma_start3A_349] : memref<2x128x128xf32, #tpu.memory_space<vmem>> -> memref<1x128x128xf32, #tpu.memory_space<vmem>>
      %dma_start3A_351 = tpu.memref_squeeze %dma_start3A_350 : memref<1x128x128xf32, #tpu.memory_space<vmem>> -> memref<128x128xf32, #tpu.memory_space<vmem>>
      %dma_start3A_352 = arith.constant 0 : i32
      %dma_start3A_353 = tpu.memref_slice %arg8[%add3A_346, %dma_start3A_352] : memref<40x128xi32, #tpu.memory_space<vmem>> -> memref<1x128xi32, #tpu.memory_space<vmem>>
      %dma_start3A_354 = tpu.memref_squeeze %dma_start3A_353 : memref<1x128xi32, #tpu.memory_space<vmem>> -> memref<128xi32, #tpu.memory_space<vmem>>
      %dma_start3A_355 = arith.constant 0 : i32
      %dma_start3A_356 = arith.constant 0 : i32
      %dma_start3A_357 = tpu.memref_slice %arg2[%dma_start3A_355, %dma_start3A_356] : memref<10000x128xf32, #tpu.memory_space<hbm>> -> memref<10000x128xf32, #tpu.memory_space<hbm>>
      tpu.enqueue_indirect_dma source(%dma_start3A_357 : memref<10000x128xf32, #tpu.memory_space<hbm>>) target(%dma_start3A_351 : memref<128x128xf32, #tpu.memory_space<vmem>>) offsets(%dma_start3A_354 : memref<128xi32, #tpu.memory_space<vmem>>) semaphore(%arg13 : memref<!tpu.dma_semaphore, #tpu.memory_space<semaphore_mem>>)
    }
    %scan3A_36 = arith.constant 19 : i32
    %dma_wait3A = arith.constant 0 : i32
    %dma_wait3A_37 = arith.constant 0 : i32
    %dma_wait3A_38 = arith.constant 0 : i32
    %dma_wait3A_39 = tpu.memref_slice %arg10[%dma_wait3A, %dma_wait3A_37, %dma_wait3A_38] : memref<2x128x128xf32, #tpu.memory_space<vmem>> -> memref<1x128x128xf32, #tpu.memory_space<vmem>>
    %dma_wait3A_40 = tpu.memref_squeeze %dma_wait3A_39 : memref<1x128x128xf32, #tpu.memory_space<vmem>> -> memref<128x128xf32, #tpu.memory_space<vmem>>
    %dma_wait3A_41 = arith.constant 0 : i32
    %dma_wait3A_42 = arith.constant 0 : i32
    %dma_wait3A_43 = tpu.memref_slice %arg2[%dma_wait3A_41, %dma_wait3A_42] : memref<10000x128xf32, #tpu.memory_space<hbm>> -> memref<128x128xf32, #tpu.memory_space<hbm>>
    %dma_wait3A_44 = arith.constant 0 : i32
    %dma_wait3A_45 = arith.constant 0 : i32
    %dma_wait3A_46 = tpu.memref_slice %arg10[%dma_wait3A, %dma_wait3A_44, %dma_wait3A_45] : memref<2x128x128xf32, #tpu.memory_space<vmem>> -> memref<1x128x128xf32, #tpu.memory_space<vmem>>
    %dma_wait3A_47 = tpu.memref_squeeze %dma_wait3A_46 : memref<1x128x128xf32, #tpu.memory_space<vmem>> -> memref<128x128xf32, #tpu.memory_space<vmem>>
    %dma_wait3A_48 = arith.constant 0 : i32
    %dma_wait3A_49 = arith.constant 0 : i32
    %dma_wait3A_50 = tpu.memref_slice %arg2[%dma_wait3A_48, %dma_wait3A_49] : memref<10000x128xf32, #tpu.memory_space<hbm>> -> memref<128x128xf32, #tpu.memory_space<hbm>>
    tpu.wait_dma2 semaphore(%arg12 : memref<!tpu.dma_semaphore, #tpu.memory_space<semaphore_mem>>) src(%dma_wait3A_50 : memref<128x128xf32, #tpu.memory_space<hbm>>) dst(%dma_wait3A_47 : memref<128x128xf32, #tpu.memory_space<vmem>>)
    %dma_start3A_51 = arith.constant 0 : i32
    %dma_start3A_52 = arith.constant 38 : i32
    %dma_start3A_53 = arith.constant 0 : i32
    %dma_start3A_54 = arith.constant 0 : i32
    %dma_start3A_55 = tpu.memref_slice %arg10[%dma_start3A_51, %dma_start3A_53, %dma_start3A_54] : memref<2x128x128xf32, #tpu.memory_space<vmem>> -> memref<1x128x128xf32, #tpu.memory_space<vmem>>
    %dma_start3A_56 = tpu.memref_squeeze %dma_start3A_55 : memref<1x128x128xf32, #tpu.memory_space<vmem>> -> memref<128x128xf32, #tpu.memory_space<vmem>>
    %dma_start3A_57 = arith.constant 0 : i32
    %dma_start3A_58 = tpu.memref_slice %arg9[%dma_start3A_52, %dma_start3A_57] : memref<40x128xi32, #tpu.memory_space<vmem>> -> memref<1x128xi32, #tpu.memory_space<vmem>>
    %dma_start3A_59 = tpu.memref_squeeze %dma_start3A_58 : memref<1x128xi32, #tpu.memory_space<vmem>> -> memref<128xi32, #tpu.memory_space<vmem>>
    %dma_start3A_60 = arith.constant 0 : i32
    %dma_start3A_61 = arith.constant 0 : i32
    %dma_start3A_62 = tpu.memref_slice %arg11[%dma_start3A_60, %dma_start3A_61] : memref<10112x128xf32, #tpu.memory_space<vmem_shared>> -> memref<10112x128xf32, #tpu.memory_space<vmem_shared>>
    tpu.enqueue_indirect_dma source(%dma_start3A_56 : memref<128x128xf32, #tpu.memory_space<vmem>>) target(%dma_start3A_62 : memref<10112x128xf32, #tpu.memory_space<vmem_shared>>) offsets(%dma_start3A_59 : memref<128xi32, #tpu.memory_space<vmem>>) semaphore(%arg14 : memref<!tpu.dma_semaphore, #tpu.memory_space<semaphore_mem>>) {add = true}
    %dma_wait3A_63 = arith.constant 1 : i32
    %dma_wait3A_64 = arith.constant 0 : i32
    %dma_wait3A_65 = arith.constant 0 : i32
    %dma_wait3A_66 = tpu.memref_slice %arg10[%dma_wait3A_63, %dma_wait3A_64, %dma_wait3A_65] : memref<2x128x128xf32, #tpu.memory_space<vmem>> -> memref<1x128x128xf32, #tpu.memory_space<vmem>>
    %dma_wait3A_67 = tpu.memref_squeeze %dma_wait3A_66 : memref<1x128x128xf32, #tpu.memory_space<vmem>> -> memref<128x128xf32, #tpu.memory_space<vmem>>
    %dma_wait3A_68 = arith.constant 0 : i32
    %dma_wait3A_69 = arith.constant 0 : i32
    %dma_wait3A_70 = tpu.memref_slice %arg2[%dma_wait3A_68, %dma_wait3A_69] : memref<10000x128xf32, #tpu.memory_space<hbm>> -> memref<128x128xf32, #tpu.memory_space<hbm>>
    %dma_wait3A_71 = arith.constant 0 : i32
    %dma_wait3A_72 = arith.constant 0 : i32
    %dma_wait3A_73 = tpu.memref_slice %arg10[%dma_wait3A_63, %dma_wait3A_71, %dma_wait3A_72] : memref<2x128x128xf32, #tpu.memory_space<vmem>> -> memref<1x128x128xf32, #tpu.memory_space<vmem>>
    %dma_wait3A_74 = tpu.memref_squeeze %dma_wait3A_73 : memref<1x128x128xf32, #tpu.memory_space<vmem>> -> memref<128x128xf32, #tpu.memory_space<vmem>>
    %dma_wait3A_75 = arith.constant 0 : i32
    %dma_wait3A_76 = arith.constant 0 : i32
    %dma_wait3A_77 = tpu.memref_slice %arg2[%dma_wait3A_75, %dma_wait3A_76] : memref<10000x128xf32, #tpu.memory_space<hbm>> -> memref<128x128xf32, #tpu.memory_space<hbm>>
    tpu.wait_dma2 semaphore(%arg13 : memref<!tpu.dma_semaphore, #tpu.memory_space<semaphore_mem>>) src(%dma_wait3A_77 : memref<128x128xf32, #tpu.memory_space<hbm>>) dst(%dma_wait3A_74 : memref<128x128xf32, #tpu.memory_space<vmem>>)
    %dma_start3A_78 = arith.constant 1 : i32
    %dma_start3A_79 = arith.constant 39 : i32
    %dma_start3A_80 = arith.constant 0 : i32
    %dma_start3A_81 = arith.constant 0 : i32
    %dma_start3A_82 = tpu.memref_slice %arg10[%dma_start3A_78, %dma_start3A_80, %dma_start3A_81] : memref<2x128x128xf32, #tpu.memory_space<vmem>> -> memref<1x128x128xf32, #tpu.memory_space<vmem>>
    %dma_start3A_83 = tpu.memref_squeeze %dma_start3A_82 : memref<1x128x128xf32, #tpu.memory_space<vmem>> -> memref<128x128xf32, #tpu.memory_space<vmem>>
    %dma_start3A_84 = arith.constant 0 : i32
    %dma_start3A_85 = tpu.memref_slice %arg9[%dma_start3A_79, %dma_start3A_84] : memref<40x128xi32, #tpu.memory_space<vmem>> -> memref<1x128xi32, #tpu.memory_space<vmem>>
    %dma_start3A_86 = tpu.memref_squeeze %dma_start3A_85 : memref<1x128xi32, #tpu.memory_space<vmem>> -> memref<128xi32, #tpu.memory_space<vmem>>
    %dma_start3A_87 = arith.constant 0 : i32
    %dma_start3A_88 = arith.constant 0 : i32
    %dma_start3A_89 = tpu.memref_slice %arg11[%dma_start3A_87, %dma_start3A_88] : memref<10112x128xf32, #tpu.memory_space<vmem_shared>> -> memref<10112x128xf32, #tpu.memory_space<vmem_shared>>
    tpu.enqueue_indirect_dma source(%dma_start3A_83 : memref<128x128xf32, #tpu.memory_space<vmem>>) target(%dma_start3A_89 : memref<10112x128xf32, #tpu.memory_space<vmem_shared>>) offsets(%dma_start3A_86 : memref<128xi32, #tpu.memory_space<vmem>>) semaphore(%arg15 : memref<!tpu.dma_semaphore, #tpu.memory_space<semaphore_mem>>) {add = true}
    %dma_wait3A_90 = arith.constant 0 : i32
    %dma_wait3A_91 = arith.constant 0 : i32
    %dma_wait3A_92 = arith.constant 0 : i32
    %dma_wait3A_93 = tpu.memref_slice %arg10[%dma_wait3A_90, %dma_wait3A_91, %dma_wait3A_92] : memref<2x128x128xf32, #tpu.memory_space<vmem>> -> memref<1x128x128xf32, #tpu.memory_space<vmem>>
    %dma_wait3A_94 = tpu.memref_squeeze %dma_wait3A_93 : memref<1x128x128xf32, #tpu.memory_space<vmem>> -> memref<128x128xf32, #tpu.memory_space<vmem>>
    %dma_wait3A_95 = arith.constant 0 : i32
    %dma_wait3A_96 = arith.constant 0 : i32
    %dma_wait3A_97 = tpu.memref_slice %arg2[%dma_wait3A_95, %dma_wait3A_96] : memref<10000x128xf32, #tpu.memory_space<hbm>> -> memref<128x128xf32, #tpu.memory_space<hbm>>
    %dma_wait3A_98 = arith.constant 0 : i32
    %dma_wait3A_99 = arith.constant 0 : i32
    %dma_wait3A_100 = tpu.memref_slice %arg10[%dma_wait3A_90, %dma_wait3A_98, %dma_wait3A_99] : memref<2x128x128xf32, #tpu.memory_space<vmem>> -> memref<1x128x128xf32, #tpu.memory_space<vmem>>
    %dma_wait3A_101 = tpu.memref_squeeze %dma_wait3A_100 : memref<1x128x128xf32, #tpu.memory_space<vmem>> -> memref<128x128xf32, #tpu.memory_space<vmem>>
    %dma_wait3A_102 = arith.constant 0 : i32
    %dma_wait3A_103 = arith.constant 0 : i32
    %dma_wait3A_104 = tpu.memref_slice %arg2[%dma_wait3A_102, %dma_wait3A_103] : memref<10000x128xf32, #tpu.memory_space<hbm>> -> memref<128x128xf32, #tpu.memory_space<hbm>>
    tpu.wait_dma2 semaphore(%arg14 : memref<!tpu.dma_semaphore, #tpu.memory_space<semaphore_mem>>) src(%dma_wait3A_104 : memref<128x128xf32, #tpu.memory_space<hbm>>) dst(%dma_wait3A_101 : memref<128x128xf32, #tpu.memory_space<vmem>>)
    %dma_wait3A_105 = arith.constant 1 : i32
    %dma_wait3A_106 = arith.constant 0 : i32
    %dma_wait3A_107 = arith.constant 0 : i32
    %dma_wait3A_108 = tpu.memref_slice %arg10[%dma_wait3A_105, %dma_wait3A_106, %dma_wait3A_107] : memref<2x128x128xf32, #tpu.memory_space<vmem>> -> memref<1x128x128xf32, #tpu.memory_space<vmem>>
    %dma_wait3A_109 = tpu.memref_squeeze %dma_wait3A_108 : memref<1x128x128xf32, #tpu.memory_space<vmem>> -> memref<128x128xf32, #tpu.memory_space<vmem>>
    %dma_wait3A_110 = arith.constant 0 : i32
    %dma_wait3A_111 = arith.constant 0 : i32
    %dma_wait3A_112 = tpu.memref_slice %arg2[%dma_wait3A_110, %dma_wait3A_111] : memref<10000x128xf32, #tpu.memory_space<hbm>> -> memref<128x128xf32, #tpu.memory_space<hbm>>
    %dma_wait3A_113 = arith.constant 0 : i32
    %dma_wait3A_114 = arith.constant 0 : i32
    %dma_wait3A_115 = tpu.memref_slice %arg10[%dma_wait3A_105, %dma_wait3A_113, %dma_wait3A_114] : memref<2x128x128xf32, #tpu.memory_space<vmem>> -> memref<1x128x128xf32, #tpu.memory_space<vmem>>
    %dma_wait3A_116 = tpu.memref_squeeze %dma_wait3A_115 : memref<1x128x128xf32, #tpu.memory_space<vmem>> -> memref<128x128xf32, #tpu.memory_space<vmem>>
    %dma_wait3A_117 = arith.constant 0 : i32
    %dma_wait3A_118 = arith.constant 0 : i32
    %dma_wait3A_119 = tpu.memref_slice %arg2[%dma_wait3A_117, %dma_wait3A_118] : memref<10000x128xf32, #tpu.memory_space<hbm>> -> memref<128x128xf32, #tpu.memory_space<hbm>>
    tpu.wait_dma2 semaphore(%arg15 : memref<!tpu.dma_semaphore, #tpu.memory_space<semaphore_mem>>) src(%dma_wait3A_119 : memref<128x128xf32, #tpu.memory_space<hbm>>) dst(%dma_wait3A_116 : memref<128x128xf32, #tpu.memory_space<vmem>>)
    %mul3A_120 = arith.constant 80 : i32
    %mul3A_121 = arith.muli %add3A, %mul3A_120 : i32
    %add3A_122 = arith.constant 40 : i32
    %add3A_123 = arith.addi %mul3A_121, %add3A_122 : i32
    "tpu.region"() ({
      %run_scoped3A = tpu.sem_alloc : memref<!tpu.dma_semaphore, #tpu.memory_space<semaphore_mem>>
      %dma_start3A_243 = arith.constant 0 : i32
      %dma_start3A_244 = tpu.memref_slice %arg3[%add3A_123, %dma_start3A_243] : memref<2560x128xi32, #tpu.memory_space<hbm>> -> memref<40x128xi32, #tpu.memory_space<hbm>>
      %dma_start3A_245 = arith.constant 0 : i32
      %dma_start3A_246 = tpu.memref_slice %arg3[%add3A_123, %dma_start3A_245] : memref<2560x128xi32, #tpu.memory_space<hbm>> -> memref<40x128xi32, #tpu.memory_space<hbm>>
      tpu.enqueue_dma source(%dma_start3A_246 : memref<40x128xi32, #tpu.memory_space<hbm>>) target(%arg8 : memref<40x128xi32, #tpu.memory_space<vmem>>) target_semaphore(%run_scoped3A : memref<!tpu.dma_semaphore, #tpu.memory_space<semaphore_mem>>)
      %dma_wait3A_247 = arith.constant 0 : i32
      %dma_wait3A_248 = tpu.memref_slice %arg3[%add3A_123, %dma_wait3A_247] : memref<2560x128xi32, #tpu.memory_space<hbm>> -> memref<40x128xi32, #tpu.memory_space<hbm>>
      %dma_wait3A_249 = arith.constant 0 : i32
      %dma_wait3A_250 = tpu.memref_slice %arg3[%add3A_123, %dma_wait3A_249] : memref<2560x128xi32, #tpu.memory_space<hbm>> -> memref<40x128xi32, #tpu.memory_space<hbm>>
      tpu.wait_dma2 semaphore(%run_scoped3A : memref<!tpu.dma_semaphore, #tpu.memory_space<semaphore_mem>>) src(%dma_wait3A_250 : memref<40x128xi32, #tpu.memory_space<hbm>>) dst(%arg8 : memref<40x128xi32, #tpu.memory_space<vmem>>)
      tpu.yield
    }) : () -> ()
    "tpu.region"() ({
      %run_scoped3A = tpu.sem_alloc : memref<!tpu.dma_semaphore, #tpu.memory_space<semaphore_mem>>
      %dma_start3A_243 = arith.constant 0 : i32
      %dma_start3A_244 = tpu.memref_slice %arg4[%add3A_123, %dma_start3A_243] : memref<2560x128xi32, #tpu.memory_space<hbm>> -> memref<40x128xi32, #tpu.memory_space<hbm>>
      %dma_start3A_245 = arith.constant 0 : i32
      %dma_start3A_246 = tpu.memref_slice %arg4[%add3A_123, %dma_start3A_245] : memref<2560x128xi32, #tpu.memory_space<hbm>> -> memref<40x128xi32, #tpu.memory_space<hbm>>
      tpu.enqueue_dma source(%dma_start3A_246 : memref<40x128xi32, #tpu.memory_space<hbm>>) target(%arg9 : memref<40x128xi32, #tpu.memory_space<vmem>>) target_semaphore(%run_scoped3A : memref<!tpu.dma_semaphore, #tpu.memory_space<semaphore_mem>>)
      %dma_wait3A_247 = arith.constant 0 : i32
      %dma_wait3A_248 = tpu.memref_slice %arg4[%add3A_123, %dma_wait3A_247] : memref<2560x128xi32, #tpu.memory_space<hbm>> -> memref<40x128xi32, #tpu.memory_space<hbm>>
      %dma_wait3A_249 = arith.constant 0 : i32
      %dma_wait3A_250 = tpu.memref_slice %arg4[%add3A_123, %dma_wait3A_249] : memref<2560x128xi32, #tpu.memory_space<hbm>> -> memref<40x128xi32, #tpu.memory_space<hbm>>
      tpu.wait_dma2 semaphore(%run_scoped3A : memref<!tpu.dma_semaphore, #tpu.memory_space<semaphore_mem>>) src(%dma_wait3A_250 : memref<40x128xi32, #tpu.memory_space<hbm>>) dst(%arg9 : memref<40x128xi32, #tpu.memory_space<vmem>>)
      tpu.yield
    }) : () -> ()
    %dma_start3A_124 = arith.constant 0 : i32
    %dma_start3A_125 = arith.constant 0 : i32
    %dma_start3A_126 = arith.constant 0 : i32
    %dma_start3A_127 = arith.constant 0 : i32
    %dma_start3A_128 = tpu.memref_slice %arg10[%dma_start3A_125, %dma_start3A_126, %dma_start3A_127] : memref<2x128x128xf32, #tpu.memory_space<vmem>> -> memref<1x128x128xf32, #tpu.memory_space<vmem>>
    %dma_start3A_129 = tpu.memref_squeeze %dma_start3A_128 : memref<1x128x128xf32, #tpu.memory_space<vmem>> -> memref<128x128xf32, #tpu.memory_space<vmem>>
    %dma_start3A_130 = arith.constant 0 : i32
    %dma_start3A_131 = tpu.memref_slice %arg8[%dma_start3A_124, %dma_start3A_130] : memref<40x128xi32, #tpu.memory_space<vmem>> -> memref<1x128xi32, #tpu.memory_space<vmem>>
    %dma_start3A_132 = tpu.memref_squeeze %dma_start3A_131 : memref<1x128xi32, #tpu.memory_space<vmem>> -> memref<128xi32, #tpu.memory_space<vmem>>
    %dma_start3A_133 = arith.constant 0 : i32
    %dma_start3A_134 = arith.constant 0 : i32
    %dma_start3A_135 = tpu.memref_slice %arg2[%dma_start3A_133, %dma_start3A_134] : memref<10000x128xf32, #tpu.memory_space<hbm>> -> memref<10000x128xf32, #tpu.memory_space<hbm>>
    tpu.enqueue_indirect_dma source(%dma_start3A_135 : memref<10000x128xf32, #tpu.memory_space<hbm>>) target(%dma_start3A_129 : memref<128x128xf32, #tpu.memory_space<vmem>>) offsets(%dma_start3A_132 : memref<128xi32, #tpu.memory_space<vmem>>) semaphore(%arg12 : memref<!tpu.dma_semaphore, #tpu.memory_space<semaphore_mem>>)
    %dma_start3A_136 = arith.constant 1 : i32
    %dma_start3A_137 = arith.constant 1 : i32
    %dma_start3A_138 = arith.constant 0 : i32
    %dma_start3A_139 = arith.constant 0 : i32
    %dma_start3A_140 = tpu.memref_slice %arg10[%dma_start3A_137, %dma_start3A_138, %dma_start3A_139] : memref<2x128x128xf32, #tpu.memory_space<vmem>> -> memref<1x128x128xf32, #tpu.memory_space<vmem>>
    %dma_start3A_141 = tpu.memref_squeeze %dma_start3A_140 : memref<1x128x128xf32, #tpu.memory_space<vmem>> -> memref<128x128xf32, #tpu.memory_space<vmem>>
    %dma_start3A_142 = arith.constant 0 : i32
    %dma_start3A_143 = tpu.memref_slice %arg8[%dma_start3A_136, %dma_start3A_142] : memref<40x128xi32, #tpu.memory_space<vmem>> -> memref<1x128xi32, #tpu.memory_space<vmem>>
    %dma_start3A_144 = tpu.memref_squeeze %dma_start3A_143 : memref<1x128xi32, #tpu.memory_space<vmem>> -> memref<128xi32, #tpu.memory_space<vmem>>
    %dma_start3A_145 = arith.constant 0 : i32
    %dma_start3A_146 = arith.constant 0 : i32
    %dma_start3A_147 = tpu.memref_slice %arg2[%dma_start3A_145, %dma_start3A_146] : memref<10000x128xf32, #tpu.memory_space<hbm>> -> memref<10000x128xf32, #tpu.memory_space<hbm>>
    tpu.enqueue_indirect_dma source(%dma_start3A_147 : memref<10000x128xf32, #tpu.memory_space<hbm>>) target(%dma_start3A_141 : memref<128x128xf32, #tpu.memory_space<vmem>>) offsets(%dma_start3A_144 : memref<128xi32, #tpu.memory_space<vmem>>) semaphore(%arg13 : memref<!tpu.dma_semaphore, #tpu.memory_space<semaphore_mem>>)
    %scan3A_148 = arith.constant 0 : i32
    %scan3A_149 = arith.constant 0 : i32
    %scan3A_150 = arith.constant 19 : i32
    %scan3A_151 = arith.addi %scan3A_149, %scan3A_150 : i32
    %scan3A_152 = arith.constant 1 : i32
    scf.for %scan3A_243 = %scan3A_149 to %scan3A_151 step %scan3A_152  : i32 {
      %mul3A_244 = arith.constant 2 : i32
      %mul3A_245 = arith.muli %scan3A_243, %mul3A_244 : i32
      %add3A_246 = arith.constant 0 : i32
      %add3A_247 = arith.addi %mul3A_245, %add3A_246 : i32
      %dma_wait3A_248 = arith.constant 0 : i32
      %dma_wait3A_249 = arith.constant 0 : i32
      %dma_wait3A_250 = arith.constant 0 : i32
      %dma_wait3A_251 = tpu.memref_slice %arg10[%dma_wait3A_248, %dma_wait3A_249, %dma_wait3A_250] : memref<2x128x128xf32, #tpu.memory_space<vmem>> -> memref<1x128x128xf32, #tpu.memory_space<vmem>>
      %dma_wait3A_252 = tpu.memref_squeeze %dma_wait3A_251 : memref<1x128x128xf32, #tpu.memory_space<vmem>> -> memref<128x128xf32, #tpu.memory_space<vmem>>
      %dma_wait3A_253 = arith.constant 0 : i32
      %dma_wait3A_254 = arith.constant 0 : i32
      %dma_wait3A_255 = tpu.memref_slice %arg2[%dma_wait3A_253, %dma_wait3A_254] : memref<10000x128xf32, #tpu.memory_space<hbm>> -> memref<128x128xf32, #tpu.memory_space<hbm>>
      %dma_wait3A_256 = arith.constant 0 : i32
      %dma_wait3A_257 = arith.constant 0 : i32
      %dma_wait3A_258 = tpu.memref_slice %arg10[%dma_wait3A_248, %dma_wait3A_256, %dma_wait3A_257] : memref<2x128x128xf32, #tpu.memory_space<vmem>> -> memref<1x128x128xf32, #tpu.memory_space<vmem>>
      %dma_wait3A_259 = tpu.memref_squeeze %dma_wait3A_258 : memref<1x128x128xf32, #tpu.memory_space<vmem>> -> memref<128x128xf32, #tpu.memory_space<vmem>>
      %dma_wait3A_260 = arith.constant 0 : i32
      %dma_wait3A_261 = arith.constant 0 : i32
      %dma_wait3A_262 = tpu.memref_slice %arg2[%dma_wait3A_260, %dma_wait3A_261] : memref<10000x128xf32, #tpu.memory_space<hbm>> -> memref<128x128xf32, #tpu.memory_space<hbm>>
      tpu.wait_dma2 semaphore(%arg12 : memref<!tpu.dma_semaphore, #tpu.memory_space<semaphore_mem>>) src(%dma_wait3A_262 : memref<128x128xf32, #tpu.memory_space<hbm>>) dst(%dma_wait3A_259 : memref<128x128xf32, #tpu.memory_space<vmem>>)
      %dma_start3A_263 = arith.constant 0 : i32
      %dma_start3A_264 = arith.constant 0 : i32
      %dma_start3A_265 = arith.constant 0 : i32
      %dma_start3A_266 = tpu.memref_slice %arg10[%dma_start3A_263, %dma_start3A_264, %dma_start3A_265] : memref<2x128x128xf32, #tpu.memory_space<vmem>> -> memref<1x128x128xf32, #tpu.memory_space<vmem>>
      %dma_start3A_267 = tpu.memref_squeeze %dma_start3A_266 : memref<1x128x128xf32, #tpu.memory_space<vmem>> -> memref<128x128xf32, #tpu.memory_space<vmem>>
      %dma_start3A_268 = arith.constant 0 : i32
      %dma_start3A_269 = tpu.memref_slice %arg9[%add3A_247, %dma_start3A_268] : memref<40x128xi32, #tpu.memory_space<vmem>> -> memref<1x128xi32, #tpu.memory_space<vmem>>
      %dma_start3A_270 = tpu.memref_squeeze %dma_start3A_269 : memref<1x128xi32, #tpu.memory_space<vmem>> -> memref<128xi32, #tpu.memory_space<vmem>>
      %dma_start3A_271 = arith.constant 0 : i32
      %dma_start3A_272 = arith.constant 0 : i32
      %dma_start3A_273 = tpu.memref_slice %arg11[%dma_start3A_271, %dma_start3A_272] : memref<10112x128xf32, #tpu.memory_space<vmem_shared>> -> memref<10112x128xf32, #tpu.memory_space<vmem_shared>>
      tpu.enqueue_indirect_dma source(%dma_start3A_267 : memref<128x128xf32, #tpu.memory_space<vmem>>) target(%dma_start3A_273 : memref<10112x128xf32, #tpu.memory_space<vmem_shared>>) offsets(%dma_start3A_270 : memref<128xi32, #tpu.memory_space<vmem>>) semaphore(%arg14 : memref<!tpu.dma_semaphore, #tpu.memory_space<semaphore_mem>>) {add = true}
      %dma_wait3A_274 = arith.constant 0 : i32
      %dma_wait3A_275 = arith.constant 0 : i32
      %dma_wait3A_276 = arith.constant 0 : i32
      %dma_wait3A_277 = tpu.memref_slice %arg10[%dma_wait3A_274, %dma_wait3A_275, %dma_wait3A_276] : memref<2x128x128xf32, #tpu.memory_space<vmem>> -> memref<1x128x128xf32, #tpu.memory_space<vmem>>
      %dma_wait3A_278 = tpu.memref_squeeze %dma_wait3A_277 : memref<1x128x128xf32, #tpu.memory_space<vmem>> -> memref<128x128xf32, #tpu.memory_space<vmem>>
      %dma_wait3A_279 = arith.constant 0 : i32
      %dma_wait3A_280 = arith.constant 0 : i32
      %dma_wait3A_281 = tpu.memref_slice %arg2[%dma_wait3A_279, %dma_wait3A_280] : memref<10000x128xf32, #tpu.memory_space<hbm>> -> memref<128x128xf32, #tpu.memory_space<hbm>>
      %dma_wait3A_282 = arith.constant 0 : i32
      %dma_wait3A_283 = arith.constant 0 : i32
      %dma_wait3A_284 = tpu.memref_slice %arg10[%dma_wait3A_274, %dma_wait3A_282, %dma_wait3A_283] : memref<2x128x128xf32, #tpu.memory_space<vmem>> -> memref<1x128x128xf32, #tpu.memory_space<vmem>>
      %dma_wait3A_285 = tpu.memref_squeeze %dma_wait3A_284 : memref<1x128x128xf32, #tpu.memory_space<vmem>> -> memref<128x128xf32, #tpu.memory_space<vmem>>
      %dma_wait3A_286 = arith.constant 0 : i32
      %dma_wait3A_287 = arith.constant 0 : i32
      %dma_wait3A_288 = tpu.memref_slice %arg2[%dma_wait3A_286, %dma_wait3A_287] : memref<10000x128xf32, #tpu.memory_space<hbm>> -> memref<128x128xf32, #tpu.memory_space<hbm>>
      tpu.wait_dma2 semaphore(%arg14 : memref<!tpu.dma_semaphore, #tpu.memory_space<semaphore_mem>>) src(%dma_wait3A_288 : memref<128x128xf32, #tpu.memory_space<hbm>>) dst(%dma_wait3A_285 : memref<128x128xf32, #tpu.memory_space<vmem>>)
      %add3A_289 = arith.constant 2 : i32
      %add3A_290 = arith.addi %add3A_247, %add3A_289 : i32
      %dma_start3A_291 = arith.constant 0 : i32
      %dma_start3A_292 = arith.constant 0 : i32
      %dma_start3A_293 = arith.constant 0 : i32
      %dma_start3A_294 = tpu.memref_slice %arg10[%dma_start3A_291, %dma_start3A_292, %dma_start3A_293] : memref<2x128x128xf32, #tpu.memory_space<vmem>> -> memref<1x128x128xf32, #tpu.memory_space<vmem>>
      %dma_start3A_295 = tpu.memref_squeeze %dma_start3A_294 : memref<1x128x128xf32, #tpu.memory_space<vmem>> -> memref<128x128xf32, #tpu.memory_space<vmem>>
      %dma_start3A_296 = arith.constant 0 : i32
      %dma_start3A_297 = tpu.memref_slice %arg8[%add3A_290, %dma_start3A_296] : memref<40x128xi32, #tpu.memory_space<vmem>> -> memref<1x128xi32, #tpu.memory_space<vmem>>
      %dma_start3A_298 = tpu.memref_squeeze %dma_start3A_297 : memref<1x128xi32, #tpu.memory_space<vmem>> -> memref<128xi32, #tpu.memory_space<vmem>>
      %dma_start3A_299 = arith.constant 0 : i32
      %dma_start3A_300 = arith.constant 0 : i32
      %dma_start3A_301 = tpu.memref_slice %arg2[%dma_start3A_299, %dma_start3A_300] : memref<10000x128xf32, #tpu.memory_space<hbm>> -> memref<10000x128xf32, #tpu.memory_space<hbm>>
      tpu.enqueue_indirect_dma source(%dma_start3A_301 : memref<10000x128xf32, #tpu.memory_space<hbm>>) target(%dma_start3A_295 : memref<128x128xf32, #tpu.memory_space<vmem>>) offsets(%dma_start3A_298 : memref<128xi32, #tpu.memory_space<vmem>>) semaphore(%arg12 : memref<!tpu.dma_semaphore, #tpu.memory_space<semaphore_mem>>)
      %add3A_302 = arith.constant 1 : i32
      %add3A_303 = arith.addi %mul3A_245, %add3A_302 : i32
      %dma_wait3A_304 = arith.constant 1 : i32
      %dma_wait3A_305 = arith.constant 0 : i32
      %dma_wait3A_306 = arith.constant 0 : i32
      %dma_wait3A_307 = tpu.memref_slice %arg10[%dma_wait3A_304, %dma_wait3A_305, %dma_wait3A_306] : memref<2x128x128xf32, #tpu.memory_space<vmem>> -> memref<1x128x128xf32, #tpu.memory_space<vmem>>
      %dma_wait3A_308 = tpu.memref_squeeze %dma_wait3A_307 : memref<1x128x128xf32, #tpu.memory_space<vmem>> -> memref<128x128xf32, #tpu.memory_space<vmem>>
      %dma_wait3A_309 = arith.constant 0 : i32
      %dma_wait3A_310 = arith.constant 0 : i32
      %dma_wait3A_311 = tpu.memref_slice %arg2[%dma_wait3A_309, %dma_wait3A_310] : memref<10000x128xf32, #tpu.memory_space<hbm>> -> memref<128x128xf32, #tpu.memory_space<hbm>>
      %dma_wait3A_312 = arith.constant 0 : i32
      %dma_wait3A_313 = arith.constant 0 : i32
      %dma_wait3A_314 = tpu.memref_slice %arg10[%dma_wait3A_304, %dma_wait3A_312, %dma_wait3A_313] : memref<2x128x128xf32, #tpu.memory_space<vmem>> -> memref<1x128x128xf32, #tpu.memory_space<vmem>>
      %dma_wait3A_315 = tpu.memref_squeeze %dma_wait3A_314 : memref<1x128x128xf32, #tpu.memory_space<vmem>> -> memref<128x128xf32, #tpu.memory_space<vmem>>
      %dma_wait3A_316 = arith.constant 0 : i32
      %dma_wait3A_317 = arith.constant 0 : i32
      %dma_wait3A_318 = tpu.memref_slice %arg2[%dma_wait3A_316, %dma_wait3A_317] : memref<10000x128xf32, #tpu.memory_space<hbm>> -> memref<128x128xf32, #tpu.memory_space<hbm>>
      tpu.wait_dma2 semaphore(%arg13 : memref<!tpu.dma_semaphore, #tpu.memory_space<semaphore_mem>>) src(%dma_wait3A_318 : memref<128x128xf32, #tpu.memory_space<hbm>>) dst(%dma_wait3A_315 : memref<128x128xf32, #tpu.memory_space<vmem>>)
      %dma_start3A_319 = arith.constant 1 : i32
      %dma_start3A_320 = arith.constant 0 : i32
      %dma_start3A_321 = arith.constant 0 : i32
      %dma_start3A_322 = tpu.memref_slice %arg10[%dma_start3A_319, %dma_start3A_320, %dma_start3A_321] : memref<2x128x128xf32, #tpu.memory_space<vmem>> -> memref<1x128x128xf32, #tpu.memory_space<vmem>>
      %dma_start3A_323 = tpu.memref_squeeze %dma_start3A_322 : memref<1x128x128xf32, #tpu.memory_space<vmem>> -> memref<128x128xf32, #tpu.memory_space<vmem>>
      %dma_start3A_324 = arith.constant 0 : i32
      %dma_start3A_325 = tpu.memref_slice %arg9[%add3A_303, %dma_start3A_324] : memref<40x128xi32, #tpu.memory_space<vmem>> -> memref<1x128xi32, #tpu.memory_space<vmem>>
      %dma_start3A_326 = tpu.memref_squeeze %dma_start3A_325 : memref<1x128xi32, #tpu.memory_space<vmem>> -> memref<128xi32, #tpu.memory_space<vmem>>
      %dma_start3A_327 = arith.constant 0 : i32
      %dma_start3A_328 = arith.constant 0 : i32
      %dma_start3A_329 = tpu.memref_slice %arg11[%dma_start3A_327, %dma_start3A_328] : memref<10112x128xf32, #tpu.memory_space<vmem_shared>> -> memref<10112x128xf32, #tpu.memory_space<vmem_shared>>
      tpu.enqueue_indirect_dma source(%dma_start3A_323 : memref<128x128xf32, #tpu.memory_space<vmem>>) target(%dma_start3A_329 : memref<10112x128xf32, #tpu.memory_space<vmem_shared>>) offsets(%dma_start3A_326 : memref<128xi32, #tpu.memory_space<vmem>>) semaphore(%arg15 : memref<!tpu.dma_semaphore, #tpu.memory_space<semaphore_mem>>) {add = true}
      %dma_wait3A_330 = arith.constant 1 : i32
      %dma_wait3A_331 = arith.constant 0 : i32
      %dma_wait3A_332 = arith.constant 0 : i32
      %dma_wait3A_333 = tpu.memref_slice %arg10[%dma_wait3A_330, %dma_wait3A_331, %dma_wait3A_332] : memref<2x128x128xf32, #tpu.memory_space<vmem>> -> memref<1x128x128xf32, #tpu.memory_space<vmem>>
      %dma_wait3A_334 = tpu.memref_squeeze %dma_wait3A_333 : memref<1x128x128xf32, #tpu.memory_space<vmem>> -> memref<128x128xf32, #tpu.memory_space<vmem>>
      %dma_wait3A_335 = arith.constant 0 : i32
      %dma_wait3A_336 = arith.constant 0 : i32
      %dma_wait3A_337 = tpu.memref_slice %arg2[%dma_wait3A_335, %dma_wait3A_336] : memref<10000x128xf32, #tpu.memory_space<hbm>> -> memref<128x128xf32, #tpu.memory_space<hbm>>
      %dma_wait3A_338 = arith.constant 0 : i32
      %dma_wait3A_339 = arith.constant 0 : i32
      %dma_wait3A_340 = tpu.memref_slice %arg10[%dma_wait3A_330, %dma_wait3A_338, %dma_wait3A_339] : memref<2x128x128xf32, #tpu.memory_space<vmem>> -> memref<1x128x128xf32, #tpu.memory_space<vmem>>
      %dma_wait3A_341 = tpu.memref_squeeze %dma_wait3A_340 : memref<1x128x128xf32, #tpu.memory_space<vmem>> -> memref<128x128xf32, #tpu.memory_space<vmem>>
      %dma_wait3A_342 = arith.constant 0 : i32
      %dma_wait3A_343 = arith.constant 0 : i32
      %dma_wait3A_344 = tpu.memref_slice %arg2[%dma_wait3A_342, %dma_wait3A_343] : memref<10000x128xf32, #tpu.memory_space<hbm>> -> memref<128x128xf32, #tpu.memory_space<hbm>>
      tpu.wait_dma2 semaphore(%arg15 : memref<!tpu.dma_semaphore, #tpu.memory_space<semaphore_mem>>) src(%dma_wait3A_344 : memref<128x128xf32, #tpu.memory_space<hbm>>) dst(%dma_wait3A_341 : memref<128x128xf32, #tpu.memory_space<vmem>>)
      %add3A_345 = arith.constant 2 : i32
      %add3A_346 = arith.addi %add3A_303, %add3A_345 : i32
      %dma_start3A_347 = arith.constant 1 : i32
      %dma_start3A_348 = arith.constant 0 : i32
      %dma_start3A_349 = arith.constant 0 : i32
      %dma_start3A_350 = tpu.memref_slice %arg10[%dma_start3A_347, %dma_start3A_348, %dma_start3A_349] : memref<2x128x128xf32, #tpu.memory_space<vmem>> -> memref<1x128x128xf32, #tpu.memory_space<vmem>>
      %dma_start3A_351 = tpu.memref_squeeze %dma_start3A_350 : memref<1x128x128xf32, #tpu.memory_space<vmem>> -> memref<128x128xf32, #tpu.memory_space<vmem>>
      %dma_start3A_352 = arith.constant 0 : i32
      %dma_start3A_353 = tpu.memref_slice %arg8[%add3A_346, %dma_start3A_352] : memref<40x128xi32, #tpu.memory_space<vmem>> -> memref<1x128xi32, #tpu.memory_space<vmem>>
      %dma_start3A_354 = tpu.memref_squeeze %dma_start3A_353 : memref<1x128xi32, #tpu.memory_space<vmem>> -> memref<128xi32, #tpu.memory_space<vmem>>
      %dma_start3A_355 = arith.constant 0 : i32
      %dma_start3A_356 = arith.constant 0 : i32
      %dma_start3A_357 = tpu.memref_slice %arg2[%dma_start3A_355, %dma_start3A_356] : memref<10000x128xf32, #tpu.memory_space<hbm>> -> memref<10000x128xf32, #tpu.memory_space<hbm>>
      tpu.enqueue_indirect_dma source(%dma_start3A_357 : memref<10000x128xf32, #tpu.memory_space<hbm>>) target(%dma_start3A_351 : memref<128x128xf32, #tpu.memory_space<vmem>>) offsets(%dma_start3A_354 : memref<128xi32, #tpu.memory_space<vmem>>) semaphore(%arg13 : memref<!tpu.dma_semaphore, #tpu.memory_space<semaphore_mem>>)
    }
    %scan3A_153 = arith.constant 19 : i32
    %dma_wait3A_154 = arith.constant 0 : i32
    %dma_wait3A_155 = arith.constant 0 : i32
    %dma_wait3A_156 = arith.constant 0 : i32
    %dma_wait3A_157 = tpu.memref_slice %arg10[%dma_wait3A_154, %dma_wait3A_155, %dma_wait3A_156] : memref<2x128x128xf32, #tpu.memory_space<vmem>> -> memref<1x128x128xf32, #tpu.memory_space<vmem>>
    %dma_wait3A_158 = tpu.memref_squeeze %dma_wait3A_157 : memref<1x128x128xf32, #tpu.memory_space<vmem>> -> memref<128x128xf32, #tpu.memory_space<vmem>>
    %dma_wait3A_159 = arith.constant 0 : i32
    %dma_wait3A_160 = arith.constant 0 : i32
    %dma_wait3A_161 = tpu.memref_slice %arg2[%dma_wait3A_159, %dma_wait3A_160] : memref<10000x128xf32, #tpu.memory_space<hbm>> -> memref<128x128xf32, #tpu.memory_space<hbm>>
    %dma_wait3A_162 = arith.constant 0 : i32
    %dma_wait3A_163 = arith.constant 0 : i32
    %dma_wait3A_164 = tpu.memref_slice %arg10[%dma_wait3A_154, %dma_wait3A_162, %dma_wait3A_163] : memref<2x128x128xf32, #tpu.memory_space<vmem>> -> memref<1x128x128xf32, #tpu.memory_space<vmem>>
    %dma_wait3A_165 = tpu.memref_squeeze %dma_wait3A_164 : memref<1x128x128xf32, #tpu.memory_space<vmem>> -> memref<128x128xf32, #tpu.memory_space<vmem>>
    %dma_wait3A_166 = arith.constant 0 : i32
    %dma_wait3A_167 = arith.constant 0 : i32
    %dma_wait3A_168 = tpu.memref_slice %arg2[%dma_wait3A_166, %dma_wait3A_167] : memref<10000x128xf32, #tpu.memory_space<hbm>> -> memref<128x128xf32, #tpu.memory_space<hbm>>
    tpu.wait_dma2 semaphore(%arg12 : memref<!tpu.dma_semaphore, #tpu.memory_space<semaphore_mem>>) src(%dma_wait3A_168 : memref<128x128xf32, #tpu.memory_space<hbm>>) dst(%dma_wait3A_165 : memref<128x128xf32, #tpu.memory_space<vmem>>)
    %dma_start3A_169 = arith.constant 0 : i32
    %dma_start3A_170 = arith.constant 38 : i32
    %dma_start3A_171 = arith.constant 0 : i32
    %dma_start3A_172 = arith.constant 0 : i32
    %dma_start3A_173 = tpu.memref_slice %arg10[%dma_start3A_169, %dma_start3A_171, %dma_start3A_172] : memref<2x128x128xf32, #tpu.memory_space<vmem>> -> memref<1x128x128xf32, #tpu.memory_space<vmem>>
    %dma_start3A_174 = tpu.memref_squeeze %dma_start3A_173 : memref<1x128x128xf32, #tpu.memory_space<vmem>> -> memref<128x128xf32, #tpu.memory_space<vmem>>
    %dma_start3A_175 = arith.constant 0 : i32
    %dma_start3A_176 = tpu.memref_slice %arg9[%dma_start3A_170, %dma_start3A_175] : memref<40x128xi32, #tpu.memory_space<vmem>> -> memref<1x128xi32, #tpu.memory_space<vmem>>
    %dma_start3A_177 = tpu.memref_squeeze %dma_start3A_176 : memref<1x128xi32, #tpu.memory_space<vmem>> -> memref<128xi32, #tpu.memory_space<vmem>>
    %dma_start3A_178 = arith.constant 0 : i32
    %dma_start3A_179 = arith.constant 0 : i32
    %dma_start3A_180 = tpu.memref_slice %arg11[%dma_start3A_178, %dma_start3A_179] : memref<10112x128xf32, #tpu.memory_space<vmem_shared>> -> memref<10112x128xf32, #tpu.memory_space<vmem_shared>>
    tpu.enqueue_indirect_dma source(%dma_start3A_174 : memref<128x128xf32, #tpu.memory_space<vmem>>) target(%dma_start3A_180 : memref<10112x128xf32, #tpu.memory_space<vmem_shared>>) offsets(%dma_start3A_177 : memref<128xi32, #tpu.memory_space<vmem>>) semaphore(%arg14 : memref<!tpu.dma_semaphore, #tpu.memory_space<semaphore_mem>>) {add = true}
    %dma_wait3A_181 = arith.constant 1 : i32
    %dma_wait3A_182 = arith.constant 0 : i32
    %dma_wait3A_183 = arith.constant 0 : i32
    %dma_wait3A_184 = tpu.memref_slice %arg10[%dma_wait3A_181, %dma_wait3A_182, %dma_wait3A_183] : memref<2x128x128xf32, #tpu.memory_space<vmem>> -> memref<1x128x128xf32, #tpu.memory_space<vmem>>
    %dma_wait3A_185 = tpu.memref_squeeze %dma_wait3A_184 : memref<1x128x128xf32, #tpu.memory_space<vmem>> -> memref<128x128xf32, #tpu.memory_space<vmem>>
    %dma_wait3A_186 = arith.constant 0 : i32
    %dma_wait3A_187 = arith.constant 0 : i32
    %dma_wait3A_188 = tpu.memref_slice %arg2[%dma_wait3A_186, %dma_wait3A_187] : memref<10000x128xf32, #tpu.memory_space<hbm>> -> memref<128x128xf32, #tpu.memory_space<hbm>>
    %dma_wait3A_189 = arith.constant 0 : i32
    %dma_wait3A_190 = arith.constant 0 : i32
    %dma_wait3A_191 = tpu.memref_slice %arg10[%dma_wait3A_181, %dma_wait3A_189, %dma_wait3A_190] : memref<2x128x128xf32, #tpu.memory_space<vmem>> -> memref<1x128x128xf32, #tpu.memory_space<vmem>>
    %dma_wait3A_192 = tpu.memref_squeeze %dma_wait3A_191 : memref<1x128x128xf32, #tpu.memory_space<vmem>> -> memref<128x128xf32, #tpu.memory_space<vmem>>
    %dma_wait3A_193 = arith.constant 0 : i32
    %dma_wait3A_194 = arith.constant 0 : i32
    %dma_wait3A_195 = tpu.memref_slice %arg2[%dma_wait3A_193, %dma_wait3A_194] : memref<10000x128xf32, #tpu.memory_space<hbm>> -> memref<128x128xf32, #tpu.memory_space<hbm>>
    tpu.wait_dma2 semaphore(%arg13 : memref<!tpu.dma_semaphore, #tpu.memory_space<semaphore_mem>>) src(%dma_wait3A_195 : memref<128x128xf32, #tpu.memory_space<hbm>>) dst(%dma_wait3A_192 : memref<128x128xf32, #tpu.memory_space<vmem>>)
    %dma_start3A_196 = arith.constant 1 : i32
    %dma_start3A_197 = arith.constant 39 : i32
    %dma_start3A_198 = arith.constant 0 : i32
    %dma_start3A_199 = arith.constant 0 : i32
    %dma_start3A_200 = tpu.memref_slice %arg10[%dma_start3A_196, %dma_start3A_198, %dma_start3A_199] : memref<2x128x128xf32, #tpu.memory_space<vmem>> -> memref<1x128x128xf32, #tpu.memory_space<vmem>>
    %dma_start3A_201 = tpu.memref_squeeze %dma_start3A_200 : memref<1x128x128xf32, #tpu.memory_space<vmem>> -> memref<128x128xf32, #tpu.memory_space<vmem>>
    %dma_start3A_202 = arith.constant 0 : i32
    %dma_start3A_203 = tpu.memref_slice %arg9[%dma_start3A_197, %dma_start3A_202] : memref<40x128xi32, #tpu.memory_space<vmem>> -> memref<1x128xi32, #tpu.memory_space<vmem>>
    %dma_start3A_204 = tpu.memref_squeeze %dma_start3A_203 : memref<1x128xi32, #tpu.memory_space<vmem>> -> memref<128xi32, #tpu.memory_space<vmem>>
    %dma_start3A_205 = arith.constant 0 : i32
    %dma_start3A_206 = arith.constant 0 : i32
    %dma_start3A_207 = tpu.memref_slice %arg11[%dma_start3A_205, %dma_start3A_206] : memref<10112x128xf32, #tpu.memory_space<vmem_shared>> -> memref<10112x128xf32, #tpu.memory_space<vmem_shared>>
    tpu.enqueue_indirect_dma source(%dma_start3A_201 : memref<128x128xf32, #tpu.memory_space<vmem>>) target(%dma_start3A_207 : memref<10112x128xf32, #tpu.memory_space<vmem_shared>>) offsets(%dma_start3A_204 : memref<128xi32, #tpu.memory_space<vmem>>) semaphore(%arg15 : memref<!tpu.dma_semaphore, #tpu.memory_space<semaphore_mem>>) {add = true}
    %dma_wait3A_208 = arith.constant 0 : i32
    %dma_wait3A_209 = arith.constant 0 : i32
    %dma_wait3A_210 = arith.constant 0 : i32
    %dma_wait3A_211 = tpu.memref_slice %arg10[%dma_wait3A_208, %dma_wait3A_209, %dma_wait3A_210] : memref<2x128x128xf32, #tpu.memory_space<vmem>> -> memref<1x128x128xf32, #tpu.memory_space<vmem>>
    %dma_wait3A_212 = tpu.memref_squeeze %dma_wait3A_211 : memref<1x128x128xf32, #tpu.memory_space<vmem>> -> memref<128x128xf32, #tpu.memory_space<vmem>>
    %dma_wait3A_213 = arith.constant 0 : i32
    %dma_wait3A_214 = arith.constant 0 : i32
    %dma_wait3A_215 = tpu.memref_slice %arg2[%dma_wait3A_213, %dma_wait3A_214] : memref<10000x128xf32, #tpu.memory_space<hbm>> -> memref<128x128xf32, #tpu.memory_space<hbm>>
    %dma_wait3A_216 = arith.constant 0 : i32
    %dma_wait3A_217 = arith.constant 0 : i32
    %dma_wait3A_218 = tpu.memref_slice %arg10[%dma_wait3A_208, %dma_wait3A_216, %dma_wait3A_217] : memref<2x128x128xf32, #tpu.memory_space<vmem>> -> memref<1x128x128xf32, #tpu.memory_space<vmem>>
    %dma_wait3A_219 = tpu.memref_squeeze %dma_wait3A_218 : memref<1x128x128xf32, #tpu.memory_space<vmem>> -> memref<128x128xf32, #tpu.memory_space<vmem>>
    %dma_wait3A_220 = arith.constant 0 : i32
    %dma_wait3A_221 = arith.constant 0 : i32
    %dma_wait3A_222 = tpu.memref_slice %arg2[%dma_wait3A_220, %dma_wait3A_221] : memref<10000x128xf32, #tpu.memory_space<hbm>> -> memref<128x128xf32, #tpu.memory_space<hbm>>
    tpu.wait_dma2 semaphore(%arg14 : memref<!tpu.dma_semaphore, #tpu.memory_space<semaphore_mem>>) src(%dma_wait3A_222 : memref<128x128xf32, #tpu.memory_space<hbm>>) dst(%dma_wait3A_219 : memref<128x128xf32, #tpu.memory_space<vmem>>)
    %dma_wait3A_223 = arith.constant 1 : i32
    %dma_wait3A_224 = arith.constant 0 : i32
    %dma_wait3A_225 = arith.constant 0 : i32
    %dma_wait3A_226 = tpu.memref_slice %arg10[%dma_wait3A_223, %dma_wait3A_224, %dma_wait3A_225] : memref<2x128x128xf32, #tpu.memory_space<vmem>> -> memref<1x128x128xf32, #tpu.memory_space<vmem>>
    %dma_wait3A_227 = tpu.memref_squeeze %dma_wait3A_226 : memref<1x128x128xf32, #tpu.memory_space<vmem>> -> memref<128x128xf32, #tpu.memory_space<vmem>>
    %dma_wait3A_228 = arith.constant 0 : i32
    %dma_wait3A_229 = arith.constant 0 : i32
    %dma_wait3A_230 = tpu.memref_slice %arg2[%dma_wait3A_228, %dma_wait3A_229] : memref<10000x128xf32, #tpu.memory_space<hbm>> -> memref<128x128xf32, #tpu.memory_space<hbm>>
    %dma_wait3A_231 = arith.constant 0 : i32
    %dma_wait3A_232 = arith.constant 0 : i32
    %dma_wait3A_233 = tpu.memref_slice %arg10[%dma_wait3A_223, %dma_wait3A_231, %dma_wait3A_232] : memref<2x128x128xf32, #tpu.memory_space<vmem>> -> memref<1x128x128xf32, #tpu.memory_space<vmem>>
    %dma_wait3A_234 = tpu.memref_squeeze %dma_wait3A_233 : memref<1x128x128xf32, #tpu.memory_space<vmem>> -> memref<128x128xf32, #tpu.memory_space<vmem>>
    %dma_wait3A_235 = arith.constant 0 : i32
    %dma_wait3A_236 = arith.constant 0 : i32
    %dma_wait3A_237 = tpu.memref_slice %arg2[%dma_wait3A_235, %dma_wait3A_236] : memref<10000x128xf32, #tpu.memory_space<hbm>> -> memref<128x128xf32, #tpu.memory_space<hbm>>
    tpu.wait_dma2 semaphore(%arg15 : memref<!tpu.dma_semaphore, #tpu.memory_space<semaphore_mem>>) src(%dma_wait3A_237 : memref<128x128xf32, #tpu.memory_space<hbm>>) dst(%dma_wait3A_234 : memref<128x128xf32, #tpu.memory_space<vmem>>)
    %barrier3A_238 = arith.constant 0 : index
    tpu.barrier barrier_id(%barrier3A_238)
    %mul3A_239 = arith.constant 632 : i32
    %mul3A_240 = arith.muli %arg1, %mul3A_239 : i32
    %mul3A_241 = arith.constant 632 : i32
    %mul3A_242 = arith.muli %arg1, %mul3A_241 : i32
    "tpu.region"() ({
      %run_scoped3A = tpu.sem_alloc : memref<!tpu.dma_semaphore, #tpu.memory_space<semaphore_mem>>
      %dma_start3A_243 = arith.constant 0 : i32
      %dma_start3A_244 = tpu.memref_slice %arg7[%arg0, %mul3A_242, %dma_start3A_243] : memref<2x10112x128xf32, #tpu.memory_space<hbm>> -> memref<1x632x128xf32, #tpu.memory_space<hbm>>
      %dma_start3A_245 = tpu.memref_squeeze %dma_start3A_244 : memref<1x632x128xf32, #tpu.memory_space<hbm>> -> memref<632x128xf32, #tpu.memory_space<hbm>>
      %dma_start3A_246 = arith.constant 0 : i32
      %dma_start3A_247 = tpu.memref_slice %arg11[%mul3A_240, %dma_start3A_246] : memref<10112x128xf32, #tpu.memory_space<vmem_shared>> -> memref<632x128xf32, #tpu.memory_space<vmem_shared>>
      tpu.enqueue_dma source(%dma_start3A_247 : memref<632x128xf32, #tpu.memory_space<vmem_shared>>) target(%dma_start3A_245 : memref<632x128xf32, #tpu.memory_space<hbm>>) target_semaphore(%run_scoped3A : memref<!tpu.dma_semaphore, #tpu.memory_space<semaphore_mem>>)
      %dma_wait3A_248 = arith.constant 0 : i32
      %dma_wait3A_249 = tpu.memref_slice %arg7[%arg0, %mul3A_242, %dma_wait3A_248] : memref<2x10112x128xf32, #tpu.memory_space<hbm>> -> memref<1x632x128xf32, #tpu.memory_space<hbm>>
      %dma_wait3A_250 = tpu.memref_squeeze %dma_wait3A_249 : memref<1x632x128xf32, #tpu.memory_space<hbm>> -> memref<632x128xf32, #tpu.memory_space<hbm>>
      %dma_wait3A_251 = arith.constant 0 : i32
      %dma_wait3A_252 = tpu.memref_slice %arg11[%mul3A_240, %dma_wait3A_251] : memref<10112x128xf32, #tpu.memory_space<vmem_shared>> -> memref<632x128xf32, #tpu.memory_space<vmem_shared>>
      tpu.wait_dma2 semaphore(%run_scoped3A : memref<!tpu.dma_semaphore, #tpu.memory_space<semaphore_mem>>) src(%dma_wait3A_252 : memref<632x128xf32, #tpu.memory_space<vmem_shared>>) dst(%dma_wait3A_250 : memref<632x128xf32, #tpu.memory_space<hbm>>)
      tpu.yield
    }) : () -> ()
    return
  }
}

module attributes {stable_mosaic.version = 14 : i64} {
  func.func @_tc_self(%arg0: i32, %arg1: memref<1000x128xf32, #tpu.memory_space<vmem>>, %arg2: memref<128x128xf32, #tpu.memory_space<vmem>>, %arg3: memref<1x128xf32, #tpu.memory_space<vmem>>, %arg4: memref<1000x128xf32, #tpu.memory_space<vmem>>) attributes {dimension_semantics = [#tpu.dimension_semantics<arbitrary>], iteration_bounds = array<i64: 10>, scalar_prefetch = 0 : i64, scratch_operands = 0 : i64, tpu.core_type = #tpu.core_type<tc>, window_params = [{transform_indices = @transform_0, window_bounds = array<i64: 1000, 128>}, {pipeline_mode = #tpu.pipeline_mode<synchronous>, transform_indices = @transform_1, window_bounds = array<i64: 128, 128>}, {pipeline_mode = #tpu.pipeline_mode<synchronous>, transform_indices = @transform_2, window_bounds = array<i64: 1, 128>}, {transform_indices = @transform_3, window_bounds = array<i64: 1000, 128>}]} {
    %get3A = arith.constant 0 : index
    %get3A_0 = arith.constant 0 : index
    %get3A_1 = vector.load %arg1[%get3A, %get3A_0] : memref<1000x128xf32, #tpu.memory_space<vmem>>, vector<1000x128xf32>
    %get3A_2 = arith.constant 0 : index
    %get3A_3 = arith.constant 0 : index
    %get3A_4 = vector.load %arg2[%get3A_2, %get3A_3] : memref<128x128xf32, #tpu.memory_space<vmem>>, vector<128x128xf32>
    %dot_general3A = arith.constant dense<0.000000e+00> : vector<1000x128xf32>
    %dot_general3A_5 = tpu.matmul %get3A_1, %get3A_4, %dot_general3A {dimension_numbers = #tpu.dot_dimension_numbers<[1], [1], [0], [0], [0, 0, 1, 0], [], []>, transpose_lhs_hint = false} : vector<1000x128xf32>, vector<128x128xf32>, vector<1000x128xf32> -> vector<1000x128xf32>
    %get3A_6 = arith.constant 0 : index
    %get3A_7 = arith.constant 0 : index
    %get3A_8 = vector.load %arg3[%get3A_6, %get3A_7] : memref<1x128xf32, #tpu.memory_space<vmem>>, vector<1x128xf32>
    %add3A = vector.broadcast %get3A_8 : vector<1x128xf32> to vector<1000x128xf32>
    %add3A_9 = arith.addf %dot_general3A_5, %add3A : vector<1000x128xf32>
    %swap3A = arith.constant 0 : index
    %swap3A_10 = arith.constant 0 : index
    %swap3A_11 = vector.load %arg4[%swap3A, %swap3A_10] : memref<1000x128xf32, #tpu.memory_space<vmem>>, vector<1000x128xf32>
    tpu.vector_store %arg4[%swap3A, %swap3A_10], %add3A_9 {strides = array<i32>} : memref<1000x128xf32, #tpu.memory_space<vmem>>, vector<1000x128xf32>,
    return
  }
  func.func @transform_0(%arg0: i32) -> (i32, i32) {
    %c0_i32 = arith.constant 0 : i32
    %c0_i32_0 = arith.constant 0 : i32
    return %arg0, %c0_i32 : i32, i32
  }
  func.func @transform_1(%arg0: i32) -> (i32, i32) {
    %c0_i32 = arith.constant 0 : i32
    %c0_i32_0 = arith.constant 0 : i32
    %c0_i32_1 = arith.constant 0 : i32
    return %c0_i32, %c0_i32_0 : i32, i32
  }
  func.func @transform_2(%arg0: i32) -> (i32, i32) {
    %c0_i32 = arith.constant 0 : i32
    %c0_i32_0 = arith.constant 0 : i32
    %c0_i32_1 = arith.constant 0 : i32
    return %c0_i32, %c0_i32_0 : i32, i32
  }
  func.func @transform_3(%arg0: i32) -> (i32, i32) {
    %c0_i32 = arith.constant 0 : i32
    %c0_i32_0 = arith.constant 0 : i32
    return %arg0, %c0_i32 : i32, i32
  }
}

module attributes {stable_mosaic.version = 14 : i64} {
  func.func @_tc_agg1(%arg0: i32, %arg1: memref<2x1000x128xf32, #tpu.memory_space<vmem>>, %arg2: memref<1000x1xf32, #tpu.memory_space<vmem>>, %arg3: memref<1000x1xf32, #tpu.memory_space<vmem>>, %arg4: memref<128x128xf32, #tpu.memory_space<vmem>>, %arg5: memref<1000x128xf32, #tpu.memory_space<vmem>>, %arg6: memref<1000x128xf32, #tpu.memory_space<vmem>>, %arg7: memref<1000x1xf32, #tpu.memory_space<vmem>>) attributes {dimension_semantics = [#tpu.dimension_semantics<arbitrary>], iteration_bounds = array<i64: 10>, scalar_prefetch = 0 : i64, scratch_operands = 0 : i64, tpu.core_type = #tpu.core_type<tc>, window_params = [{transform_indices = @transform_0, window_bounds = array<i64: 2, 1000, 128>}, {transform_indices = @transform_1, window_bounds = array<i64: 1000, 1>}, {transform_indices = @transform_2, window_bounds = array<i64: 1000, 1>}, {pipeline_mode = #tpu.pipeline_mode<synchronous>, transform_indices = @transform_3, window_bounds = array<i64: 128, 128>}, {transform_indices = @transform_4, window_bounds = array<i64: 1000, 128>}, {transform_indices = @transform_5, window_bounds = array<i64: 1000, 128>}, {transform_indices = @transform_6, window_bounds = array<i64: 1000, 1>}]} {
    %get3A = arith.constant 0 : index
    %get3A_0 = arith.constant 0 : index
    %get3A_1 = vector.load %arg2[%get3A, %get3A_0] : memref<1000x1xf32, #tpu.memory_space<vmem>>, vector<1000x1xf32>
    %get3A_2 = arith.constant 0 : index
    %get3A_3 = arith.constant 0 : index
    %get3A_4 = vector.load %arg3[%get3A_2, %get3A_3] : memref<1000x1xf32, #tpu.memory_space<vmem>>, vector<1000x1xf32>
    %add3A = arith.addf %get3A_1, %get3A_4 : vector<1000x1xf32>
    %max3A = arith.constant 1.000000e+00 : f32
    %max3A_5 = vector.broadcast %max3A : f32 to vector<1000x1xf32>
    %max3A_6 = arith.maximumf %add3A, %max3A_5 : vector<1000x1xf32>
    %div3A = arith.constant 1.000000e+00 : f32
    %div3A_7 = vector.broadcast %div3A : f32 to vector<1000x1xf32>
    %div3A_8 = arith.divf %div3A_7, %max3A_6 : vector<1000x1xf32>
    %get3A_9 = arith.constant 0 : index
    %get3A_10 = arith.constant 0 : index
    %get3A_11 = arith.constant 0 : index
    %get3A_12 = vector.load %arg1[%get3A_9, %get3A_10, %get3A_11] : memref<2x1000x128xf32, #tpu.memory_space<vmem>>, vector<1x1000x128xf32>
    %get3A_13 = vector.shape_cast %get3A_12 : vector<1x1000x128xf32> to vector<1000x128xf32>
    %get3A_14 = arith.constant 1 : index
    %get3A_15 = arith.constant 0 : index
    %get3A_16 = arith.constant 0 : index
    %get3A_17 = vector.load %arg1[%get3A_14, %get3A_15, %get3A_16] : memref<2x1000x128xf32, #tpu.memory_space<vmem>>, vector<1x1000x128xf32>
    %get3A_18 = vector.shape_cast %get3A_17 : vector<1x1000x128xf32> to vector<1000x128xf32>
    %add3A_19 = arith.addf %get3A_13, %get3A_18 : vector<1000x128xf32>
    %mul3A = vector.broadcast %div3A_8 : vector<1000x1xf32> to vector<1000x128xf32>
    %mul3A_20 = arith.mulf %add3A_19, %mul3A : vector<1000x128xf32>
    %get3A_21 = arith.constant 0 : index
    %get3A_22 = arith.constant 0 : index
    %get3A_23 = vector.load %arg4[%get3A_21, %get3A_22] : memref<128x128xf32, #tpu.memory_space<vmem>>, vector<128x128xf32>
    %dot_general3A = arith.constant dense<0.000000e+00> : vector<1000x128xf32>
    %dot_general3A_24 = tpu.matmul %mul3A_20, %get3A_23, %dot_general3A {dimension_numbers = #tpu.dot_dimension_numbers<[1], [1], [0], [0], [0, 0, 1, 0], [], []>, transpose_lhs_hint = false} : vector<1000x128xf32>, vector<128x128xf32>, vector<1000x128xf32> -> vector<1000x128xf32>
    %get3A_25 = arith.constant 0 : index
    %get3A_26 = arith.constant 0 : index
    %get3A_27 = vector.load %arg5[%get3A_25, %get3A_26] : memref<1000x128xf32, #tpu.memory_space<vmem>>, vector<1000x128xf32>
    %add3A_28 = arith.addf %dot_general3A_24, %get3A_27 : vector<1000x128xf32>
    %max3A_29 = arith.constant 0.000000e+00 : f32
    %max3A_30 = vector.broadcast %max3A_29 : f32 to vector<1000x128xf32>
    %max3A_31 = arith.maximumf %add3A_28, %max3A_30 : vector<1000x128xf32>
    %swap3A = arith.constant 0 : index
    %swap3A_32 = arith.constant 0 : index
    %swap3A_33 = vector.load %arg6[%swap3A, %swap3A_32] : memref<1000x128xf32, #tpu.memory_space<vmem>>, vector<1000x128xf32>
    tpu.vector_store %arg6[%swap3A, %swap3A_32], %max3A_31 {strides = array<i32>} : memref<1000x128xf32, #tpu.memory_space<vmem>>, vector<1000x128xf32>,
    %swap3A_34 = arith.constant 0 : index
    %swap3A_35 = arith.constant 0 : index
    %swap3A_36 = vector.load %arg7[%swap3A_34, %swap3A_35] : memref<1000x1xf32, #tpu.memory_space<vmem>>, vector<1000x1xf32>
    tpu.vector_store %arg7[%swap3A_34, %swap3A_35], %div3A_8 {strides = array<i32>} : memref<1000x1xf32, #tpu.memory_space<vmem>>, vector<1000x1xf32>,
    return
  }
  func.func @transform_0(%arg0: i32) -> (i32, i32, i32) {
    %c0_i32 = arith.constant 0 : i32
    %c0_i32_0 = arith.constant 0 : i32
    %c0_i32_1 = arith.constant 0 : i32
    return %c0_i32, %arg0, %c0_i32_0 : i32, i32, i32
  }
  func.func @transform_1(%arg0: i32) -> (i32, i32) {
    %c0_i32 = arith.constant 0 : i32
    %c0_i32_0 = arith.constant 0 : i32
    return %arg0, %c0_i32 : i32, i32
  }
  func.func @transform_2(%arg0: i32) -> (i32, i32) {
    %c0_i32 = arith.constant 0 : i32
    %c0_i32_0 = arith.constant 0 : i32
    return %arg0, %c0_i32 : i32, i32
  }
  func.func @transform_3(%arg0: i32) -> (i32, i32) {
    %c0_i32 = arith.constant 0 : i32
    %c0_i32_0 = arith.constant 0 : i32
    %c0_i32_1 = arith.constant 0 : i32
    return %c0_i32, %c0_i32_0 : i32, i32
  }
  func.func @transform_4(%arg0: i32) -> (i32, i32) {
    %c0_i32 = arith.constant 0 : i32
    %c0_i32_0 = arith.constant 0 : i32
    return %arg0, %c0_i32 : i32, i32
  }
  func.func @transform_5(%arg0: i32) -> (i32, i32) {
    %c0_i32 = arith.constant 0 : i32
    %c0_i32_0 = arith.constant 0 : i32
    return %arg0, %c0_i32 : i32, i32
  }
  func.func @transform_6(%arg0: i32) -> (i32, i32) {
    %c0_i32 = arith.constant 0 : i32
    %c0_i32_0 = arith.constant 0 : i32
    return %arg0, %c0_i32 : i32, i32
  }
}

module attributes {stable_mosaic.version = 14 : i64} {
  func.func @_tc_agg2(%arg0: i32, %arg1: memref<2x1000x128xf32, #tpu.memory_space<vmem>>, %arg2: memref<1000x1xf32, #tpu.memory_space<vmem>>, %arg3: memref<128x128xf32, #tpu.memory_space<vmem>>, %arg4: memref<1000x128xf32, #tpu.memory_space<vmem>>, %arg5: memref<1000x128xf32, #tpu.memory_space<vmem>>) attributes {dimension_semantics = [#tpu.dimension_semantics<arbitrary>], iteration_bounds = array<i64: 10>, scalar_prefetch = 0 : i64, scratch_operands = 0 : i64, tpu.core_type = #tpu.core_type<tc>, window_params = [{transform_indices = @transform_0, window_bounds = array<i64: 2, 1000, 128>}, {transform_indices = @transform_1, window_bounds = array<i64: 1000, 1>}, {pipeline_mode = #tpu.pipeline_mode<synchronous>, transform_indices = @transform_2, window_bounds = array<i64: 128, 128>}, {transform_indices = @transform_3, window_bounds = array<i64: 1000, 128>}, {transform_indices = @transform_4, window_bounds = array<i64: 1000, 128>}]} {
    %get3A = arith.constant 0 : index
    %get3A_0 = arith.constant 0 : index
    %get3A_1 = arith.constant 0 : index
    %get3A_2 = vector.load %arg1[%get3A, %get3A_0, %get3A_1] : memref<2x1000x128xf32, #tpu.memory_space<vmem>>, vector<1x1000x128xf32>
    %get3A_3 = vector.shape_cast %get3A_2 : vector<1x1000x128xf32> to vector<1000x128xf32>
    %get3A_4 = arith.constant 1 : index
    %get3A_5 = arith.constant 0 : index
    %get3A_6 = arith.constant 0 : index
    %get3A_7 = vector.load %arg1[%get3A_4, %get3A_5, %get3A_6] : memref<2x1000x128xf32, #tpu.memory_space<vmem>>, vector<1x1000x128xf32>
    %get3A_8 = vector.shape_cast %get3A_7 : vector<1x1000x128xf32> to vector<1000x128xf32>
    %add3A = arith.addf %get3A_3, %get3A_8 : vector<1000x128xf32>
    %get3A_9 = arith.constant 0 : index
    %get3A_10 = arith.constant 0 : index
    %get3A_11 = vector.load %arg2[%get3A_9, %get3A_10] : memref<1000x1xf32, #tpu.memory_space<vmem>>, vector<1000x1xf32>
    %mul3A = vector.broadcast %get3A_11 : vector<1000x1xf32> to vector<1000x128xf32>
    %mul3A_12 = arith.mulf %add3A, %mul3A : vector<1000x128xf32>
    %get3A_13 = arith.constant 0 : index
    %get3A_14 = arith.constant 0 : index
    %get3A_15 = vector.load %arg3[%get3A_13, %get3A_14] : memref<128x128xf32, #tpu.memory_space<vmem>>, vector<128x128xf32>
    %dot_general3A = arith.constant dense<0.000000e+00> : vector<1000x128xf32>
    %dot_general3A_16 = tpu.matmul %mul3A_12, %get3A_15, %dot_general3A {dimension_numbers = #tpu.dot_dimension_numbers<[1], [1], [0], [0], [0, 0, 1, 0], [], []>, transpose_lhs_hint = false} : vector<1000x128xf32>, vector<128x128xf32>, vector<1000x128xf32> -> vector<1000x128xf32>
    %get3A_17 = arith.constant 0 : index
    %get3A_18 = arith.constant 0 : index
    %get3A_19 = vector.load %arg4[%get3A_17, %get3A_18] : memref<1000x128xf32, #tpu.memory_space<vmem>>, vector<1000x128xf32>
    %add3A_20 = arith.addf %dot_general3A_16, %get3A_19 : vector<1000x128xf32>
    %swap3A = arith.constant 0 : index
    %swap3A_21 = arith.constant 0 : index
    %swap3A_22 = vector.load %arg5[%swap3A, %swap3A_21] : memref<1000x128xf32, #tpu.memory_space<vmem>>, vector<1000x128xf32>
    tpu.vector_store %arg5[%swap3A, %swap3A_21], %add3A_20 {strides = array<i32>} : memref<1000x128xf32, #tpu.memory_space<vmem>>, vector<1000x128xf32>,
    return
  }
  func.func @transform_0(%arg0: i32) -> (i32, i32, i32) {
    %c0_i32 = arith.constant 0 : i32
    %c0_i32_0 = arith.constant 0 : i32
    %c0_i32_1 = arith.constant 0 : i32
    return %c0_i32, %arg0, %c0_i32_0 : i32, i32, i32
  }
  func.func @transform_1(%arg0: i32) -> (i32, i32) {
    %c0_i32 = arith.constant 0 : i32
    %c0_i32_0 = arith.constant 0 : i32
    return %arg0, %c0_i32 : i32, i32
  }
  func.func @transform_2(%arg0: i32) -> (i32, i32) {
    %c0_i32 = arith.constant 0 : i32
    %c0_i32_0 = arith.constant 0 : i32
    %c0_i32_1 = arith.constant 0 : i32
    return %c0_i32, %c0_i32_0 : i32, i32
  }
  func.func @transform_3(%arg0: i32) -> (i32, i32) {
    %c0_i32 = arith.constant 0 : i32
    %c0_i32_0 = arith.constant 0 : i32
    return %arg0, %c0_i32 : i32, i32
  }
  func.func @transform_4(%arg0: i32) -> (i32, i32) {
    %c0_i32 = arith.constant 0 : i32
    %c0_i32_0 = arith.constant 0 : i32
    return %arg0, %c0_i32 : i32, i32
  }
}

</mosaic_0001>

<sc_bundles>
// kernel: kernel.11.cloned.1.call-start
scs
__scs_entry_jumppad:
0x0: {  	(pc) =	sbr.rel $0x88, $3  }
0x1: {  	(tag) =	ssettag $0x0;
	lr =	simm.s32 $0x1  }
0x2: {  	[smem:$0x3F99] =	sst lr;
	_ =	strace $0xD0000000  }
0x3: {  	_ = 	snop  }
0x4: {  	_ = 	snop  }
0x5: {  	_ = 	snop  }
0x6: {  	_ = 	snop  }
0x7: {  	_ = 	snop  }
__scs_overlays_trampoline_lowered:
0x8: {  	[smem:$0x3FA8] =	sst s0  }
0x9: {  	[smem:$0x3FA9] =	sst s1  }
0xa: {  	[smem:$0x3FAA] =	sst s2  }
0xb: {  	[smem:$0x3FAB] =	sst s3  }
0xc: {  	[smem:$0x3FAC] =	sst s4  }
0xd: {  	[smem:$0x3FAD] =	sst s5  }
0xe: {  	[smem:$0x3FAE] =	sst s6  }
0xf: {  	[smem:$0x3FAF] =	sst s7  }
0x10: {  	[smem:$0x3FB0] =	sst s8  }
0x11: {  	[smem:$0x3FB1] =	sst s9;
	s0 =	simm.s32 @!p0 $0x0  }
0x12: {  	s1 =	sld [smem:$0x3F97];
	s0 =	simm.s32 @p0 $0x1  }
0x13: {  	[smem:$0x3FB2] =	sst s0;
	s0 =	simm.s32 @!p1 $0x0  }
0x14: {  	s2 =	sld [smem:$0x3F96];
	s0 =	simm.s32 @p1 $0x1  }
0x15: {  	[smem:$0x3FB3] =	sst s0;
	s0 =	simm.s32 @!p2 $0x0  }
0x16: {  	s3 =	sld [smem:$0x3FDB];
	s0 =	simm.s32 @p2 $0x1  }
0x17: {  	s4 =	simm.s32 $0x1BF5;
	[smem:$0x3FB5] =	sst s0  }
0x18: {  	s0 =	sld [smem:$0x3F98];
	_ =	swait.ge [sflag:s4], $0x0  }
0x19: {  	s7 =	sld [smem:$0x3F99]  }
0x1a: {  	s8 =	sadd.s32 $0xFFFFE003, lr  }
0x1b: {  	s9 =	sadd.s32 $0xFFFFFEF7, lr;
	s5 =	simm.s32 $0xFFFFFFFF;
	p2 =	slt.u32 s8, $0xFFFFF086  }
0x1c: {  	p1 =	slt.u32 s9, $0xF7A;
	s5 =	simm.s32 @!p2 $0x0  }
0x1d: {  	s5 =	simm.s32 @p1 $0x1;
	p0 =	seq.s32 s7, s2  }
0x1e: {  	s7 =	smul.u32 @!p0 $0xF7A, s2;
	p2 =	seq.s32 @!p0 s5, $0x0  }
0x1f: {  	s9 =	smul.u32 $0xF7A, s1;
	s8 =	simm.s32 @!p0 $0x1BF5;
	p2 =	por !p2, p0  }
0x20: {  	[sflag:s8] =	ssyncset.s32 @!p0 $0xFFFFF086;
	s6 =	sadd.s32 @!p0 s3, s7;
	s7 =	simm.s32 @!p0 $0x108  }
0x21: {  	s3 =	sadd.s32 s3, s9;
	s6 =	sadd.s32 @!p0 $0x88, s6;
	s7 =	simm.s32 @p2 $0x1082  }
0x22: {  	[simem:s7], [sflag:s8] =	dma.local @!p0 [hbm:s6], $0xF7A  }
0x23: {  	s9 =	sor.u32 $0xD0000000, s2;
	s6 =	simm.s32 $0x108;
	_ =	swait.ge @!p0 [sflag:s8], $0x0  }
0x24: {  	s3 =	sadd.s32 $0x88, s3;
	s6 =	simm.s32 @!p1 $0x1082;
	[sflag:s4] =	ssyncset.s32 $0xFFFFF086  }
0x25: {  	[simem:s6], [sflag:s4] =	dma.local [hbm:s3], $0xF7A  }
0x26: {  	[smem:$0x3F99] =	sst s1;
	(tag) =	ssettag s2;
	_ =	strace s9  }
0x27: {  	s1 =	sld [smem:$0x3FA9]  }
0x28: {  	s2 =	sld [smem:$0x3FAA]  }
0x29: {  	s4 =	sld [smem:$0x3FAC]  }
0x2a: {  	p0 =	seq.s32 s5, $0x0;
	s5 =	sld [smem:$0x3FAD]  }
0x2b: {  	s6 =	sld [smem:$0x3FAE]  }
0x2c: {  	s7 =	sld [smem:$0x3FAF]  }
0x2d: {  	s3 =	simm.s32 $0x108;
	s8 =	sld [smem:$0x3FB0]  }
0x2e: {  	s3 =	simm.s32 @!p0 $0x1082;
	s9 =	sld [smem:$0x3FB1]  }
0x2f: {  	lr =	sadd.s32 s0, s3;
	s0 =	sld [smem:$0x3FA8]  }
0x30: {  	s3 =	sld [smem:$0x3FAB]  }
0x31: {  	[smem:$0x3FB4] =	sst s10  }
0x32: {  	s10 =	sld [smem:$0x3FB2];
	_ =	sdelay $0x3  }
0x33: {  	p0 =	seq.s32 s10, $0x1;
	s10 =	sld [smem:$0x3FB4];
	_ =	sdelay $0x3  }
0x34: {  	[smem:$0x3FB4] =	sst s10  }
0x35: {  	s10 =	sld [smem:$0x3FB3];
	_ =	sdelay $0x3  }
0x36: {  	p1 =	seq.s32 s10, $0x1;
	s10 =	sld [smem:$0x3FB4];
	_ =	sdelay $0x3  }
0x37: {  	[smem:$0x3FB4] =	sst s10  }
0x38: {  	s10 =	sld [smem:$0x3FB5]  }
0x39: {  	_ = 	snop;
	(pc) =	sbr.ind lr, $3  }
0x3a: {  	_ = 	snop  }
0x3b: {  	_ = 	snop  }
0x3c: {  	p2 =	seq.s32 s10, $0x1;
	s10 =	sld [smem:$0x3FB4]  }
0x3d: {  	_ =	shalt  }
0x3e: {  	_ =	shalt  }
0x3f: {  	_ =	shalt  }
0x40: {  	_ =	shalt  }
0x41: {  	_ =	shalt  }
0x42: {  	_ =	shalt  }
0x43: {  	_ =	shalt  }
0x44: {  	_ =	shalt  }
0x45: {  	_ =	shalt  }
0x46: {  	_ =	shalt  }
0x47: {  	_ =	shalt  }
0x48: {  	_ =	shalt  }
0x49: {  	_ =	shalt  }
0x4a: {  	_ =	shalt  }
0x4b: {  	_ =	shalt  }
0x4c: {  	_ =	shalt  }
0x4d: {  	_ =	shalt  }
0x4e: {  	_ =	shalt  }
0x4f: {  	_ =	shalt  }
0x50: {  	_ =	shalt  }
0x51: {  	_ =	shalt  }
0x52: {  	_ =	shalt  }
0x53: {  	_ =	shalt  }
0x54: {  	_ =	shalt  }
0x55: {  	_ =	shalt  }
0x56: {  	_ =	shalt  }
0x57: {  	_ =	shalt  }
0x58: {  	_ =	shalt  }
0x59: {  	_ =	shalt  }
0x5a: {  	_ =	shalt  }
0x5b: {  	_ =	shalt  }
0x5c: {  	_ =	shalt  }
0x5d: {  	_ =	shalt  }
0x5e: {  	_ =	shalt  }
0x5f: {  	_ =	shalt  }
0x60: {  	_ =	shalt  }
0x61: {  	_ =	shalt  }
0x62: {  	_ =	shalt  }
0x63: {  	_ =	shalt  }
0x64: {  	_ =	shalt  }
0x65: {  	_ =	shalt  }
0x66: {  	_ =	shalt  }
0x67: {  	_ =	shalt  }
0x68: {  	_ =	shalt  }
0x69: {  	_ =	shalt  }
0x6a: {  	_ =	shalt  }
0x6b: {  	_ =	shalt  }
0x6c: {  	_ =	shalt  }
0x6d: {  	_ =	shalt  }
0x6e: {  	_ =	shalt  }
0x6f: {  	_ =	shalt  }
0x70: {  	_ =	shalt  }
0x71: {  	_ =	shalt  }
0x72: {  	_ =	shalt  }
0x73: {  	_ =	shalt  }
0x74: {  	_ =	shalt  }
0x75: {  	_ =	shalt  }
0x76: {  	_ =	shalt  }
0x77: {  	_ =	shalt  }
0x78: {  	_ =	shalt  }
0x79: {  	_ =	shalt  }
0x7a: {  	_ =	shalt  }
0x7b: {  	_ =	shalt  }
0x7c: {  	_ =	shalt  }
0x7d: {  	_ =	shalt  }
0x7e: {  	_ =	shalt  }
0x7f: {  	_ =	shalt  }
0x80: {  	_ =	shalt  }
0x81: {  	_ =	shalt  }
0x82: {  	_ =	shalt  }
0x83: {  	_ =	shalt  }
0x84: {  	_ =	shalt  }
0x85: {  	_ =	shalt  }
0x86: {  	_ =	shalt  }
0x87: {  	_ =	shalt  }
.Lfunc_end0:
.L_simem_size_0:
called_computation.1_lowered:
.L_overlay_start_0:
0x88: {  	s2 =	sld [smem:$0x3FD9]  }
0x89: {  	s3 =	sld [smem:$0x3FFE];
	_ =	sdelay $0x1  }
0x8a: {  	s1 =	srdreg.scid  }
0x8b: {  	s0 =	sand.u32 $0x1, s1  }
0x8c: {  	s17 =	sshll.u32 s0, $0xA;
	s2 =	sadd.s32 s3, s2  }
0x8d: {  	s2 =	sadd.s32 s2, s17  }
0x8e: {  	[smem:$0x3FC0] =	sst s2  }
0x8f: {  	_ = 	snop  }
0x90: {  	s2 =	sld [smem:$0x3FD0];
	(tm) =	ssettm $0x1  }
0x91: {  	s18 =	sld [smem:$0x3FFB];
	_ =	sdelay $0x3  }
0x92: {  	_ =	strace s18  }
0x93: {  	s3 =	sld [smem:$0x3FFC];
	_ =	sdelay $0x3  }
0x94: {  	_ =	strace s3  }
0x95: {  	s3 =	sld [smem:$0x3FFD];
	_ =	sdelay $0x3  }
0x96: {  	_ =	strace s3  }
0x97: {  	_ =	strace $0x8FFFFFFF  }
0x98: {  	s19 =	sld [smem:$0x3FDB];
	_ =	sdelay $0x1  }
0x99: {  	s4 =	simm.s32 $_scs_section_size  }
0x9a: {  	s5 =	simm.s32 $_size__tile_overlayer_lowered;
	s6 =	simm.s32 $_tile_overlayer_lowered  }
0x9b: {  	s22 =	simm.s32 $0x1BFF;
	s21 =	sshll.u32 s6, $0x1;
	s3 =	sadd.s32 s4, s19  }
0x9c: {  	s7 =	simm.s32 $0x0;
	s20 =	sshll.u32 s5, $0x1;
	s5 =	sadd.s32 s21, s3  }
0x9d: {  	[timem:s7], [sflag:s22] =	dma.local [hbm:s5], s20  }
0x9e: {  	_ =	swait.ge [sflag:s22], s20  }
0x9f: {  	s4 =	ssub.s32 $0x0, s20;
	[sflag:s22] =	ssyncset.done $0x0  }
0xa0: {  	[sflag:s22] =	ssyncadd.s32 s4;
	_ =	sdelay $0x1  }
0xa1: {  	s23 =	simm.s32 $0x1B8B  }
0xa2: {  	_ =	swait.ge [sflag:s23], $0x1  }
0xa3: {  	[sflag:s23] =	ssyncset.done $0x0  }
0xa4: {  	s25 =	simm.s32 $0x1B8E;
	s24 =	sld [smem:$0x3FFE];
	[sflag:s23] =	ssyncadd.s32 $0xFFFFFFFF  }
0xa5: {  	s26 =	simm.s32 $execute0_lowered;
	[smem:$0x3FD2] =	sst s25  }
0xa6: {  	s5 =	sshll.u32 s26, $0x1;
	_ =	strace $0x80000049;
	[dreg:$0x1] =	wrdreg $0xFFFFFFFF  }
0xa7: {  	s28 =	simm.s32 $_size_execute0_lowered;
	s3 =	sadd.s32 s3, s5;
	[dreg:$0x0] =	wrdreg $0x0  }
0xa8: {  	s5 =	sshll.u32 s28, $0x1;
	[dreg:$0x2] =	wrdreg s3  }
0xa9: {  	[dreg:$0x3] =	wrdreg s5  }
0xaa: {  	[dreg:$0x4] =	wrdreg $0xC0  }
0xab: {  	_ =	task [dreg:s7], $0x5FFFF  }
0xac: {  	[dreg:$0x1] =	wrdreg $0xFFFFFFFF  }
0xad: {  	[dreg:$0x0] =	wrdreg $0x60  }
0xae: {  	[dreg:$0x2] =	wrdreg s2  }
0xaf: {  	[dreg:$0x3] =	wrdreg s24  }
0xb0: {  	[dreg:$0x4] =	wrdreg $0xA8000  }
0xb1: {  	[dreg:$0x5] =	wrdreg $0x9  }
0xb2: {  	_ =	task.clear_ibuf [dreg:s7], $0x6FFFF;
	_ =	strace $0x90000049  }
0xb3: {  	s29 =	simm.s32 $0x9;
	_ =	strace $0x8000004B  }
0xb4: {  	_ =	swait.ge [sflag:s29], $0x1  }
0xb5: {  	[sflag:s29] =	ssyncadd.s32 $0xFFFFFFFF  }
0xb6: {  	_ =	strace $0x9000004B  }
0xb7: {  	_ =	sfence  }
0xb8: {  	s30 =	sld [smem:$0x0];
	_ =	sdelay $0x2  }
0xb9: {  	s31 =	sshll.u32 s1, $0xD;
	s1 =	sshrl.u32 s1, $0x2  }
0xba: {  	s3 =	sand.u32 $0x4000, s31;
	s1 =	sadd.s32 s1, s30  }
0xbb: {  	s0 =	sor.u32 s3, s0;
	s1 =	sshll.u32 s1, $0x11  }
0xbc: {  	s0 =	sor.u32 s1, s0  }
0xbd: {  	s0 =	sadd.s32 $0x8F2B, s0  }
0xbe: {  	[sflag:s0] =	ssyncadd.remote.s32 $0x1  }
0xbf: {  	_ =	sfence.sel $0xFFFF  }
0xc0: {  	[dreg:$0x0] =	wrdreg $0xFFFFFFFF;
	(pc) =	sbr.abs _section_cstart, $3  }
0xc1: {  	[dreg:$0x1] =	wrdreg $0xFFFFFFFF  }
0xc2: {  	_ =	task.clear_ibuf [dreg:s7], $0x2FFFF;
	_ =	strace $0x9FFFFFFF  }
0xc3: {  	(tm) =	ssettm $0x7FFFFFFF  }
tec
execute0_lowered:
.L_overlay_start_1:
0x0: {  	(tag) =	ssettag $0x1  }
0x1: {  	s2 =	rddreg [dreg:$0x0]  }
0x2: {  	s5 =	rddreg [dreg:$0x1]  }
0x3: {  	s3 =	rddreg [dreg:$0x2]  }
0x4: {  	s0 =	rddreg [dreg:$0x3];
	s1 =	stileid.u32  }
0x5: {  	s6 =	srdreg.scid;
	s4 =	simm.s32 $0x0;
	s16 =	simm.s32 $0x80  }
0x6: {  	s17 =	simm.s32 $0x2800;
	s18 =	simm.s32 $0x6800;
	s19 =	simm.s32 $0x1  }
0x7: {  	s20 =	simm.s32 $0x3;
	s21 =	simm.s32 $0x2;
	s7 =	smul.u32 $0x13C00, s1  }
0x8: {  	s6 =	sand.u32 $0x1, s6;
	[smem:$0x7FF] =	sst s4;
	s9 =	sadd.s32 $0x2600, s5  }
0x9: {  	s11 =	sadd.s32 $0xC600, s5;
	s12 =	smul.u32 $0x4F000, s1;
	s30 =	sshll.u32 s1, $0x6  }
0xa: {  	s8 =	smul.u32 $0x13C000, s6;
	_ =	strace $0x8000004A;
	s22 =	sshll.u32 s6, $0x4  }
0xb: {  	s23 =	ssub.s32 $0x2, s6;
	s6 =	sor.u32 $0x1C05, s30;
	s10 =	sshrl.u32 s7, $0x3  }
0xc: {  	s24 =	sor.u32 s1, s22;
	s25 =	sshrl.u32 s23, $0x1;
	s26 =	sshrl.u32 s12, $0x2  }
0xd: {  	s22 =	simm.s32 $0x4;
	s10 =	sadd.s32 s10, s5;
	s7 =	sadd.s32 s7, s8  }
0xe: {  	s28 =	smul.u32 $0x2800, s24;
	s14 =	ssub.s32 s23, s25;
	s15 =	sadd.s32 s26, s3  }
0xf: {  	s29 =	smul.u32 $0x500, s24;
	s23 =	simm.s32 $0x2700;
	s24 =	simm.s32 $0x2780  }
0x10: {  	s25 =	simm.s32 $0x0;
	s7 =	sshrl.u32 s7, $0x3;
	s12 =	smax.u32 s14, $0x1  }
0x11: {  	s14 =	simm.s32 $0x5;
	s13 =	sadd.s32 s7, s5;
	s31 =	sshrl.u32 s28, $0x3  }
0x12: {  	s5 =	sadd.s32 $0x16C00, s10;
	s7 =	sadd.s32 s9, s29;
	s10 =	sadd.s32 $0x280, s31  }
0x13: {  	s8 =	sadd.s32 s11, s29;
	s9 =	sadd.s32 s9, s10;
	s10 =	sadd.s32 s11, s10  }
0x14: {  	s11 =	sadd.s32 $0x3E400, s13;
	s13 =	sshrl.u32 s15, $0x3;
	s15 =	simm.s32 $0x1400  }
.LBB2_1:
0x15: {  	[spmem:s13], [sflag:s6] =	dma.local [hbm:s5], $0x2780  }
0x16: {  	_ =	swait.ge [sflag:s14], $0x2780  }
0x17: {  	[sflag:s14] =	ssyncset.done $0x0  }
0x18: {  	[sflag:s14] =	ssyncadd.s32 $0xFFFFD880  }
0x19: {  	[bflag:$0x0] =	sbarrier.arrive $0xFFFF  }
0x1a: {  	[tilespmem:s4], [sflag:$0x5] =	stream.linear.gather [hbm4b:s7+s4], $0x1400, $0x38;
	[tilespmem:$0x1E400] =	vst v63  }
0x1b: {  	_ =	swait.ge [sflag:s14], $0x1400  }
0x1c: {  	[sflag:s14] =	ssyncset.done $0x0  }
0x1d: {  	[sflag:s14] =	ssyncadd.s32 $0xFFFFEC00  }
0x1e: {  	[tilespmem:s15], [sflag:$0x5] =	stream.linear.gather [hbm4b:s8+s4], $0x1400, $0x38;
	[tilespmem:$0x1E400] =	vst v63  }
0x1f: {  	_ =	swait.ge [sflag:s14], $0x1400  }
0x20: {  	[sflag:s14] =	ssyncset.done $0x0  }
0x21: {  	[sflag:s14] =	ssyncadd.s32 $0xFFFFEC00  }
0x22: {  	[tilespmem:s17], [sflag:$0x1] =	stream.indirect.gather [hbm4b:s2+s16], $0x80, s4, s16, $0xb8;
	[tilespmem:$0x1E400] =	vst v63  }
0x23: {  	_ = 	snop  }
0x24: {  	[tilespmem:s18], [sflag:$0x2] =	stream.indirect.gather [hbm4b:s2+s16], $0x80, s16, s16, $0xb8;
	[tilespmem:$0x1E400] =	vst v63  }
0x25: {  	_ =	swait.ge [sflag:s19], $0x4000  }
0x26: {  	[sflag:s19] =	ssyncset.done $0x0  }
0x27: {  	s26 =	simm.s32 $0x1400;
	[sflag:s19] =	ssyncadd.s32 $0xFFFFC000  }
0x28: {  	[spmem:s3] =	stream.indirect.scatter.add.f32 [tilespmem:s17], [sflag:$0x3], $0x80, s26, s16, $0xb8;
	[tilespmem:$0x1E400] =	vst v63  }
0x29: {  	_ =	swait.ge [sflag:s20], $0x4000  }
0x2a: {  	[sflag:s20] =	ssyncset.done $0x0  }
0x2b: {  	s30 =	simm.s32 $0x100;
	[sflag:s20] =	ssyncadd.s32 $0xFFFFC000  }
0x2c: {  	[tilespmem:s17], [sflag:$0x1] =	stream.indirect.gather [hbm4b:s2+s16], $0x80, s30, s16, $0xb8;
	[tilespmem:$0x1E400] =	vst v63  }
0x2d: {  	_ =	swait.ge [sflag:s21], $0x4000  }
0x2e: {  	[sflag:s21] =	ssyncset.done $0x0  }
0x2f: {  	s31 =	simm.s32 $0x1480;
	[sflag:s21] =	ssyncadd.s32 $0xFFFFC000  }
0x30: {  	[spmem:s3] =	stream.indirect.scatter.add.f32 [tilespmem:s18], [sflag:$0x4], $0x80, s31, s16, $0xb8;
	[tilespmem:$0x1E400] =	vst v63  }
0x31: {  	_ =	swait.ge [sflag:s22], $0x4000  }
0x32: {  	[sflag:s22] =	ssyncset.done $0x0  }
0x33: {  	s28 =	simm.s32 $0x180;
	s26 =	simm.s32 $0x400;
	[sflag:s22] =	ssyncadd.s32 $0xFFFFC000  }
.LBB2_2:
0x34: {  	[tilespmem:s18], [sflag:$0x2] =	stream.indirect.gather [hbm4b:s2+s16], $0x80, s28, s16, $0xb8;
	[tilespmem:$0x1E400] =	vst v63  }
0x35: {  	s28 =	smov.u32 s26  }
0x36: {  	p0 =	sne.s32 s26, $0x4800;
	s26 =	sadd.s32 $0x400, s26;
	_ =	swait.ge [sflag:s19], $0x4000  }
0x37: {  	s28 =	sshra.s32 s28, $0x2;
	[sflag:s19] =	ssyncset.done $0x0  }
0x38: {  	s29 =	sadd.s32 $0x1400, s28;
	[sflag:s19] =	ssyncadd.s32 $0xFFFFC000  }
0x39: {  	[spmem:s3] =	stream.indirect.scatter.add.f32 [tilespmem:s17], [sflag:$0x3], $0x80, s29, s16, $0xb8;
	[tilespmem:$0x1E400] =	vst v63  }
0x3a: {  	_ =	swait.ge [sflag:s20], $0x4000  }
0x3b: {  	[sflag:s20] =	ssyncset.done $0x0  }
0x3c: {  	s29 =	sadd.s32 $0x100, s28;
	[sflag:s20] =	ssyncadd.s32 $0xFFFFC000  }
0x3d: {  	[tilespmem:s17], [sflag:$0x1] =	stream.indirect.gather [hbm4b:s2+s16], $0x80, s29, s16, $0xb8;
	[tilespmem:$0x1E400] =	vst v63  }
0x3e: {  	_ =	swait.ge [sflag:s21], $0x4000  }
0x3f: {  	[sflag:s21] =	ssyncset.done $0x0  }
.Ltmp0:
0x40: {  	s29 =	sadd.s32 $0x1480, s28;
	[sflag:s21] =	ssyncadd.s32 $0xFFFFC000;
	(pc) =	sbr.rel @p0 .LBB2_2-.Ltmp0, $4  }
0x41: {  	[spmem:s3] =	stream.indirect.scatter.add.f32 [tilespmem:s18], [sflag:$0x4], $0x80, s29, s16, $0xb8;
	[tilespmem:$0x1E400] =	vst v63  }
0x42: {  	_ =	swait.ge [sflag:s22], $0x4000  }
0x43: {  	[sflag:s22] =	ssyncset.done $0x0  }
0x44: {  	s28 =	sadd.s32 $0x180, s28;
	[sflag:s22] =	ssyncadd.s32 $0xFFFFC000  }
0x45: {  	[tilespmem:s18], [sflag:$0x2] =	stream.indirect.gather [hbm4b:s2+s16], $0x80, s28, s16, $0xb8;
	[tilespmem:$0x1E400] =	vst v63  }
0x46: {  	_ =	swait.ge [sflag:s19], $0x4000  }
0x47: {  	[sflag:s19] =	ssyncset.done $0x0  }
0x48: {  	[sflag:s19] =	ssyncadd.s32 $0xFFFFC000  }
0x49: {  	[spmem:s3] =	stream.indirect.scatter.add.f32 [tilespmem:s17], [sflag:$0x3], $0x80, s23, s16, $0xb8;
	[tilespmem:$0x1E400] =	vst v63  }
0x4a: {  	_ =	swait.ge [sflag:s21], $0x4000  }
0x4b: {  	[sflag:s21] =	ssyncset.done $0x0  }
0x4c: {  	[sflag:s21] =	ssyncadd.s32 $0xFFFFC000  }
0x4d: {  	[spmem:s3] =	stream.indirect.scatter.add.f32 [tilespmem:s18], [sflag:$0x4], $0x80, s24, s16, $0xb8;
	[tilespmem:$0x1E400] =	vst v63  }
0x4e: {  	_ =	swait.ge [sflag:s20], $0x4000  }
0x4f: {  	[sflag:s20] =	ssyncset.done $0x0  }
0x50: {  	[sflag:s20] =	ssyncadd.s32 $0xFFFFC000  }
0x51: {  	_ =	swait.ge [sflag:s22], $0x4000  }
0x52: {  	[sflag:s22] =	ssyncset.done $0x0  }
0x53: {  	s26 =	simm.s32 $0x0;
	[sflag:s22] =	ssyncadd.s32 $0xFFFFC000  }
0x54: {  	[tilespmem:s26], [sflag:$0x5] =	stream.linear.gather [hbm4b:s9+s26], $0x1400, $0x38;
	[tilespmem:$0x1E400] =	vst v63  }
0x55: {  	_ =	swait.ge [sflag:s14], $0x1400  }
0x56: {  	[sflag:s14] =	ssyncset.done $0x0  }
0x57: {  	[sflag:s14] =	ssyncadd.s32 $0xFFFFEC00  }
0x58: {  	[tilespmem:s15], [sflag:$0x5] =	stream.linear.gather [hbm4b:s10+s26], $0x1400, $0x38;
	[tilespmem:$0x1E400] =	vst v63  }
0x59: {  	_ =	swait.ge [sflag:s14], $0x1400  }
0x5a: {  	[sflag:s14] =	ssyncset.done $0x0  }
0x5b: {  	[sflag:s14] =	ssyncadd.s32 $0xFFFFEC00  }
0x5c: {  	[tilespmem:s17], [sflag:$0x1] =	stream.indirect.gather [hbm4b:s2+s16], $0x80, s26, s16, $0xb8;
	[tilespmem:$0x1E400] =	vst v63  }
0x5d: {  	_ = 	snop  }
0x5e: {  	[tilespmem:s18], [sflag:$0x2] =	stream.indirect.gather [hbm4b:s2+s16], $0x80, s16, s16, $0xb8;
	[tilespmem:$0x1E400] =	vst v63  }
0x5f: {  	_ =	swait.ge [sflag:s19], $0x4000  }
0x60: {  	[sflag:s19] =	ssyncset.done $0x0  }
0x61: {  	s29 =	simm.s32 $0x1400;
	[sflag:s19] =	ssyncadd.s32 $0xFFFFC000  }
0x62: {  	[spmem:s3] =	stream.indirect.scatter.add.f32 [tilespmem:s17], [sflag:$0x3], $0x80, s29, s16, $0xb8;
	[tilespmem:$0x1E400] =	vst v63  }
0x63: {  	_ =	swait.ge [sflag:s20], $0x4000  }
0x64: {  	[sflag:s20] =	ssyncset.done $0x0  }
0x65: {  	s30 =	simm.s32 $0x100;
	[sflag:s20] =	ssyncadd.s32 $0xFFFFC000  }
0x66: {  	[tilespmem:s17], [sflag:$0x1] =	stream.indirect.gather [hbm4b:s2+s16], $0x80, s30, s16, $0xb8;
	[tilespmem:$0x1E400] =	vst v63  }
0x67: {  	_ =	swait.ge [sflag:s21], $0x4000  }
0x68: {  	[sflag:s21] =	ssyncset.done $0x0  }
0x69: {  	s31 =	simm.s32 $0x1480;
	[sflag:s21] =	ssyncadd.s32 $0xFFFFC000  }
0x6a: {  	[spmem:s3] =	stream.indirect.scatter.add.f32 [tilespmem:s18], [sflag:$0x4], $0x80, s31, s16, $0xb8;
	[tilespmem:$0x1E400] =	vst v63  }
0x6b: {  	_ =	swait.ge [sflag:s22], $0x4000  }
0x6c: {  	[sflag:s22] =	ssyncset.done $0x0  }
0x6d: {  	s28 =	simm.s32 $0x180;
	s26 =	simm.s32 $0x400;
	[sflag:s22] =	ssyncadd.s32 $0xFFFFC000  }
.LBB2_4:
0x6e: {  	[tilespmem:s18], [sflag:$0x2] =	stream.indirect.gather [hbm4b:s2+s16], $0x80, s28, s16, $0xb8;
	[tilespmem:$0x1E400] =	vst v63  }
0x6f: {  	s28 =	smov.u32 s26  }
0x70: {  	p0 =	sne.s32 s26, $0x4800;
	s26 =	sadd.s32 $0x400, s26;
	_ =	swait.ge [sflag:s19], $0x4000  }
0x71: {  	s28 =	sshra.s32 s28, $0x2;
	[sflag:s19] =	ssyncset.done $0x0  }
0x72: {  	s29 =	sadd.s32 $0x1400, s28;
	[sflag:s19] =	ssyncadd.s32 $0xFFFFC000  }
0x73: {  	[spmem:s3] =	stream.indirect.scatter.add.f32 [tilespmem:s17], [sflag:$0x3], $0x80, s29, s16, $0xb8;
	[tilespmem:$0x1E400] =	vst v63  }
0x74: {  	_ =	swait.ge [sflag:s20], $0x4000  }
0x75: {  	[sflag:s20] =	ssyncset.done $0x0  }
0x76: {  	s29 =	sadd.s32 $0x100, s28;
	[sflag:s20] =	ssyncadd.s32 $0xFFFFC000  }
0x77: {  	[tilespmem:s17], [sflag:$0x1] =	stream.indirect.gather [hbm4b:s2+s16], $0x80, s29, s16, $0xb8;
	[tilespmem:$0x1E400] =	vst v63  }
0x78: {  	_ =	swait.ge [sflag:s21], $0x4000  }
0x79: {  	[sflag:s21] =	ssyncset.done $0x0  }
.Ltmp1:
0x7a: {  	s29 =	sadd.s32 $0x1480, s28;
	[sflag:s21] =	ssyncadd.s32 $0xFFFFC000;
	(pc) =	sbr.rel @p0 .LBB2_4-.Ltmp1, $4  }
0x7b: {  	[spmem:s3] =	stream.indirect.scatter.add.f32 [tilespmem:s18], [sflag:$0x4], $0x80, s29, s16, $0xb8;
	[tilespmem:$0x1E400] =	vst v63  }
0x7c: {  	_ =	swait.ge [sflag:s22], $0x4000  }
0x7d: {  	[sflag:s22] =	ssyncset.done $0x0  }
0x7e: {  	s28 =	sadd.s32 $0x180, s28;
	[sflag:s22] =	ssyncadd.s32 $0xFFFFC000  }
0x7f: {  	[tilespmem:s18], [sflag:$0x2] =	stream.indirect.gather [hbm4b:s2+s16], $0x80, s28, s16, $0xb8;
	[tilespmem:$0x1E400] =	vst v63  }
0x80: {  	_ =	swait.ge [sflag:s19], $0x4000  }
0x81: {  	[sflag:s19] =	ssyncset.done $0x0  }
0x82: {  	[sflag:s19] =	ssyncadd.s32 $0xFFFFC000  }
0x83: {  	[spmem:s3] =	stream.indirect.scatter.add.f32 [tilespmem:s17], [sflag:$0x3], $0x80, s23, s16, $0xb8;
	[tilespmem:$0x1E400] =	vst v63  }
0x84: {  	_ =	swait.ge [sflag:s21], $0x4000  }
0x85: {  	[sflag:s21] =	ssyncset.done $0x0  }
0x86: {  	[sflag:s21] =	ssyncadd.s32 $0xFFFFC000  }
0x87: {  	[spmem:s3] =	stream.indirect.scatter.add.f32 [tilespmem:s18], [sflag:$0x4], $0x80, s24, s16, $0xb8;
	[tilespmem:$0x1E400] =	vst v63  }
0x88: {  	_ =	swait.ge [sflag:s20], $0x4000  }
0x89: {  	[sflag:s20] =	ssyncset.done $0x0  }
0x8a: {  	[sflag:s20] =	ssyncadd.s32 $0xFFFFC000  }
0x8b: {  	_ =	swait.ge [sflag:s22], $0x4000  }
0x8c: {  	s25 =	sadd.s32 $0x1, s25;
	[sflag:s22] =	ssyncset.done $0x0  }
0x8d: {  	p0 =	sne.s32 s25, s12;
	[sflag:s22] =	ssyncadd.s32 $0xFFFFC000  }
.Ltmp2:
0x8e: {  	[bflag:$0x0] =	sbarrier.arrive $0xFFFF;
	(pc) =	sbr.rel @p0 .LBB2_1-.Ltmp2, $4  }
0x8f: {  	[hbm:s11], [sflag:s6] =	dma.local [spmem:s13], $0x2780  }
0x90: {  	_ =	swait.ge [sflag:s14], $0x2780  }
0x91: {  	[sflag:s14] =	ssyncset.done $0x0  }
0x92: {  	[sflag:s14] =	ssyncadd.s32 $0xFFFFD880  }
0x93: {  	_ =	sfence.sel $0x180000  }
0x94: {  	[bflag:$0x0] =	sbarrier.arrive $0xFFFF  }
0x95: {  	p0 =	sne.s32 s1, $0x0;
	_ =	strace $0x9000004A  }
0x96: {  	s0 =	sadd.s32 @!p0 $0x100000, s0;
	[bflag:$0x2] =	sbarrier.arrive $0xFFFF  }
0x97: {  	[sflag:s0] =	ssyncadd.tile.s32 @!p0 $0x1;
	_ =	shalt  }
.Lfunc_end2:
_tile_overlayer_lowered:
.L_overlay_start_2:
0x98: {  	(tag) =	ssettag $0x2  }
0x99: {  	s0 =	rddreg [dreg:$0x0];
	s2 =	stileid.u32  }
0x9a: {  	s1 =	rddreg [dreg:$0x1];
	p0 =	sne.s32 s2, $0x0  }
0x9b: {  	s3 =	rddreg [dreg:$0x2];
	[bflag:$0x3] =	sbarrier.arrive $0xFFFF;
	s2 =	simm.s32 @!p0 $0x1C05  }
0x9c: {  	[timem:s3], [sflag:s2] =	dma.local @!p0 [hbm:s0], s1  }
0x9d: {  	s0 =	simm.s32 @!p0 $0x5  }
0x9e: {  	_ =	swait.ge @!p0 [sflag:s0], s1  }
0x9f: {  	s1 =	ssub.s32 @!p0 $0x0, s1;
	[sflag:s0] =	ssyncset.done @!p0 $0x0  }
0xa0: {  	[sflag:s0] =	ssyncadd.s32 @!p0 s1  }
0xa1: {  	[bflag:$0x3] =	sbarrier.arrive $0xFFFF  }
0xa2: {  	_ =	shalt  }

// kernel: kernel.8.cloned.1.call-start
scs
__scs_entry_jumppad:
0x0: {  	(pc) =	sbr.rel $0x88, $3  }
0x1: {  	(tag) =	ssettag $0x0;
	lr =	simm.s32 $0x1  }
0x2: {  	[smem:$0x3F99] =	sst lr;
	_ =	strace $0xD0000000  }
0x3: {  	_ = 	snop  }
0x4: {  	_ = 	snop  }
0x5: {  	_ = 	snop  }
0x6: {  	_ = 	snop  }
0x7: {  	_ = 	snop  }
__scs_overlays_trampoline_lowered:
0x8: {  	[smem:$0x3FA8] =	sst s0  }
0x9: {  	[smem:$0x3FA9] =	sst s1  }
0xa: {  	[smem:$0x3FAA] =	sst s2  }
0xb: {  	[smem:$0x3FAB] =	sst s3  }
0xc: {  	[smem:$0x3FAC] =	sst s4  }
0xd: {  	[smem:$0x3FAD] =	sst s5  }
0xe: {  	[smem:$0x3FAE] =	sst s6  }
0xf: {  	[smem:$0x3FAF] =	sst s7  }
0x10: {  	[smem:$0x3FB0] =	sst s8  }
0x11: {  	[smem:$0x3FB1] =	sst s9;
	s0 =	simm.s32 @!p0 $0x0  }
0x12: {  	s1 =	sld [smem:$0x3F97];
	s0 =	simm.s32 @p0 $0x1  }
0x13: {  	[smem:$0x3FB2] =	sst s0;
	s0 =	simm.s32 @!p1 $0x0  }
0x14: {  	s2 =	sld [smem:$0x3F96];
	s0 =	simm.s32 @p1 $0x1  }
0x15: {  	[smem:$0x3FB3] =	sst s0;
	s0 =	simm.s32 @!p2 $0x0  }
0x16: {  	s3 =	sld [smem:$0x3FDB];
	s0 =	simm.s32 @p2 $0x1  }
0x17: {  	s4 =	simm.s32 $0x1BF5;
	[smem:$0x3FB5] =	sst s0  }
0x18: {  	s0 =	sld [smem:$0x3F98];
	_ =	swait.ge [sflag:s4], $0x0  }
0x19: {  	s7 =	sld [smem:$0x3F99]  }
0x1a: {  	s8 =	sadd.s32 $0xFFFFE003, lr  }
0x1b: {  	s9 =	sadd.s32 $0xFFFFFEF7, lr;
	s5 =	simm.s32 $0xFFFFFFFF;
	p2 =	slt.u32 s8, $0xFFFFF086  }
0x1c: {  	p1 =	slt.u32 s9, $0xF7A;
	s5 =	simm.s32 @!p2 $0x0  }
0x1d: {  	s5 =	simm.s32 @p1 $0x1;
	p0 =	seq.s32 s7, s2  }
0x1e: {  	s7 =	smul.u32 @!p0 $0xF7A, s2;
	p2 =	seq.s32 @!p0 s5, $0x0  }
0x1f: {  	s9 =	smul.u32 $0xF7A, s1;
	s8 =	simm.s32 @!p0 $0x1BF5;
	p2 =	por !p2, p0  }
0x20: {  	[sflag:s8] =	ssyncset.s32 @!p0 $0xFFFFF086;
	s6 =	sadd.s32 @!p0 s3, s7;
	s7 =	simm.s32 @!p0 $0x108  }
0x21: {  	s3 =	sadd.s32 s3, s9;
	s6 =	sadd.s32 @!p0 $0x88, s6;
	s7 =	simm.s32 @p2 $0x1082  }
0x22: {  	[simem:s7], [sflag:s8] =	dma.local @!p0 [hbm:s6], $0xF7A  }
0x23: {  	s9 =	sor.u32 $0xD0000000, s2;
	s6 =	simm.s32 $0x108;
	_ =	swait.ge @!p0 [sflag:s8], $0x0  }
0x24: {  	s3 =	sadd.s32 $0x88, s3;
	s6 =	simm.s32 @!p1 $0x1082;
	[sflag:s4] =	ssyncset.s32 $0xFFFFF086  }
0x25: {  	[simem:s6], [sflag:s4] =	dma.local [hbm:s3], $0xF7A  }
0x26: {  	[smem:$0x3F99] =	sst s1;
	(tag) =	ssettag s2;
	_ =	strace s9  }
0x27: {  	s1 =	sld [smem:$0x3FA9]  }
0x28: {  	s2 =	sld [smem:$0x3FAA]  }
0x29: {  	s4 =	sld [smem:$0x3FAC]  }
0x2a: {  	p0 =	seq.s32 s5, $0x0;
	s5 =	sld [smem:$0x3FAD]  }
0x2b: {  	s6 =	sld [smem:$0x3FAE]  }
0x2c: {  	s7 =	sld [smem:$0x3FAF]  }
0x2d: {  	s3 =	simm.s32 $0x108;
	s8 =	sld [smem:$0x3FB0]  }
0x2e: {  	s3 =	simm.s32 @!p0 $0x1082;
	s9 =	sld [smem:$0x3FB1]  }
0x2f: {  	lr =	sadd.s32 s0, s3;
	s0 =	sld [smem:$0x3FA8]  }
0x30: {  	s3 =	sld [smem:$0x3FAB]  }
0x31: {  	[smem:$0x3FB4] =	sst s10  }
0x32: {  	s10 =	sld [smem:$0x3FB2];
	_ =	sdelay $0x3  }
0x33: {  	p0 =	seq.s32 s10, $0x1;
	s10 =	sld [smem:$0x3FB4];
	_ =	sdelay $0x3  }
0x34: {  	[smem:$0x3FB4] =	sst s10  }
0x35: {  	s10 =	sld [smem:$0x3FB3];
	_ =	sdelay $0x3  }
0x36: {  	p1 =	seq.s32 s10, $0x1;
	s10 =	sld [smem:$0x3FB4];
	_ =	sdelay $0x3  }
0x37: {  	[smem:$0x3FB4] =	sst s10  }
0x38: {  	s10 =	sld [smem:$0x3FB5]  }
0x39: {  	_ = 	snop;
	(pc) =	sbr.ind lr, $3  }
0x3a: {  	_ = 	snop  }
0x3b: {  	_ = 	snop  }
0x3c: {  	p2 =	seq.s32 s10, $0x1;
	s10 =	sld [smem:$0x3FB4]  }
0x3d: {  	_ =	shalt  }
0x3e: {  	_ =	shalt  }
0x3f: {  	_ =	shalt  }
0x40: {  	_ =	shalt  }
0x41: {  	_ =	shalt  }
0x42: {  	_ =	shalt  }
0x43: {  	_ =	shalt  }
0x44: {  	_ =	shalt  }
0x45: {  	_ =	shalt  }
0x46: {  	_ =	shalt  }
0x47: {  	_ =	shalt  }
0x48: {  	_ =	shalt  }
0x49: {  	_ =	shalt  }
0x4a: {  	_ =	shalt  }
0x4b: {  	_ =	shalt  }
0x4c: {  	_ =	shalt  }
0x4d: {  	_ =	shalt  }
0x4e: {  	_ =	shalt  }
0x4f: {  	_ =	shalt  }
0x50: {  	_ =	shalt  }
0x51: {  	_ =	shalt  }
0x52: {  	_ =	shalt  }
0x53: {  	_ =	shalt  }
0x54: {  	_ =	shalt  }
0x55: {  	_ =	shalt  }
0x56: {  	_ =	shalt  }
0x57: {  	_ =	shalt  }
0x58: {  	_ =	shalt  }
0x59: {  	_ =	shalt  }
0x5a: {  	_ =	shalt  }
0x5b: {  	_ =	shalt  }
0x5c: {  	_ =	shalt  }
0x5d: {  	_ =	shalt  }
0x5e: {  	_ =	shalt  }
0x5f: {  	_ =	shalt  }
0x60: {  	_ =	shalt  }
0x61: {  	_ =	shalt  }
0x62: {  	_ =	shalt  }
0x63: {  	_ =	shalt  }
0x64: {  	_ =	shalt  }
0x65: {  	_ =	shalt  }
0x66: {  	_ =	shalt  }
0x67: {  	_ =	shalt  }
0x68: {  	_ =	shalt  }
0x69: {  	_ =	shalt  }
0x6a: {  	_ =	shalt  }
0x6b: {  	_ =	shalt  }
0x6c: {  	_ =	shalt  }
0x6d: {  	_ =	shalt  }
0x6e: {  	_ =	shalt  }
0x6f: {  	_ =	shalt  }
0x70: {  	_ =	shalt  }
0x71: {  	_ =	shalt  }
0x72: {  	_ =	shalt  }
0x73: {  	_ =	shalt  }
0x74: {  	_ =	shalt  }
0x75: {  	_ =	shalt  }
0x76: {  	_ =	shalt  }
0x77: {  	_ =	shalt  }
0x78: {  	_ =	shalt  }
0x79: {  	_ =	shalt  }
0x7a: {  	_ =	shalt  }
0x7b: {  	_ =	shalt  }
0x7c: {  	_ =	shalt  }
0x7d: {  	_ =	shalt  }
0x7e: {  	_ =	shalt  }
0x7f: {  	_ =	shalt  }
0x80: {  	_ =	shalt  }
0x81: {  	_ =	shalt  }
0x82: {  	_ =	shalt  }
0x83: {  	_ =	shalt  }
0x84: {  	_ =	shalt  }
0x85: {  	_ =	shalt  }
0x86: {  	_ =	shalt  }
0x87: {  	_ =	shalt  }
.Lfunc_end0:
.L_simem_size_0:
called_computation_lowered:
.L_overlay_start_0:
0x88: {  	s2 =	sld [smem:$0x3FD9]  }
0x89: {  	s3 =	sld [smem:$0x3FFE];
	_ =	sdelay $0x1  }
0x8a: {  	s1 =	srdreg.scid  }
0x8b: {  	s0 =	sand.u32 $0x1, s1  }
0x8c: {  	s17 =	sshll.u32 s0, $0xA;
	s2 =	sadd.s32 s3, s2  }
0x8d: {  	s2 =	sadd.s32 s2, s17  }
0x8e: {  	[smem:$0x3FC0] =	sst s2  }
0x8f: {  	_ = 	snop  }
0x90: {  	s2 =	sld [smem:$0x3FC9];
	(tm) =	ssettm $0x1  }
0x91: {  	s18 =	sld [smem:$0x3FFB];
	_ =	sdelay $0x3  }
0x92: {  	_ =	strace s18  }
0x93: {  	s3 =	sld [smem:$0x3FFC];
	_ =	sdelay $0x3  }
0x94: {  	_ =	strace s3  }
0x95: {  	s3 =	sld [smem:$0x3FFD];
	_ =	sdelay $0x3  }
0x96: {  	_ =	strace s3  }
0x97: {  	_ =	strace $0x8FFFFFFF  }
0x98: {  	s19 =	sld [smem:$0x3FDB];
	_ =	sdelay $0x1  }
0x99: {  	s4 =	simm.s32 $_scs_section_size  }
0x9a: {  	s5 =	simm.s32 $_size__tile_overlayer_lowered;
	s6 =	simm.s32 $_tile_overlayer_lowered  }
0x9b: {  	s22 =	simm.s32 $0x1BFF;
	s21 =	sshll.u32 s6, $0x1;
	s3 =	sadd.s32 s4, s19  }
0x9c: {  	s7 =	simm.s32 $0x0;
	s20 =	sshll.u32 s5, $0x1;
	s5 =	sadd.s32 s21, s3  }
0x9d: {  	[timem:s7], [sflag:s22] =	dma.local [hbm:s5], s20  }
0x9e: {  	_ =	swait.ge [sflag:s22], s20  }
0x9f: {  	s4 =	ssub.s32 $0x0, s20;
	[sflag:s22] =	ssyncset.done $0x0  }
0xa0: {  	[sflag:s22] =	ssyncadd.s32 s4;
	_ =	sdelay $0x1  }
0xa1: {  	s23 =	simm.s32 $0x1B8B  }
0xa2: {  	_ =	swait.ge [sflag:s23], $0x1  }
0xa3: {  	[sflag:s23] =	ssyncset.done $0x0  }
0xa4: {  	s25 =	simm.s32 $0x1B8E;
	s24 =	sld [smem:$0x3FFE];
	[sflag:s23] =	ssyncadd.s32 $0xFFFFFFFF  }
0xa5: {  	s26 =	simm.s32 $execute0_lowered;
	[smem:$0x3FD2] =	sst s25  }
0xa6: {  	s5 =	sshll.u32 s26, $0x1;
	_ =	strace $0x80000046;
	[dreg:$0x1] =	wrdreg $0xFFFFFFFF  }
0xa7: {  	s28 =	simm.s32 $_size_execute0_lowered;
	s3 =	sadd.s32 s3, s5;
	[dreg:$0x0] =	wrdreg $0x0  }
0xa8: {  	s5 =	sshll.u32 s28, $0x1;
	[dreg:$0x2] =	wrdreg s3  }
0xa9: {  	[dreg:$0x3] =	wrdreg s5  }
0xaa: {  	[dreg:$0x4] =	wrdreg $0xC0  }
0xab: {  	_ =	task [dreg:s7], $0x5FFFF  }
0xac: {  	[dreg:$0x1] =	wrdreg $0xFFFFFFFF  }
0xad: {  	[dreg:$0x0] =	wrdreg $0x60  }
0xae: {  	[dreg:$0x2] =	wrdreg s2  }
0xaf: {  	[dreg:$0x3] =	wrdreg s24  }
0xb0: {  	[dreg:$0x4] =	wrdreg $0xA8000  }
0xb1: {  	[dreg:$0x5] =	wrdreg $0x1FD000  }
0xb2: {  	[dreg:$0x6] =	wrdreg $0x9  }
0xb3: {  	_ =	task.clear_ibuf [dreg:s7], $0x7FFFF;
	_ =	strace $0x90000046  }
0xb4: {  	s29 =	simm.s32 $0x9;
	_ =	strace $0x80000048  }
0xb5: {  	_ =	swait.ge [sflag:s29], $0x1  }
0xb6: {  	[sflag:s29] =	ssyncadd.s32 $0xFFFFFFFF  }
0xb7: {  	_ =	strace $0x90000048  }
0xb8: {  	_ =	sfence  }
0xb9: {  	s30 =	sld [smem:$0x0];
	_ =	sdelay $0x2  }
0xba: {  	s31 =	sshll.u32 s1, $0xD;
	s1 =	sshrl.u32 s1, $0x2  }
0xbb: {  	s3 =	sand.u32 $0x4000, s31;
	s1 =	sadd.s32 s1, s30  }
0xbc: {  	s0 =	sor.u32 s3, s0;
	s1 =	sshll.u32 s1, $0x11  }
0xbd: {  	s0 =	sor.u32 s1, s0  }
0xbe: {  	s0 =	sadd.s32 $0x8F2B, s0  }
0xbf: {  	[sflag:s0] =	ssyncadd.remote.s32 $0x1  }
0xc0: {  	_ =	sfence.sel $0xFFFF  }
0xc1: {  	[dreg:$0x0] =	wrdreg $0xFFFFFFFF;
	(pc) =	sbr.abs _section_cstart, $3  }
0xc2: {  	[dreg:$0x1] =	wrdreg $0xFFFFFFFF  }
0xc3: {  	_ =	task.clear_ibuf [dreg:s7], $0x2FFFF;
	_ =	strace $0x9FFFFFFF  }
0xc4: {  	(tm) =	ssettm $0x7FFFFFFF  }
0xc5: {  	_ =	shalt  }
tec
execute0_lowered:
.L_overlay_start_1:
0x0: {  	(tag) =	ssettag $0x1  }
0x1: {  	s1 =	rddreg [dreg:$0x0]  }
0x2: {  	s0 =	rddreg [dreg:$0x1]  }
0x3: {  	s2 =	rddreg [dreg:$0x2]  }
0x4: {  	s3 =	rddreg [dreg:$0x3];
	s5 =	stileid.u32  }
0x5: {  	s6 =	srdreg.scid;
	s4 =	simm.s32 $0x0;
	s7 =	smul.u32 $0x13C00, s5  }
0x6: {  	s6 =	sand.u32 $0x1, s6;
	[smem:$0x7FF] =	sst s4;
	s12 =	sadd.s32 $0x2600, s0  }
0x7: {  	s13 =	sadd.s32 $0xC600, s0;
	s10 =	sadd.s32 $0x16600, s0;
	s21 =	sadd.s32 $0x16800, s0  }
0x8: {  	s11 =	smul.u32 $0x4F000, s5;
	s25 =	sshll.u32 s5, $0x6;
	p0 =	sne.s32 s5, $0x0  }
0x9: {  	s28 =	sadd.s32 $0x1400, s3;
	s29 =	sadd.s32 $0x1900, s3;
	s8 =	smul.u32 $0x13C000, s6  }
0xa: {  	s30 =	sadd.s32 $0x1E00, s3;
	_ =	strace $0x80000047;
	s20 =	smul.u32 $0x2780, s6  }
0xb: {  	[dreg:$0x5] =	wrdreg s10;
	s22 =	ssub.s32 $0x2, s6;
	s6 =	sshll.u32 s6, $0x4  }
0xc: {  	[dreg:$0x6] =	wrdreg s21;
	s9 =	sshrl.u32 s7, $0x3;
	s6 =	sor.u32 s5, s6  }
0xd: {  	s24 =	sshrl.u32 s11, $0x2;
	s7 =	sadd.s32 s7, s8;
	s19 =	sadd.s32 s9, s0  }
0xe: {  	s9 =	sshrl.u32 s20, $0x3;
	s15 =	smul.u32 $0x2800, s6;
	s7 =	sshrl.u32 s7, $0x3  }
0xf: {  	s6 =	smul.u32 $0x500, s6;
	s8 =	sadd.s32 $0x16C00, s19;
	s7 =	sadd.s32 s7, s0  }
0x10: {  	s0 =	sadd.s32 s9, s0;
	s9 =	sadd.s32 s24, s2;
	[dreg:$0x8] =	wrdreg s8  }
0x11: {  	s31 =	sadd.s32 $0x2300, s3;
	s16 =	sadd.s32 s12, s6;
	[dreg:$0x7] =	wrdreg s9  }
0x12: {  	s10 =	sadd.s32 $0x500, s3;
	s6 =	sadd.s32 s13, s6;
	[dreg:$0x9] =	wrdreg s16  }
0x13: {  	s23 =	sshrl.u32 s22, $0x1;
	[dreg:$0xa] =	wrdreg s6;
	s18 =	sadd.s32 $0x3EE00, s7  }
0x14: {  	s11 =	sadd.s32 $0xA00, s3;
	s19 =	sadd.s32 $0x3E400, s0;
	[dreg:$0xd] =	wrdreg s18  }
0x15: {  	s5 =	simm.s32 $0x4;
	s20 =	sadd.s32 $0x3E4A0, s0;
	[dreg:$0xe] =	wrdreg s19  }
0x16: {  	s14 =	ssub.s32 s22, s23;
	s21 =	sadd.s32 $0x3E540, s0;
	[dreg:$0xf] =	wrdreg s20  }
0x17: {  	s26 =	sshrl.u32 s15, $0x3;
	s22 =	sadd.s32 $0x3E5E0, s0;
	[dreg:$0x10] =	wrdreg s21  }
0x18: {  	s9 =	sor.u32 $0x1C06, s25;
	s23 =	sadd.s32 $0x3E680, s0;
	[dreg:$0x11] =	wrdreg s22  }
0x19: {  	s17 =	sadd.s32 $0x280, s26;
	s24 =	sadd.s32 $0x3E720, s0;
	[dreg:$0x12] =	wrdreg s23  }
0x1a: {  	s25 =	sadd.s32 $0x3E7C0, s0;
	s0 =	sadd.s32 $0x3E860, s0;
	[dreg:$0x13] =	wrdreg s24  }
0x1b: {  	s26 =	smax.u32 s14, $0x1;
	s7 =	simm.s32 $0x2780;
	[dreg:$0x14] =	wrdreg s25  }
0x1c: {  	s8 =	sadd.s32 s12, s17;
	s6 =	sadd.s32 s13, s17;
	[dreg:$0x15] =	wrdreg s0  }
0x1d: {  	[dreg:$0x16] =	wrdreg s26;
	s26 =	sadd.s32 $0xF00, s3;
	s0 =	simm.s32 $0x6  }
.Ltmp0:
0x1e: {  	s17 =	simm.s32 $0x1E400;
	s18 =	simm.s32 $0x1400;
	(pc) =	sbr.rel .LBB2_1-.Ltmp0, $4  }
0x1f: {  	s19 =	simm.s32 $0x80;
	s20 =	simm.s32 $0x2800;
	s21 =	simm.s32 $0x6800  }
0x20: {  	s22 =	simm.s32 $0x1;
	s23 =	simm.s32 $0x3;
	s24 =	simm.s32 $0x2  }
0x21: {  	s12 =	simm.s32 $0x1F800;
	s13 =	simm.s32 $0x0;
	[dreg:$0xb] =	wrdreg s8  }
0x22: {  	[dreg:$0xc] =	wrdreg s6;
	s6 =	simm.s32 $0x2700;
	s8 =	simm.s32 $0x5  }
.LBB2_7:
0x23: {  	s13 =	sadd.s32 $0x1, s13;
	s14 =	rddreg [dreg:$0x16]  }
0x24: {  	p1 =	sne.s32 s13, s14  }
.Ltmp1:
0x25: {  	_ = 	snop;
	(pc) =	sbr.rel @!p1 .LBB2_8-.Ltmp1, $1  }
0x26: {  	_ =	sdelay $0x3  }
.LBB2_1:
0x27: {  	s14 =	rddreg [dreg:$0x7]  }
0x28: {  	s15 =	rddreg [dreg:$0x8];
	s14 =	sshrl.u32 s14, $0x3  }
0x29: {  	[spmem:s14], [sflag:s9] =	dma.local [hbm:s15], $0x2780  }
0x2a: {  	_ =	swait.ge [sflag:s0], $0x2780  }
0x2b: {  	[sflag:s0] =	ssyncset.done $0x0  }
0x2c: {  	s16 =	rddreg [dreg:$0x6];
	[sflag:s0] =	ssyncadd.s32 $0xFFFFD880  }
0x2d: {  	[tilespmem:s17], [sflag:$0x6] =	stream.linear.gather [hbm4b:s16+s4], $0x1400, $0x38;
	[tilespmem:$0x1FF78] =	vst v63  }
0x2e: {  	_ =	swait.ge [sflag:s0], $0x1400  }
0x2f: {  	s15 =	simm.s32 @!p0 $0x0;
	[sflag:s0] =	ssyncset.done $0x0  }
0x30: {  	s16 =	simm.s32 @!p0 $0x1F800;
	s25 =	rddreg [dreg:$0x5];
	[sflag:s0] =	ssyncadd.s32 $0xFFFFEC00  }
0x31: {  	[tilespmem:s16], [sflag:$0x6] =	stream.linear.gather @!p0 [hbm4b:s25+s15], $0x500, $0x38;
	[tilespmem:$0x1FF78] =	vst v63  }
0x32: {  	s15 =	simm.s32 @!p0 $0x6  }
0x33: {  	_ =	swait.ge @!p0 [sflag:s15], $0x500  }
0x34: {  	[sflag:s15] =	ssyncset.done @!p0 $0x0  }
0x35: {  	[sflag:s15] =	ssyncadd.s32 @!p0 $0xFFFFFB00  }
0x36: {  	[spmem:s3] =	stream.linear.scatter @!p0 [tilespmem:s16], [sflag:$0x6], $0x500, $0x38;
	[tilespmem:$0x1FF78] =	vst v63  }
0x37: {  	_ =	swait.ge @!p0 [sflag:s15], $0x500  }
0x38: {  	[sflag:s15] =	ssyncset.done @!p0 $0x0  }
0x39: {  	[sflag:s15] =	ssyncadd.s32 @!p0 $0xFFFFFB00  }
0x3a: {  	[spmem:s10] =	stream.linear.scatter @!p0 [tilespmem:s16], [sflag:$0x6], $0x500, $0x38;
	[tilespmem:$0x1FF78] =	vst v63  }
0x3b: {  	_ =	swait.ge @!p0 [sflag:s15], $0x500  }
0x3c: {  	[sflag:s15] =	ssyncset.done @!p0 $0x0  }
0x3d: {  	[sflag:s15] =	ssyncadd.s32 @!p0 $0xFFFFFB00  }
0x3e: {  	[spmem:s11] =	stream.linear.scatter @!p0 [tilespmem:s16], [sflag:$0x6], $0x500, $0x38;
	[tilespmem:$0x1FF78] =	vst v63  }
0x3f: {  	_ =	swait.ge @!p0 [sflag:s15], $0x500  }
0x40: {  	[sflag:s15] =	ssyncset.done @!p0 $0x0  }
0x41: {  	[sflag:s15] =	ssyncadd.s32 @!p0 $0xFFFFFB00  }
0x42: {  	[spmem:s26] =	stream.linear.scatter @!p0 [tilespmem:s16], [sflag:$0x6], $0x500, $0x38;
	[tilespmem:$0x1FF78] =	vst v63  }
0x43: {  	_ =	swait.ge @!p0 [sflag:s15], $0x500  }
0x44: {  	[sflag:s15] =	ssyncset.done @!p0 $0x0  }
0x45: {  	[sflag:s15] =	ssyncadd.s32 @!p0 $0xFFFFFB00  }
0x46: {  	[spmem:s28] =	stream.linear.scatter @!p0 [tilespmem:s16], [sflag:$0x6], $0x500, $0x38;
	[tilespmem:$0x1FF78] =	vst v63  }
0x47: {  	_ =	swait.ge @!p0 [sflag:s15], $0x500  }
0x48: {  	[sflag:s15] =	ssyncset.done @!p0 $0x0  }
0x49: {  	[sflag:s15] =	ssyncadd.s32 @!p0 $0xFFFFFB00  }
0x4a: {  	[spmem:s29] =	stream.linear.scatter @!p0 [tilespmem:s16], [sflag:$0x6], $0x500, $0x38;
	[tilespmem:$0x1FF78] =	vst v63  }
0x4b: {  	_ =	swait.ge @!p0 [sflag:s15], $0x500  }
0x4c: {  	[sflag:s15] =	ssyncset.done @!p0 $0x0  }
0x4d: {  	[sflag:s15] =	ssyncadd.s32 @!p0 $0xFFFFFB00  }
0x4e: {  	[spmem:s30] =	stream.linear.scatter @!p0 [tilespmem:s16], [sflag:$0x6], $0x500, $0x38;
	[tilespmem:$0x1FF78] =	vst v63  }
0x4f: {  	_ =	swait.ge @!p0 [sflag:s15], $0x500  }
0x50: {  	[sflag:s15] =	ssyncset.done @!p0 $0x0  }
0x51: {  	[sflag:s15] =	ssyncadd.s32 @!p0 $0xFFFFFB00  }
0x52: {  	[spmem:s31] =	stream.linear.scatter @!p0 [tilespmem:s16], [sflag:$0x6], $0x480, $0x38;
	[tilespmem:$0x1FF78] =	vst v63  }
0x53: {  	_ =	swait.ge @!p0 [sflag:s15], $0x480  }
0x54: {  	[sflag:s15] =	ssyncset.done @!p0 $0x0  }
0x55: {  	[sflag:s15] =	ssyncadd.s32 @!p0 $0xFFFFFB80  }
0x56: {  	[bflag:$0x0] =	sbarrier.arrive $0xFFFF  }
0x57: {  	s25 =	rddreg [dreg:$0x9]  }
0x58: {  	[tilespmem:s4], [sflag:$0x6] =	stream.linear.gather [hbm4b:s25+s4], $0x1400, $0x38;
	[tilespmem:$0x1FF78] =	vst v63  }
0x59: {  	_ =	swait.ge [sflag:s0], $0x1400  }
0x5a: {  	[sflag:s0] =	ssyncset.done $0x0  }
0x5b: {  	s16 =	rddreg [dreg:$0xa];
	[sflag:s0] =	ssyncadd.s32 $0xFFFFEC00  }
0x5c: {  	[tilespmem:s18], [sflag:$0x6] =	stream.linear.gather [hbm4b:s16+s4], $0x1400, $0x38;
	[tilespmem:$0x1FF78] =	vst v63  }
0x5d: {  	_ =	swait.ge [sflag:s0], $0x1400  }
0x5e: {  	[sflag:s0] =	ssyncset.done $0x0  }
0x5f: {  	[sflag:s0] =	ssyncadd.s32 $0xFFFFEC00  }
0x60: {  	[tilespmem:s20], [sflag:$0x1] =	stream.indirect.gather [hbm4b:s1+s19], $0x80, s4, s19, $0xb8;
	[tilespmem:$0x1FF78] =	vst v63  }
0x61: {  	_ = 	snop  }
0x62: {  	[tilespmem:s21], [sflag:$0x2] =	stream.indirect.gather [hbm4b:s1+s19], $0x80, s19, s19, $0xb8;
	[tilespmem:$0x1FF78] =	vst v63  }
0x63: {  	_ =	swait.ge [sflag:s22], $0x4000  }
0x64: {  	[sflag:s22] =	ssyncset.done $0x0  }
0x65: {  	s25 =	simm.s32 $0x1400;
	[sflag:s22] =	ssyncadd.s32 $0xFFFFC000  }
0x66: {  	[spmem:s2] =	stream.indirect.scatter.add.f32 [tilespmem:s20], [sflag:$0x3], $0x80, s25, s19, $0xb8;
	[tilespmem:$0x1FF78] =	vst v63  }
0x67: {  	_ = 	snop  }
0x68: {  	[spmem:s3] =	stream.indirect.scatter.add.f32 [tilespmem:s17], [sflag:$0x5], $0x1, s25, s19, $0xb8;
	[tilespmem:$0x1FF78] =	vst v63  }
0x69: {  	_ =	swait.ge [sflag:s23], $0x4000  }
0x6a: {  	[sflag:s23] =	ssyncset.done $0x0  }
0x6b: {  	s16 =	simm.s32 $0x100;
	[sflag:s23] =	ssyncadd.s32 $0xFFFFC000  }
0x6c: {  	[tilespmem:s20], [sflag:$0x1] =	stream.indirect.gather [hbm4b:s1+s19], $0x80, s16, s19, $0xb8;
	[tilespmem:$0x1FF78] =	vst v63  }
0x6d: {  	_ =	swait.ge [sflag:s24], $0x4000  }
0x6e: {  	[sflag:s24] =	ssyncset.done $0x0  }
0x6f: {  	s25 =	simm.s32 $0x1480;
	[sflag:s24] =	ssyncadd.s32 $0xFFFFC000  }
0x70: {  	[spmem:s2] =	stream.indirect.scatter.add.f32 [tilespmem:s21], [sflag:$0x4], $0x80, s25, s19, $0xb8;
	[tilespmem:$0x1FF78] =	vst v63  }
0x71: {  	_ = 	snop  }
0x72: {  	[spmem:s3] =	stream.indirect.scatter.add.f32 [tilespmem:s17], [sflag:$0x5], $0x1, s25, s19, $0xb8;
	[tilespmem:$0x1FF78] =	vst v63  }
0x73: {  	_ =	swait.ge [sflag:s5], $0x4000  }
0x74: {  	[sflag:s5] =	ssyncset.done $0x0  }
0x75: {  	s15 =	simm.s32 $0x400;
	s16 =	simm.s32 $0x180;
	[sflag:s5] =	ssyncadd.s32 $0xFFFFC000  }
.LBB2_2:
0x76: {  	[tilespmem:s21], [sflag:$0x2] =	stream.indirect.gather [hbm4b:s1+s19], $0x80, s16, s19, $0xb8;
	[tilespmem:$0x1FF78] =	vst v63  }
0x77: {  	s16 =	smov.u32 s15  }
0x78: {  	p1 =	sne.s32 s15, $0x4800;
	s15 =	sadd.s32 $0x400, s15;
	_ =	swait.ge [sflag:s22], $0x4000  }
0x79: {  	s16 =	sshra.s32 s16, $0x2;
	[sflag:s22] =	ssyncset.done $0x0  }
0x7a: {  	s25 =	sadd.s32 $0x1400, s16;
	[sflag:s22] =	ssyncadd.s32 $0xFFFFC000  }
0x7b: {  	[spmem:s2] =	stream.indirect.scatter.add.f32 [tilespmem:s20], [sflag:$0x3], $0x80, s25, s19, $0xb8;
	[tilespmem:$0x1FF78] =	vst v63  }
0x7c: {  	_ = 	snop  }
0x7d: {  	[spmem:s3] =	stream.indirect.scatter.add.f32 [tilespmem:s17], [sflag:$0x5], $0x1, s25, s19, $0xb8;
	[tilespmem:$0x1FF78] =	vst v63  }
0x7e: {  	_ =	swait.ge [sflag:s23], $0x4000  }
0x7f: {  	[sflag:s23] =	ssyncset.done $0x0  }
0x80: {  	s25 =	sadd.s32 $0x100, s16;
	[sflag:s23] =	ssyncadd.s32 $0xFFFFC000  }
0x81: {  	[tilespmem:s20], [sflag:$0x1] =	stream.indirect.gather [hbm4b:s1+s19], $0x80, s25, s19, $0xb8;
	[tilespmem:$0x1FF78] =	vst v63  }
0x82: {  	_ =	swait.ge [sflag:s24], $0x4000  }
0x83: {  	[sflag:s24] =	ssyncset.done $0x0  }
0x84: {  	s25 =	sadd.s32 $0x1480, s16;
	[sflag:s24] =	ssyncadd.s32 $0xFFFFC000  }
0x85: {  	[spmem:s2] =	stream.indirect.scatter.add.f32 [tilespmem:s21], [sflag:$0x4], $0x80, s25, s19, $0xb8;
	[tilespmem:$0x1FF78] =	vst v63  }
.Ltmp2:
0x86: {  	(pc) =	sbr.rel @p1 .LBB2_2-.Ltmp2, $4  }
0x87: {  	[spmem:s3] =	stream.indirect.scatter.add.f32 [tilespmem:s17], [sflag:$0x5], $0x1, s25, s19, $0xb8;
	[tilespmem:$0x1FF78] =	vst v63  }
0x88: {  	_ =	swait.ge [sflag:s5], $0x4000  }
0x89: {  	[sflag:s5] =	ssyncset.done $0x0  }
0x8a: {  	s16 =	sadd.s32 $0x180, s16;
	[sflag:s5] =	ssyncadd.s32 $0xFFFFC000  }
0x8b: {  	[tilespmem:s21], [sflag:$0x2] =	stream.indirect.gather [hbm4b:s1+s19], $0x80, s16, s19, $0xb8;
	[tilespmem:$0x1FF78] =	vst v63  }
0x8c: {  	_ =	swait.ge [sflag:s22], $0x4000  }
0x8d: {  	[sflag:s22] =	ssyncset.done $0x0  }
0x8e: {  	[sflag:s22] =	ssyncadd.s32 $0xFFFFC000  }
0x8f: {  	[spmem:s2] =	stream.indirect.scatter.add.f32 [tilespmem:s20], [sflag:$0x3], $0x80, s6, s19, $0xb8;
	[tilespmem:$0x1FF78] =	vst v63  }
0x90: {  	_ = 	snop  }
0x91: {  	[spmem:s3] =	stream.indirect.scatter.add.f32 [tilespmem:s17], [sflag:$0x5], $0x1, s6, s19, $0xb8;
	[tilespmem:$0x1FF78] =	vst v63  }
0x92: {  	_ =	swait.ge [sflag:s24], $0x4000  }
0x93: {  	[sflag:s24] =	ssyncset.done $0x0  }
0x94: {  	[sflag:s24] =	ssyncadd.s32 $0xFFFFC000  }
0x95: {  	[spmem:s2] =	stream.indirect.scatter.add.f32 [tilespmem:s21], [sflag:$0x4], $0x80, s7, s19, $0xb8;
	[tilespmem:$0x1FF78] =	vst v63  }
0x96: {  	_ = 	snop  }
0x97: {  	[spmem:s3] =	stream.indirect.scatter.add.f32 [tilespmem:s17], [sflag:$0x5], $0x1, s7, s19, $0xb8;
	[tilespmem:$0x1FF78] =	vst v63  }
0x98: {  	_ =	swait.ge [sflag:s23], $0x4000  }
0x99: {  	[sflag:s23] =	ssyncset.done $0x0  }
0x9a: {  	[sflag:s23] =	ssyncadd.s32 $0xFFFFC000  }
0x9b: {  	_ =	swait.ge [sflag:s5], $0x4000  }
0x9c: {  	[sflag:s5] =	ssyncset.done $0x0  }
0x9d: {  	[sflag:s5] =	ssyncadd.s32 $0xFFFFC000  }
0x9e: {  	_ =	swait.ge [sflag:s8], $0x500  }
0x9f: {  	[sflag:s8] =	ssyncset.done $0x0  }
0xa0: {  	[sflag:s8] =	ssyncadd.s32 $0xFFFFFB00  }
0xa1: {  	_ =	swait.ge [sflag:s8], $0x500  }
0xa2: {  	[sflag:s8] =	ssyncset.done $0x0  }
0xa3: {  	[sflag:s8] =	ssyncadd.s32 $0xFFFFFB00  }
0xa4: {  	_ =	swait.ge [sflag:s8], $0x500  }
0xa5: {  	[sflag:s8] =	ssyncset.done $0x0  }
0xa6: {  	[sflag:s8] =	ssyncadd.s32 $0xFFFFFB00  }
0xa7: {  	_ =	swait.ge [sflag:s8], $0x500  }
0xa8: {  	[sflag:s8] =	ssyncset.done $0x0  }
0xa9: {  	s15 =	simm.s32 $0x0;
	s25 =	rddreg [dreg:$0xb];
	[sflag:s8] =	ssyncadd.s32 $0xFFFFFB00  }
0xaa: {  	[tilespmem:s15], [sflag:$0x6] =	stream.linear.gather [hbm4b:s25+s15], $0x1400, $0x38;
	[tilespmem:$0x1FF78] =	vst v63  }
0xab: {  	_ =	swait.ge [sflag:s0], $0x1400  }
0xac: {  	[sflag:s0] =	ssyncset.done $0x0  }
0xad: {  	s25 =	rddreg [dreg:$0xc];
	[sflag:s0] =	ssyncadd.s32 $0xFFFFEC00  }
0xae: {  	[tilespmem:s18], [sflag:$0x6] =	stream.linear.gather [hbm4b:s25+s15], $0x1400, $0x38;
	[tilespmem:$0x1FF78] =	vst v63  }
0xaf: {  	_ =	swait.ge [sflag:s0], $0x1400  }
0xb0: {  	[sflag:s0] =	ssyncset.done $0x0  }
0xb1: {  	[sflag:s0] =	ssyncadd.s32 $0xFFFFEC00  }
0xb2: {  	[tilespmem:s20], [sflag:$0x1] =	stream.indirect.gather [hbm4b:s1+s19], $0x80, s15, s19, $0xb8;
	[tilespmem:$0x1FF78] =	vst v63  }
0xb3: {  	_ = 	snop  }
0xb4: {  	[tilespmem:s21], [sflag:$0x2] =	stream.indirect.gather [hbm4b:s1+s19], $0x80, s19, s19, $0xb8;
	[tilespmem:$0x1FF78] =	vst v63  }
0xb5: {  	_ =	swait.ge [sflag:s22], $0x4000  }
0xb6: {  	[sflag:s22] =	ssyncset.done $0x0  }
0xb7: {  	s25 =	simm.s32 $0x1400;
	[sflag:s22] =	ssyncadd.s32 $0xFFFFC000  }
0xb8: {  	[spmem:s2] =	stream.indirect.scatter.add.f32 [tilespmem:s20], [sflag:$0x3], $0x80, s25, s19, $0xb8;
	[tilespmem:$0x1FF78] =	vst v63  }
0xb9: {  	_ = 	snop  }
0xba: {  	[spmem:s3] =	stream.indirect.scatter.add.f32 [tilespmem:s17], [sflag:$0x5], $0x1, s25, s19, $0xb8;
	[tilespmem:$0x1FF78] =	vst v63  }
0xbb: {  	_ =	swait.ge [sflag:s23], $0x4000  }
0xbc: {  	[sflag:s23] =	ssyncset.done $0x0  }
0xbd: {  	s16 =	simm.s32 $0x100;
	[sflag:s23] =	ssyncadd.s32 $0xFFFFC000  }
0xbe: {  	[tilespmem:s20], [sflag:$0x1] =	stream.indirect.gather [hbm4b:s1+s19], $0x80, s16, s19, $0xb8;
	[tilespmem:$0x1FF78] =	vst v63  }
0xbf: {  	_ =	swait.ge [sflag:s24], $0x4000  }
0xc0: {  	[sflag:s24] =	ssyncset.done $0x0  }
0xc1: {  	s25 =	simm.s32 $0x1480;
	[sflag:s24] =	ssyncadd.s32 $0xFFFFC000  }
0xc2: {  	[spmem:s2] =	stream.indirect.scatter.add.f32 [tilespmem:s21], [sflag:$0x4], $0x80, s25, s19, $0xb8;
	[tilespmem:$0x1FF78] =	vst v63  }
0xc3: {  	_ = 	snop  }
0xc4: {  	[spmem:s3] =	stream.indirect.scatter.add.f32 [tilespmem:s17], [sflag:$0x5], $0x1, s25, s19, $0xb8;
	[tilespmem:$0x1FF78] =	vst v63  }
0xc5: {  	_ =	swait.ge [sflag:s5], $0x4000  }
0xc6: {  	[sflag:s5] =	ssyncset.done $0x0  }
0xc7: {  	s15 =	simm.s32 $0x400;
	s16 =	simm.s32 $0x180;
	[sflag:s5] =	ssyncadd.s32 $0xFFFFC000  }
.LBB2_4:
0xc8: {  	[tilespmem:s21], [sflag:$0x2] =	stream.indirect.gather [hbm4b:s1+s19], $0x80, s16, s19, $0xb8;
	[tilespmem:$0x1FF78] =	vst v63  }
0xc9: {  	s16 =	smov.u32 s15  }
0xca: {  	p1 =	sne.s32 s15, $0x4800;
	s15 =	sadd.s32 $0x400, s15;
	_ =	swait.ge [sflag:s22], $0x4000  }
0xcb: {  	s16 =	sshra.s32 s16, $0x2;
	[sflag:s22] =	ssyncset.done $0x0  }
0xcc: {  	s25 =	sadd.s32 $0x1400, s16;
	[sflag:s22] =	ssyncadd.s32 $0xFFFFC000  }
0xcd: {  	[spmem:s2] =	stream.indirect.scatter.add.f32 [tilespmem:s20], [sflag:$0x3], $0x80, s25, s19, $0xb8;
	[tilespmem:$0x1FF78] =	vst v63  }
0xce: {  	_ = 	snop  }
0xcf: {  	[spmem:s3] =	stream.indirect.scatter.add.f32 [tilespmem:s17], [sflag:$0x5], $0x1, s25, s19, $0xb8;
	[tilespmem:$0x1FF78] =	vst v63  }
0xd0: {  	_ =	swait.ge [sflag:s23], $0x4000  }
0xd1: {  	[sflag:s23] =	ssyncset.done $0x0  }
0xd2: {  	s25 =	sadd.s32 $0x100, s16;
	[sflag:s23] =	ssyncadd.s32 $0xFFFFC000  }
0xd3: {  	[tilespmem:s20], [sflag:$0x1] =	stream.indirect.gather [hbm4b:s1+s19], $0x80, s25, s19, $0xb8;
	[tilespmem:$0x1FF78] =	vst v63  }
0xd4: {  	_ =	swait.ge [sflag:s24], $0x4000  }
0xd5: {  	[sflag:s24] =	ssyncset.done $0x0  }
0xd6: {  	s25 =	sadd.s32 $0x1480, s16;
	[sflag:s24] =	ssyncadd.s32 $0xFFFFC000  }
0xd7: {  	[spmem:s2] =	stream.indirect.scatter.add.f32 [tilespmem:s21], [sflag:$0x4], $0x80, s25, s19, $0xb8;
	[tilespmem:$0x1FF78] =	vst v63  }
.Ltmp3:
0xd8: {  	(pc) =	sbr.rel @p1 .LBB2_4-.Ltmp3, $4  }
0xd9: {  	[spmem:s3] =	stream.indirect.scatter.add.f32 [tilespmem:s17], [sflag:$0x5], $0x1, s25, s19, $0xb8;
	[tilespmem:$0x1FF78] =	vst v63  }
0xda: {  	_ =	swait.ge [sflag:s5], $0x4000  }
0xdb: {  	[sflag:s5] =	ssyncset.done $0x0  }
0xdc: {  	s16 =	sadd.s32 $0x180, s16;
	[sflag:s5] =	ssyncadd.s32 $0xFFFFC000  }
0xdd: {  	[tilespmem:s21], [sflag:$0x2] =	stream.indirect.gather [hbm4b:s1+s19], $0x80, s16, s19, $0xb8;
	[tilespmem:$0x1FF78] =	vst v63  }
0xde: {  	_ =	swait.ge [sflag:s22], $0x4000  }
0xdf: {  	[sflag:s22] =	ssyncset.done $0x0  }
0xe0: {  	[sflag:s22] =	ssyncadd.s32 $0xFFFFC000  }
0xe1: {  	[spmem:s2] =	stream.indirect.scatter.add.f32 [tilespmem:s20], [sflag:$0x3], $0x80, s6, s19, $0xb8;
	[tilespmem:$0x1FF78] =	vst v63  }
0xe2: {  	_ = 	snop  }
0xe3: {  	[spmem:s3] =	stream.indirect.scatter.add.f32 [tilespmem:s17], [sflag:$0x5], $0x1, s6, s19, $0xb8;
	[tilespmem:$0x1FF78] =	vst v63  }
0xe4: {  	_ =	swait.ge [sflag:s24], $0x4000  }
0xe5: {  	[sflag:s24] =	ssyncset.done $0x0  }
0xe6: {  	[sflag:s24] =	ssyncadd.s32 $0xFFFFC000  }
0xe7: {  	[spmem:s2] =	stream.indirect.scatter.add.f32 [tilespmem:s21], [sflag:$0x4], $0x80, s7, s19, $0xb8;
	[tilespmem:$0x1FF78] =	vst v63  }
0xe8: {  	_ = 	snop  }
0xe9: {  	[spmem:s3] =	stream.indirect.scatter.add.f32 [tilespmem:s17], [sflag:$0x5], $0x1, s7, s19, $0xb8;
	[tilespmem:$0x1FF78] =	vst v63  }
0xea: {  	_ =	swait.ge [sflag:s23], $0x4000  }
0xeb: {  	[sflag:s23] =	ssyncset.done $0x0  }
0xec: {  	[sflag:s23] =	ssyncadd.s32 $0xFFFFC000  }
0xed: {  	_ =	swait.ge [sflag:s5], $0x4000  }
0xee: {  	[sflag:s5] =	ssyncset.done $0x0  }
0xef: {  	[sflag:s5] =	ssyncadd.s32 $0xFFFFC000  }
0xf0: {  	_ =	swait.ge [sflag:s8], $0x500  }
0xf1: {  	[sflag:s8] =	ssyncset.done $0x0  }
0xf2: {  	[sflag:s8] =	ssyncadd.s32 $0xFFFFFB00  }
0xf3: {  	_ =	swait.ge [sflag:s8], $0x500  }
0xf4: {  	[sflag:s8] =	ssyncset.done $0x0  }
0xf5: {  	[sflag:s8] =	ssyncadd.s32 $0xFFFFFB00  }
0xf6: {  	_ =	swait.ge [sflag:s8], $0x500  }
0xf7: {  	[sflag:s8] =	ssyncset.done $0x0  }
0xf8: {  	[sflag:s8] =	ssyncadd.s32 $0xFFFFFB00  }
0xf9: {  	_ =	swait.ge [sflag:s8], $0x500  }
0xfa: {  	[sflag:s8] =	ssyncset.done $0x0  }
0xfb: {  	[sflag:s8] =	ssyncadd.s32 $0xFFFFFB00  }
0xfc: {  	[bflag:$0x0] =	sbarrier.arrive $0xFFFF  }
.Ltmp4:
0xfd: {  	s15 =	rddreg [dreg:$0xd];
	(pc) =	sbr.rel @p0 .LBB2_7-.Ltmp4, $4  }
0xfe: {  	[hbm:s15], [sflag:s9] =	dma.local [spmem:s14], $0x2780  }
0xff: {  	_ =	swait.ge [sflag:s0], $0x2780  }
0x100: {  	[sflag:s0] =	ssyncset.done $0x0  }
0x101: {  	[sflag:s0] =	ssyncadd.s32 $0xFFFFD880  }
0x102: {  	[tilespmem:s12], [sflag:$0x6] =	stream.linear.gather [spmem:s3], $0x500, $0x38;
	[tilespmem:$0x1FF78] =	vst v63  }
0x103: {  	_ =	swait.ge [sflag:s0], $0x500  }
0x104: {  	[sflag:s0] =	ssyncset.done $0x0  }
0x105: {  	s14 =	rddreg [dreg:$0xe];
	[sflag:s0] =	ssyncadd.s32 $0xFFFFFB00  }
0x106: {  	[hbm4b:s14+s4] =	stream.linear.scatter [tilespmem:s12], [sflag:$0x6], $0x500, $0x38;
	[tilespmem:$0x1FF78] =	vst v63  }
0x107: {  	_ =	swait.ge [sflag:s0], $0x500  }
0x108: {  	[sflag:s0] =	ssyncset.done $0x0  }
0x109: {  	[sflag:s0] =	ssyncadd.s32 $0xFFFFFB00  }
0x10a: {  	[tilespmem:s12], [sflag:$0x6] =	stream.linear.gather [spmem:s10], $0x500, $0x38;
	[tilespmem:$0x1FF78] =	vst v63  }
0x10b: {  	_ =	swait.ge [sflag:s0], $0x500  }
0x10c: {  	[sflag:s0] =	ssyncset.done $0x0  }
0x10d: {  	s25 =	rddreg [dreg:$0xf];
	[sflag:s0] =	ssyncadd.s32 $0xFFFFFB00  }
0x10e: {  	[hbm4b:s25+s4] =	stream.linear.scatter [tilespmem:s12], [sflag:$0x6], $0x500, $0x38;
	[tilespmem:$0x1FF78] =	vst v63  }
0x10f: {  	_ =	swait.ge [sflag:s0], $0x500  }
0x110: {  	[sflag:s0] =	ssyncset.done $0x0  }
0x111: {  	[sflag:s0] =	ssyncadd.s32 $0xFFFFFB00  }
0x112: {  	[tilespmem:s12], [sflag:$0x6] =	stream.linear.gather [spmem:s11], $0x500, $0x38;
	[tilespmem:$0x1FF78] =	vst v63  }
0x113: {  	_ =	swait.ge [sflag:s0], $0x500  }
0x114: {  	[sflag:s0] =	ssyncset.done $0x0  }
0x115: {  	s15 =	rddreg [dreg:$0x10];
	[sflag:s0] =	ssyncadd.s32 $0xFFFFFB00  }
0x116: {  	[hbm4b:s15+s4] =	stream.linear.scatter [tilespmem:s12], [sflag:$0x6], $0x500, $0x38;
	[tilespmem:$0x1FF78] =	vst v63  }
0x117: {  	_ =	swait.ge [sflag:s0], $0x500  }
0x118: {  	[sflag:s0] =	ssyncset.done $0x0  }
0x119: {  	[sflag:s0] =	ssyncadd.s32 $0xFFFFFB00  }
0x11a: {  	[tilespmem:s12], [sflag:$0x6] =	stream.linear.gather [spmem:s26], $0x500, $0x38;
	[tilespmem:$0x1FF78] =	vst v63  }
0x11b: {  	_ =	swait.ge [sflag:s0], $0x500  }
0x11c: {  	[sflag:s0] =	ssyncset.done $0x0  }
0x11d: {  	s16 =	rddreg [dreg:$0x11];
	[sflag:s0] =	ssyncadd.s32 $0xFFFFFB00  }
0x11e: {  	[hbm4b:s16+s4] =	stream.linear.scatter [tilespmem:s12], [sflag:$0x6], $0x500, $0x38;
	[tilespmem:$0x1FF78] =	vst v63  }
0x11f: {  	_ =	swait.ge [sflag:s0], $0x500  }
0x120: {  	[sflag:s0] =	ssyncset.done $0x0  }
0x121: {  	[sflag:s0] =	ssyncadd.s32 $0xFFFFFB00  }
0x122: {  	[tilespmem:s12], [sflag:$0x6] =	stream.linear.gather [spmem:s28], $0x500, $0x38;
	[tilespmem:$0x1FF78] =	vst v63  }
0x123: {  	_ =	swait.ge [sflag:s0], $0x500  }
0x124: {  	[sflag:s0] =	ssyncset.done $0x0  }
0x125: {  	s25 =	rddreg [dreg:$0x12];
	[sflag:s0] =	ssyncadd.s32 $0xFFFFFB00  }
0x126: {  	[hbm4b:s25+s4] =	stream.linear.scatter [tilespmem:s12], [sflag:$0x6], $0x500, $0x38;
	[tilespmem:$0x1FF78] =	vst v63  }
0x127: {  	_ =	swait.ge [sflag:s0], $0x500  }
0x128: {  	[sflag:s0] =	ssyncset.done $0x0  }
0x129: {  	[sflag:s0] =	ssyncadd.s32 $0xFFFFFB00  }
0x12a: {  	[tilespmem:s12], [sflag:$0x6] =	stream.linear.gather [spmem:s29], $0x500, $0x38;
	[tilespmem:$0x1FF78] =	vst v63  }
0x12b: {  	_ =	swait.ge [sflag:s0], $0x500  }
0x12c: {  	[sflag:s0] =	ssyncset.done $0x0  }
0x12d: {  	s15 =	rddreg [dreg:$0x13];
	[sflag:s0] =	ssyncadd.s32 $0xFFFFFB00  }
0x12e: {  	[hbm4b:s15+s4] =	stream.linear.scatter [tilespmem:s12], [sflag:$0x6], $0x500, $0x38;
	[tilespmem:$0x1FF78] =	vst v63  }
0x12f: {  	_ =	swait.ge [sflag:s0], $0x500  }
0x130: {  	[sflag:s0] =	ssyncset.done $0x0  }
0x131: {  	[sflag:s0] =	ssyncadd.s32 $0xFFFFFB00  }
0x132: {  	[tilespmem:s12], [sflag:$0x6] =	stream.linear.gather [spmem:s30], $0x500, $0x38;
	[tilespmem:$0x1FF78] =	vst v63  }
0x133: {  	_ =	swait.ge [sflag:s0], $0x500  }
0x134: {  	[sflag:s0] =	ssyncset.done $0x0  }
0x135: {  	s16 =	rddreg [dreg:$0x14];
	[sflag:s0] =	ssyncadd.s32 $0xFFFFFB00  }
0x136: {  	[hbm4b:s16+s4] =	stream.linear.scatter [tilespmem:s12], [sflag:$0x6], $0x500, $0x38;
	[tilespmem:$0x1FF78] =	vst v63  }
0x137: {  	_ =	swait.ge [sflag:s0], $0x500  }
0x138: {  	[sflag:s0] =	ssyncset.done $0x0  }
0x139: {  	[sflag:s0] =	ssyncadd.s32 $0xFFFFFB00  }
0x13a: {  	[tilespmem:s12], [sflag:$0x6] =	stream.linear.gather [spmem:s31], $0x480, $0x38;
	[tilespmem:$0x1FF78] =	vst v63  }
0x13b: {  	_ =	swait.ge [sflag:s0], $0x480  }
0x13c: {  	[sflag:s0] =	ssyncset.done $0x0  }
.Ltmp5:
0x13d: {  	s25 =	rddreg [dreg:$0x15];
	[sflag:s0] =	ssyncadd.s32 $0xFFFFFB80;
	(pc) =	sbr.rel .LBB2_7-.Ltmp5, $4  }
0x13e: {  	[hbm4b:s25+s4] =	stream.linear.scatter [tilespmem:s12], [sflag:$0x6], $0x480, $0x38;
	[tilespmem:$0x1FF78] =	vst v63  }
0x13f: {  	_ =	swait.ge [sflag:s0], $0x480  }
0x140: {  	[sflag:s0] =	ssyncset.done $0x0  }
0x141: {  	[sflag:s0] =	ssyncadd.s32 $0xFFFFFB80  }
.LBB2_8:
0x142: {  	_ =	sfence.sel $0x180000  }
0x143: {  	[bflag:$0x0] =	sbarrier.arrive $0xFFFF  }
0x144: {  	_ =	strace $0x90000047  }
0x145: {  	[bflag:$0x2] =	sbarrier.arrive $0xFFFF  }
0x146: {  	s0 =	rddreg [dreg:$0x4]  }
0x147: {  	s0 =	sadd.s32 @!p0 $0x100000, s0  }
0x148: {  	[sflag:s0] =	ssyncadd.tile.s32 @!p0 $0x1;
	_ =	shalt  }
.Lfunc_end2:
_tile_overlayer_lowered:
.L_overlay_start_2:
0x149: {  	(tag) =	ssettag $0x2  }
0x14a: {  	s0 =	rddreg [dreg:$0x0];
	s2 =	stileid.u32  }
0x14b: {  	s1 =	rddreg [dreg:$0x1];
	p0 =	sne.s32 s2, $0x0  }
0x14c: {  	s3 =	rddreg [dreg:$0x2];
	[bflag:$0x3] =	sbarrier.arrive $0xFFFF;
	s2 =	simm.s32 @!p0 $0x1C06  }
0x14d: {  	[timem:s3], [sflag:s2] =	dma.local @!p0 [hbm:s0], s1  }
0x14e: {  	s0 =	simm.s32 @!p0 $0x6  }
0x14f: {  	_ =	swait.ge @!p0 [sflag:s0], s1  }
0x150: {  	s1 =	ssub.s32 @!p0 $0x0, s1;
	[sflag:s0] =	ssyncset.done @!p0 $0x0  }
0x151: {  	[sflag:s0] =	ssyncadd.s32 @!p0 s1  }
0x152: {  	[bflag:$0x3] =	sbarrier.arrive $0xFFFF  }
0x153: {  	_ =	shalt  }

</sc_bundles>
